<compile_context>
chip_gen: v7x
topology: tpu7x:2x2x1
jax: 0.10.2.dev20260603
libtpu: 0.0.44.dev20260713+nightly
codegen_flags: <defaults>
</compile_context>

<pallas_src>
import jax
import jax.numpy as jnp
from jax import lax
from jax.experimental import pallas as pl
from jax.experimental.pallas import tpu as pltpu
from jax.experimental.pallas import tpu_sc as plsc

H_BLOCKS = 4
W_BLOCKS = 4
CAPACITY = 16384
DIM = 128
N = 16384
NUM_BANKS = H_BLOCKS * W_BLOCKS
ROWS = NUM_BANKS * CAPACITY

NC = 2
NS = 16
NW = NC * NS
CHUNK = N // NW
VPC = CHUNK // 16

BLK = 8192
GRID = ROWS // BLK
TILE = 512
NT = BLK // TILE
PAD = BLK
SROWS = N + PAD


def _sc_hist_body(biT_hbm, bid_hbm, hist_hbm, iv_v, jv_v, bid_v, hist_v):
    cid = lax.axis_index("c")
    sid = lax.axis_index("s")
    lanes = lax.iota(jnp.int32, 16)
    w = sid * 2 + cid

    pltpu.sync_copy(biT_hbm.at[0, pl.ds(w * CHUNK, CHUNK)], iv_v)
    pltpu.sync_copy(biT_hbm.at[1, pl.ds(w * CHUNK, CHUNK)], jv_v)

    def body(v, hv):
        s = pl.ds(v * 16, 16)
        bid = iv_v[s] * W_BLOCKS + jv_v[s]
        bid_v[s] = bid
        for b in range(NUM_BANKS):
            p = plsc.all_reduce_population_count(bid == b)
            hv = jnp.where(lanes == b, hv + p, hv)
        return hv

    hist_v[...] = lax.fori_loop(0, VPC, body, jnp.zeros(16, jnp.int32))
    pltpu.sync_copy(bid_v, bid_hbm.at[pl.ds(w * CHUNK, CHUNK)])
    pltpu.sync_copy(hist_v, hist_hbm.at[w])


_sc_hist = pl.kernel(
    _sc_hist_body,
    out_type=(jax.ShapeDtypeStruct((N,), jnp.int32),
              jax.ShapeDtypeStruct((NW, NUM_BANKS), jnp.int32)),
    mesh=plsc.VectorSubcoreMesh(
        core_axis_name="c", subcore_axis_name="s",
        num_cores=NC, num_subcores=NS),
    compiler_params=pltpu.CompilerParams(needs_layout_passes=False),
    scratch_types=[
        pltpu.VMEM((CHUNK,), jnp.int32),
        pltpu.VMEM((CHUNK,), jnp.int32),
        pltpu.VMEM((CHUNK,), jnp.int32),
        pltpu.VMEM((NUM_BANKS,), jnp.int32),
    ],
)


def _sc_scatter_body(feat_hbm, bid_hbm, hist_hbm, sorted_hbm, cnt_hbm,
                     bid_v, hist_a, cnt_v, dest_v,
                     idx0, idx1, idx2, idx3, feat_v, sem_f, sem_s):
    cid = lax.axis_index("c")
    sid = lax.axis_index("s")
    w = sid * 2 + cid

    fcopy = pltpu.async_copy(
        feat_hbm.at[pl.ds(w * CHUNK, CHUNK), :], feat_v, sem_f)
    pltpu.sync_copy(bid_hbm.at[pl.ds(w * CHUNK, CHUNK)], bid_v)
    pltpu.sync_copy(hist_hbm, hist_a)

    def tot_body(wp, acc):
        return acc + hist_a[wp, :]
    tot = lax.fori_loop(0, NW, tot_body, jnp.zeros(16, jnp.int32))
    goff = plsc.cumsum(tot) - tot
    base = lax.fori_loop(0, w, tot_body, jnp.zeros(16, jnp.int32))

    @pl.when(jnp.logical_and(cid == 0, sid == 0))
    def _():
        cnt_v[0, :] = tot
        cnt_v[1, :] = goff
        pltpu.sync_copy(cnt_v, cnt_hbm)

    for b in range(NUM_BANKS):
        dbase = goff[b] + base[b] - 1
        def body(v, run, b=b, dbase=dbase):
            s = pl.ds(v * 16, 16)
            bid = bid_v[s]
            m = bid == b
            mi = m.astype(jnp.int32)
            c = plsc.cumsum(mi)
            dest_v[s] = jnp.where(m, dbase + run + c, dest_v[s])
            return run + jnp.sum(mi)
        lax.fori_loop(0, VPC, body, jnp.int32(0))

    for j, idxr in enumerate((idx0, idx1, idx2, idx3)):
        for k in range(8):
            d = dest_v[pl.ds((j * 8 + k) * 16, 16)]
            idxr[pl.ds(k * 16, 16)] = jnp.clip(d, 0, SROWS - 1)

    fcopy.wait()
    copies = [
        pltpu.async_copy(
            feat_v.at[pl.ds(j * 128, 128), :], sorted_hbm.at[idxr], sem_s)
        for j, idxr in enumerate((idx0, idx1, idx2, idx3))
    ]
    for c in copies:
        c.wait()


_sc_scatter = pl.kernel(
    _sc_scatter_body,
    out_type=(jax.ShapeDtypeStruct((SROWS, DIM), jnp.float32),
              jax.ShapeDtypeStruct((2, NUM_BANKS), jnp.int32)),
    mesh=plsc.VectorSubcoreMesh(
        core_axis_name="c", subcore_axis_name="s",
        num_cores=NC, num_subcores=NS),
    compiler_params=pltpu.CompilerParams(needs_layout_passes=False),
    scratch_types=[
        pltpu.VMEM((CHUNK,), jnp.int32),
        pltpu.VMEM((NW, NUM_BANKS), jnp.int32),
        pltpu.VMEM((2, NUM_BANKS), jnp.int32),
        pltpu.VMEM((CHUNK,), jnp.int32),
        pltpu.VMEM((128,), jnp.int32),
        pltpu.VMEM((128,), jnp.int32),
        pltpu.VMEM((128,), jnp.int32),
        pltpu.VMEM((128,), jnp.int32),
        pltpu.VMEM((CHUNK, DIM), jnp.float32),
        pltpu.SemaphoreType.DMA,
        pltpu.SemaphoreType.DMA,
    ],
)


def _tc_merge_body(q_ref, sorted_ref, cnt_ref, out_ref, patch_v, sem):
    g = pl.program_id(0)
    b = g // (CAPACITY // BLK)
    s0 = (g % (CAPACITY // BLK)) * BLK
    cnt = cnt_ref[0, b]
    off = cnt_ref[1, b]
    n_patch = jnp.clip(cnt - s0, 0, BLK)

    def _tile_copy(t):
        return pltpu.make_async_copy(
            sorted_ref.at[pl.ds(off + s0 + t * TILE, TILE), :],
            patch_v.at[pl.ds(t * TILE, TILE), :], sem)

    for t in range(NT):
        @pl.when(t * TILE < n_patch)
        def _(t=t):
            _tile_copy(t).start()
    for t in range(NT):
        @pl.when(t * TILE < n_patch)
        def _(t=t):
            _tile_copy(t).wait()

    rows = lax.broadcasted_iota(jnp.int32, (BLK, DIM), 0)
    out_ref[...] = jnp.where(rows < n_patch, patch_v[...], q_ref[...])


def _tc_merge(qflat, sorted_feats, cnts):
    return pl.pallas_call(
        _tc_merge_body,
        grid=(GRID,),
        in_specs=[
            pl.BlockSpec((BLK, DIM), lambda i: (i, 0)),
            pl.BlockSpec(memory_space=pl.ANY),
            pl.BlockSpec(memory_space=pltpu.SMEM),
        ],
        out_specs=pl.BlockSpec((BLK, DIM), lambda i: (i, 0)),
        out_shape=jax.ShapeDtypeStruct((ROWS, DIM), jnp.float32),
        scratch_shapes=[
            pltpu.VMEM((BLK, DIM), jnp.float32),
            pltpu.SemaphoreType.DMA,
        ],
    )(qflat, sorted_feats, cnts)


def kernel(features, block_indices, queues):
    qflat = queues.reshape(ROWS, DIM)
    biT = block_indices.T
    bid, hist = _sc_hist(biT)
    sorted_feats, cnts = _sc_scatter(features, bid, hist)
    return _tc_merge(qflat, sorted_feats, cnts).reshape(
        NUM_BANKS, CAPACITY, DIM)

# --- scband reference (transcript-rebuilt; emitter-appended) ---
"""Pipeline reference for scband-block-memory-bank-61993557950900 (READ-ONLY COPY).

The authoritative reference and input builder live on the scoring server;
editing this copy changes nothing except your own understanding.
"""

import jax, jax.numpy as jnp
import numpy as np

H_BLOCKS = 4
W_BLOCKS = 4
CAPACITY = 16384
DIM = 128
N = 16384
NUM_BANKS = H_BLOCKS * W_BLOCKS


def setup_inputs(seed: int = 0) -> dict:
    key = jax.random.key(seed)
    k1, k2, k3 = jax.random.split(key, 3)
    features = jax.random.normal(k1, (N, DIM), dtype=jnp.float32)
    block_indices = jax.random.randint(k2, (N, 2), 0, H_BLOCKS, dtype=jnp.int32)
    # MemoryBank init: queue = F.normalize(randn(capacity, dim), dim=1), one per bank
    queues = jax.random.normal(k3, (NUM_BANKS, CAPACITY, DIM), dtype=jnp.float32)
    queues = queues / jnp.linalg.norm(queues, axis=-1, keepdims=True)
    return {"features": features, "block_indices": block_indices, "queues": queues}


def reference(features, block_indices, queues):
    # BlockMemoryBank.push: group features by (i, j) block, preserving order within
    # each group, then ring-buffer write into that bank's queue starting at ptr=0.
    bid = block_indices[:, 0] * W_BLOCKS + block_indices[:, 1]  # [N] flat bank id
    # order-preserving rank of each element within its bank:
    # rank[n] = #{m < n : bid[m] == bid[n]}
    onehot = jax.nn.one_hot(bid, NUM_BANKS, dtype=jnp.int32)  # [N, B]
    prior_counts = jnp.cumsum(onehot, axis=0) - onehot  # [N, B]
    rank = jnp.take_along_axis(prior_counts, bid[:, None], axis=1)[:, 0]  # [N]
    # ring-buffer slot with ptr=0 (all banks start at ptr=0; per-bank count <= capacity here)
    slot = rank % CAPACITY
    # scatter-overwrite into the per-bank queues (SparseCore scatter-set pattern)
    new_queues = queues.at[bid, slot].set(features)
    # pull_all(): full bank state after the push, stacked [NUM_BANKS, CAPACITY, DIM]
    return new_queues

if __name__ == "__main__":
    import jax
    _d = setup_inputs()
    print(jax.jit(kernel)(*tuple(_d.values())))

</pallas_src>

<mosaic_0001>
#map = affine_map<(d0, d1) -> (0, 0)>
#map1 = affine_map<(d0, d1) -> (0)>
module attributes {stable_mosaic.version = 14 : i64} {
  func.func @_sc_hist_body(%arg0: i32, %arg1: i32, %arg2: memref<2x16384xi32, #tpu.memory_space<hbm>>, %arg3: memref<16384xi32, #tpu.memory_space<hbm>>, %arg4: memref<32x16xi32, #tpu.memory_space<hbm>>, %arg5: memref<512xi32, #tpu.memory_space<vmem>>, %arg6: memref<512xi32, #tpu.memory_space<vmem>>, %arg7: memref<512xi32, #tpu.memory_space<vmem>>, %arg8: memref<16xi32, #tpu.memory_space<vmem>>) attributes {dimension_semantics = [#tpu.dimension_semantics<core_parallel>, #tpu.dimension_semantics<subcore_parallel>], iteration_bounds = array<i64: 2, 16>, scalar_prefetch = 0 : i64, scratch_operands = 4 : i64, tpu.core_type = #tpu.core_type<sc_vector_subcore>, window_params = [{transform_indices = #map}, {transform_indices = #map1}, {transform_indices = #map}]} {
    %iota3A = tpu.iota {dimensions = array<i32: 0>} : vector<16xi32>
    %mul3A = arith.constant 2 : i32
    %mul3A_0 = arith.muli %arg1, %mul3A : i32
    %add3A = arith.addi %mul3A_0, %arg0 : i32
    %mul3A_1 = arith.constant 512 : i32
    %mul3A_2 = arith.muli %add3A, %mul3A_1 : i32
    %run_scoped3A = arith.constant 0 : i32
    "tpu.region"() ({
      %run_scoped3A_15 = tpu.sem_alloc : memref<!tpu.dma_semaphore, #tpu.memory_space<semaphore_mem>>
      %dma_start3A = tpu.memref_slice %arg2[%run_scoped3A, %mul3A_2] : memref<2x16384xi32, #tpu.memory_space<hbm>> -> memref<1x512xi32, #tpu.memory_space<hbm>>
      %dma_start3A_16 = tpu.memref_squeeze %dma_start3A : memref<1x512xi32, #tpu.memory_space<hbm>> -> memref<512xi32, #tpu.memory_space<hbm>>
      %dma_start3A_17 = tpu.memref_slice %arg2[%run_scoped3A, %mul3A_2] : memref<2x16384xi32, #tpu.memory_space<hbm>> -> memref<1x512xi32, #tpu.memory_space<hbm>>
      %dma_start3A_18 = tpu.memref_squeeze %dma_start3A_17 : memref<1x512xi32, #tpu.memory_space<hbm>> -> memref<512xi32, #tpu.memory_space<hbm>>
      tpu.enqueue_dma source(%dma_start3A_18 : memref<512xi32, #tpu.memory_space<hbm>>) target(%arg5 : memref<512xi32, #tpu.memory_space<vmem>>) target_semaphore(%run_scoped3A_15 : memref<!tpu.dma_semaphore, #tpu.memory_space<semaphore_mem>>)
      %dma_wait3A = tpu.memref_slice %arg2[%run_scoped3A, %mul3A_2] : memref<2x16384xi32, #tpu.memory_space<hbm>> -> memref<1x512xi32, #tpu.memory_space<hbm>>
      %dma_wait3A_19 = tpu.memref_squeeze %dma_wait3A : memref<1x512xi32, #tpu.memory_space<hbm>> -> memref<512xi32, #tpu.memory_space<hbm>>
      %dma_wait3A_20 = tpu.memref_slice %arg2[%run_scoped3A, %mul3A_2] : memref<2x16384xi32, #tpu.memory_space<hbm>> -> memref<1x512xi32, #tpu.memory_space<hbm>>
      %dma_wait3A_21 = tpu.memref_squeeze %dma_wait3A_20 : memref<1x512xi32, #tpu.memory_space<hbm>> -> memref<512xi32, #tpu.memory_space<hbm>>
      tpu.wait_dma2 semaphore(%run_scoped3A_15 : memref<!tpu.dma_semaphore, #tpu.memory_space<semaphore_mem>>) src(%dma_wait3A_21 : memref<512xi32, #tpu.memory_space<hbm>>) dst(%arg5 : memref<512xi32, #tpu.memory_space<vmem>>)
      tpu.yield
    }) : () -> ()
    %mul3A_3 = arith.constant 512 : i32
    %mul3A_4 = arith.muli %add3A, %mul3A_3 : i32
    %run_scoped3A_5 = arith.constant 1 : i32
    "tpu.region"() ({
      %run_scoped3A_15 = tpu.sem_alloc : memref<!tpu.dma_semaphore, #tpu.memory_space<semaphore_mem>>
      %dma_start3A = tpu.memref_slice %arg2[%run_scoped3A_5, %mul3A_4] : memref<2x16384xi32, #tpu.memory_space<hbm>> -> memref<1x512xi32, #tpu.memory_space<hbm>>
      %dma_start3A_16 = tpu.memref_squeeze %dma_start3A : memref<1x512xi32, #tpu.memory_space<hbm>> -> memref<512xi32, #tpu.memory_space<hbm>>
      %dma_start3A_17 = tpu.memref_slice %arg2[%run_scoped3A_5, %mul3A_4] : memref<2x16384xi32, #tpu.memory_space<hbm>> -> memref<1x512xi32, #tpu.memory_space<hbm>>
      %dma_start3A_18 = tpu.memref_squeeze %dma_start3A_17 : memref<1x512xi32, #tpu.memory_space<hbm>> -> memref<512xi32, #tpu.memory_space<hbm>>
      tpu.enqueue_dma source(%dma_start3A_18 : memref<512xi32, #tpu.memory_space<hbm>>) target(%arg6 : memref<512xi32, #tpu.memory_space<vmem>>) target_semaphore(%run_scoped3A_15 : memref<!tpu.dma_semaphore, #tpu.memory_space<semaphore_mem>>)
      %dma_wait3A = tpu.memref_slice %arg2[%run_scoped3A_5, %mul3A_4] : memref<2x16384xi32, #tpu.memory_space<hbm>> -> memref<1x512xi32, #tpu.memory_space<hbm>>
      %dma_wait3A_19 = tpu.memref_squeeze %dma_wait3A : memref<1x512xi32, #tpu.memory_space<hbm>> -> memref<512xi32, #tpu.memory_space<hbm>>
      %dma_wait3A_20 = tpu.memref_slice %arg2[%run_scoped3A_5, %mul3A_4] : memref<2x16384xi32, #tpu.memory_space<hbm>> -> memref<1x512xi32, #tpu.memory_space<hbm>>
      %dma_wait3A_21 = tpu.memref_squeeze %dma_wait3A_20 : memref<1x512xi32, #tpu.memory_space<hbm>> -> memref<512xi32, #tpu.memory_space<hbm>>
      tpu.wait_dma2 semaphore(%run_scoped3A_15 : memref<!tpu.dma_semaphore, #tpu.memory_space<semaphore_mem>>) src(%dma_wait3A_21 : memref<512xi32, #tpu.memory_space<hbm>>) dst(%arg6 : memref<512xi32, #tpu.memory_space<vmem>>)
      tpu.yield
    }) : () -> ()
    %broadcast_in_dim3A = arith.constant 0 : i32
    %broadcast_in_dim3A_6 = vector.broadcast %broadcast_in_dim3A : i32 to vector<16xi32>
    %scan3A = arith.constant 0 : i32
    %scan3A_7 = arith.constant 32 : i32
    %scan3A_8 = arith.addi %scan3A, %scan3A_7 : i32
    %scan3A_9 = arith.constant 1 : i32
    %scan3A_10 = scf.for %scan3A_15 = %scan3A to %scan3A_8 step %scan3A_9 iter_args(%scan3A_16 = %broadcast_in_dim3A_6) -> (vector<16xi32>)  : i32 {
      %mul3A_17 = arith.constant 16 : i32
      %mul3A_18 = arith.muli %scan3A_15, %mul3A_17 : i32
      %get3A = arith.index_cast %mul3A_18 : i32 to index
      %get3A_19 = tpu.vector_load %arg5[%get3A] {strides = array<i32>} : memref<512xi32, #tpu.memory_space<vmem>>, vector<16xi32>,
      %mul3A_20 = arith.constant 4 : i32
      %mul3A_21 = vector.broadcast %mul3A_20 : i32 to vector<16xi32>
      %mul3A_22 = arith.muli %get3A_19, %mul3A_21 : vector<16xi32>
      %get3A_23 = arith.index_cast %mul3A_18 : i32 to index
      %get3A_24 = tpu.vector_load %arg6[%get3A_23] {strides = array<i32>} : memref<512xi32, #tpu.memory_space<vmem>>, vector<16xi32>,
      %add3A_25 = arith.addi %mul3A_22, %get3A_24 : vector<16xi32>
      %swap3A_26 = arith.index_cast %mul3A_18 : i32 to index
      %swap3A_27 = tpu.vector_load %arg7[%swap3A_26] {strides = array<i32>} : memref<512xi32, #tpu.memory_space<vmem>>, vector<16xi32>,
      tpu.vector_store %arg7[%swap3A_26], %add3A_25 {strides = array<i32>} : memref<512xi32, #tpu.memory_space<vmem>>, vector<16xi32>,
      %eq3A = arith.constant 0 : i32
      %eq3A_28 = vector.broadcast %eq3A : i32 to vector<16xi32>
      %eq3A_29 = arith.cmpi eq, %add3A_25, %eq3A_28 : vector<16xi32>
      %all_reduce_population_count3A = tpu.all_reduce %eq3A_29 {dim = 0 : i64, kind = #tpu.reduction_kind<sum>} : vector<16xi1> -> vector<16xi32>
      %eq3A_30 = arith.constant 0 : i32
      %eq3A_31 = vector.broadcast %eq3A_30 : i32 to vector<16xi32>
      %eq3A_32 = arith.cmpi eq, %iota3A, %eq3A_31 : vector<16xi32>
      %add3A_33 = arith.addi %scan3A_16, %all_reduce_population_count3A : vector<16xi32>
      %select_n3A = arith.select %eq3A_32, %add3A_33, %scan3A_16 : vector<16xi1>, vector<16xi32>
      %eq3A_34 = arith.constant 1 : i32
      %eq3A_35 = vector.broadcast %eq3A_34 : i32 to vector<16xi32>
      %eq3A_36 = arith.cmpi eq, %add3A_25, %eq3A_35 : vector<16xi32>
      %all_reduce_population_count3A_37 = tpu.all_reduce %eq3A_36 {dim = 0 : i64, kind = #tpu.reduction_kind<sum>} : vector<16xi1> -> vector<16xi32>
      %eq3A_38 = arith.constant 1 : i32
      %eq3A_39 = vector.broadcast %eq3A_38 : i32 to vector<16xi32>
      %eq3A_40 = arith.cmpi eq, %iota3A, %eq3A_39 : vector<16xi32>
      %add3A_41 = arith.addi %select_n3A, %all_reduce_population_count3A_37 : vector<16xi32>
      %select_n3A_42 = arith.select %eq3A_40, %add3A_41, %select_n3A : vector<16xi1>, vector<16xi32>
      %eq3A_43 = arith.constant 2 : i32
      %eq3A_44 = vector.broadcast %eq3A_43 : i32 to vector<16xi32>
      %eq3A_45 = arith.cmpi eq, %add3A_25, %eq3A_44 : vector<16xi32>
      %all_reduce_population_count3A_46 = tpu.all_reduce %eq3A_45 {dim = 0 : i64, kind = #tpu.reduction_kind<sum>} : vector<16xi1> -> vector<16xi32>
      %eq3A_47 = arith.constant 2 : i32
      %eq3A_48 = vector.broadcast %eq3A_47 : i32 to vector<16xi32>
      %eq3A_49 = arith.cmpi eq, %iota3A, %eq3A_48 : vector<16xi32>
      %add3A_50 = arith.addi %select_n3A_42, %all_reduce_population_count3A_46 : vector<16xi32>
      %select_n3A_51 = arith.select %eq3A_49, %add3A_50, %select_n3A_42 : vector<16xi1>, vector<16xi32>
      %eq3A_52 = arith.constant 3 : i32
      %eq3A_53 = vector.broadcast %eq3A_52 : i32 to vector<16xi32>
      %eq3A_54 = arith.cmpi eq, %add3A_25, %eq3A_53 : vector<16xi32>
      %all_reduce_population_count3A_55 = tpu.all_reduce %eq3A_54 {dim = 0 : i64, kind = #tpu.reduction_kind<sum>} : vector<16xi1> -> vector<16xi32>
      %eq3A_56 = arith.constant 3 : i32
      %eq3A_57 = vector.broadcast %eq3A_56 : i32 to vector<16xi32>
      %eq3A_58 = arith.cmpi eq, %iota3A, %eq3A_57 : vector<16xi32>
      %add3A_59 = arith.addi %select_n3A_51, %all_reduce_population_count3A_55 : vector<16xi32>
      %select_n3A_60 = arith.select %eq3A_58, %add3A_59, %select_n3A_51 : vector<16xi1>, vector<16xi32>
      %eq3A_61 = arith.constant 4 : i32
      %eq3A_62 = vector.broadcast %eq3A_61 : i32 to vector<16xi32>
      %eq3A_63 = arith.cmpi eq, %add3A_25, %eq3A_62 : vector<16xi32>
      %all_reduce_population_count3A_64 = tpu.all_reduce %eq3A_63 {dim = 0 : i64, kind = #tpu.reduction_kind<sum>} : vector<16xi1> -> vector<16xi32>
      %eq3A_65 = arith.constant 4 : i32
      %eq3A_66 = vector.broadcast %eq3A_65 : i32 to vector<16xi32>
      %eq3A_67 = arith.cmpi eq, %iota3A, %eq3A_66 : vector<16xi32>
      %add3A_68 = arith.addi %select_n3A_60, %all_reduce_population_count3A_64 : vector<16xi32>
      %select_n3A_69 = arith.select %eq3A_67, %add3A_68, %select_n3A_60 : vector<16xi1>, vector<16xi32>
      %eq3A_70 = arith.constant 5 : i32
      %eq3A_71 = vector.broadcast %eq3A_70 : i32 to vector<16xi32>
      %eq3A_72 = arith.cmpi eq, %add3A_25, %eq3A_71 : vector<16xi32>
      %all_reduce_population_count3A_73 = tpu.all_reduce %eq3A_72 {dim = 0 : i64, kind = #tpu.reduction_kind<sum>} : vector<16xi1> -> vector<16xi32>
      %eq3A_74 = arith.constant 5 : i32
      %eq3A_75 = vector.broadcast %eq3A_74 : i32 to vector<16xi32>
      %eq3A_76 = arith.cmpi eq, %iota3A, %eq3A_75 : vector<16xi32>
      %add3A_77 = arith.addi %select_n3A_69, %all_reduce_population_count3A_73 : vector<16xi32>
      %select_n3A_78 = arith.select %eq3A_76, %add3A_77, %select_n3A_69 : vector<16xi1>, vector<16xi32>
      %eq3A_79 = arith.constant 6 : i32
      %eq3A_80 = vector.broadcast %eq3A_79 : i32 to vector<16xi32>
      %eq3A_81 = arith.cmpi eq, %add3A_25, %eq3A_80 : vector<16xi32>
      %all_reduce_population_count3A_82 = tpu.all_reduce %eq3A_81 {dim = 0 : i64, kind = #tpu.reduction_kind<sum>} : vector<16xi1> -> vector<16xi32>
      %eq3A_83 = arith.constant 6 : i32
      %eq3A_84 = vector.broadcast %eq3A_83 : i32 to vector<16xi32>
      %eq3A_85 = arith.cmpi eq, %iota3A, %eq3A_84 : vector<16xi32>
      %add3A_86 = arith.addi %select_n3A_78, %all_reduce_population_count3A_82 : vector<16xi32>
      %select_n3A_87 = arith.select %eq3A_85, %add3A_86, %select_n3A_78 : vector<16xi1>, vector<16xi32>
      %eq3A_88 = arith.constant 7 : i32
      %eq3A_89 = vector.broadcast %eq3A_88 : i32 to vector<16xi32>
      %eq3A_90 = arith.cmpi eq, %add3A_25, %eq3A_89 : vector<16xi32>
      %all_reduce_population_count3A_91 = tpu.all_reduce %eq3A_90 {dim = 0 : i64, kind = #tpu.reduction_kind<sum>} : vector<16xi1> -> vector<16xi32>
      %eq3A_92 = arith.constant 7 : i32
      %eq3A_93 = vector.broadcast %eq3A_92 : i32 to vector<16xi32>
      %eq3A_94 = arith.cmpi eq, %iota3A, %eq3A_93 : vector<16xi32>
      %add3A_95 = arith.addi %select_n3A_87, %all_reduce_population_count3A_91 : vector<16xi32>
      %select_n3A_96 = arith.select %eq3A_94, %add3A_95, %select_n3A_87 : vector<16xi1>, vector<16xi32>
      %eq3A_97 = arith.constant 8 : i32
      %eq3A_98 = vector.broadcast %eq3A_97 : i32 to vector<16xi32>
      %eq3A_99 = arith.cmpi eq, %add3A_25, %eq3A_98 : vector<16xi32>
      %all_reduce_population_count3A_100 = tpu.all_reduce %eq3A_99 {dim = 0 : i64, kind = #tpu.reduction_kind<sum>} : vector<16xi1> -> vector<16xi32>
      %eq3A_101 = arith.constant 8 : i32
      %eq3A_102 = vector.broadcast %eq3A_101 : i32 to vector<16xi32>
      %eq3A_103 = arith.cmpi eq, %iota3A, %eq3A_102 : vector<16xi32>
      %add3A_104 = arith.addi %select_n3A_96, %all_reduce_population_count3A_100 : vector<16xi32>
      %select_n3A_105 = arith.select %eq3A_103, %add3A_104, %select_n3A_96 : vector<16xi1>, vector<16xi32>
      %eq3A_106 = arith.constant 9 : i32
      %eq3A_107 = vector.broadcast %eq3A_106 : i32 to vector<16xi32>
      %eq3A_108 = arith.cmpi eq, %add3A_25, %eq3A_107 : vector<16xi32>
      %all_reduce_population_count3A_109 = tpu.all_reduce %eq3A_108 {dim = 0 : i64, kind = #tpu.reduction_kind<sum>} : vector<16xi1> -> vector<16xi32>
      %eq3A_110 = arith.constant 9 : i32
      %eq3A_111 = vector.broadcast %eq3A_110 : i32 to vector<16xi32>
      %eq3A_112 = arith.cmpi eq, %iota3A, %eq3A_111 : vector<16xi32>
      %add3A_113 = arith.addi %select_n3A_105, %all_reduce_population_count3A_109 : vector<16xi32>
      %select_n3A_114 = arith.select %eq3A_112, %add3A_113, %select_n3A_105 : vector<16xi1>, vector<16xi32>
      %eq3A_115 = arith.constant 10 : i32
      %eq3A_116 = vector.broadcast %eq3A_115 : i32 to vector<16xi32>
      %eq3A_117 = arith.cmpi eq, %add3A_25, %eq3A_116 : vector<16xi32>
      %all_reduce_population_count3A_118 = tpu.all_reduce %eq3A_117 {dim = 0 : i64, kind = #tpu.reduction_kind<sum>} : vector<16xi1> -> vector<16xi32>
      %eq3A_119 = arith.constant 10 : i32
      %eq3A_120 = vector.broadcast %eq3A_119 : i32 to vector<16xi32>
      %eq3A_121 = arith.cmpi eq, %iota3A, %eq3A_120 : vector<16xi32>
      %add3A_122 = arith.addi %select_n3A_114, %all_reduce_population_count3A_118 : vector<16xi32>
      %select_n3A_123 = arith.select %eq3A_121, %add3A_122, %select_n3A_114 : vector<16xi1>, vector<16xi32>
      %eq3A_124 = arith.constant 11 : i32
      %eq3A_125 = vector.broadcast %eq3A_124 : i32 to vector<16xi32>
      %eq3A_126 = arith.cmpi eq, %add3A_25, %eq3A_125 : vector<16xi32>
      %all_reduce_population_count3A_127 = tpu.all_reduce %eq3A_126 {dim = 0 : i64, kind = #tpu.reduction_kind<sum>} : vector<16xi1> -> vector<16xi32>
      %eq3A_128 = arith.constant 11 : i32
      %eq3A_129 = vector.broadcast %eq3A_128 : i32 to vector<16xi32>
      %eq3A_130 = arith.cmpi eq, %iota3A, %eq3A_129 : vector<16xi32>
      %add3A_131 = arith.addi %select_n3A_123, %all_reduce_population_count3A_127 : vector<16xi32>
      %select_n3A_132 = arith.select %eq3A_130, %add3A_131, %select_n3A_123 : vector<16xi1>, vector<16xi32>
      %eq3A_133 = arith.constant 12 : i32
      %eq3A_134 = vector.broadcast %eq3A_133 : i32 to vector<16xi32>
      %eq3A_135 = arith.cmpi eq, %add3A_25, %eq3A_134 : vector<16xi32>
      %all_reduce_population_count3A_136 = tpu.all_reduce %eq3A_135 {dim = 0 : i64, kind = #tpu.reduction_kind<sum>} : vector<16xi1> -> vector<16xi32>
      %eq3A_137 = arith.constant 12 : i32
      %eq3A_138 = vector.broadcast %eq3A_137 : i32 to vector<16xi32>
      %eq3A_139 = arith.cmpi eq, %iota3A, %eq3A_138 : vector<16xi32>
      %add3A_140 = arith.addi %select_n3A_132, %all_reduce_population_count3A_136 : vector<16xi32>
      %select_n3A_141 = arith.select %eq3A_139, %add3A_140, %select_n3A_132 : vector<16xi1>, vector<16xi32>
      %eq3A_142 = arith.constant 13 : i32
      %eq3A_143 = vector.broadcast %eq3A_142 : i32 to vector<16xi32>
      %eq3A_144 = arith.cmpi eq, %add3A_25, %eq3A_143 : vector<16xi32>
      %all_reduce_population_count3A_145 = tpu.all_reduce %eq3A_144 {dim = 0 : i64, kind = #tpu.reduction_kind<sum>} : vector<16xi1> -> vector<16xi32>
      %eq3A_146 = arith.constant 13 : i32
      %eq3A_147 = vector.broadcast %eq3A_146 : i32 to vector<16xi32>
      %eq3A_148 = arith.cmpi eq, %iota3A, %eq3A_147 : vector<16xi32>
      %add3A_149 = arith.addi %select_n3A_141, %all_reduce_population_count3A_145 : vector<16xi32>
      %select_n3A_150 = arith.select %eq3A_148, %add3A_149, %select_n3A_141 : vector<16xi1>, vector<16xi32>
      %eq3A_151 = arith.constant 14 : i32
      %eq3A_152 = vector.broadcast %eq3A_151 : i32 to vector<16xi32>
      %eq3A_153 = arith.cmpi eq, %add3A_25, %eq3A_152 : vector<16xi32>
      %all_reduce_population_count3A_154 = tpu.all_reduce %eq3A_153 {dim = 0 : i64, kind = #tpu.reduction_kind<sum>} : vector<16xi1> -> vector<16xi32>
      %eq3A_155 = arith.constant 14 : i32
      %eq3A_156 = vector.broadcast %eq3A_155 : i32 to vector<16xi32>
      %eq3A_157 = arith.cmpi eq, %iota3A, %eq3A_156 : vector<16xi32>
      %add3A_158 = arith.addi %select_n3A_150, %all_reduce_population_count3A_154 : vector<16xi32>
      %select_n3A_159 = arith.select %eq3A_157, %add3A_158, %select_n3A_150 : vector<16xi1>, vector<16xi32>
      %eq3A_160 = arith.constant 15 : i32
      %eq3A_161 = vector.broadcast %eq3A_160 : i32 to vector<16xi32>
      %eq3A_162 = arith.cmpi eq, %add3A_25, %eq3A_161 : vector<16xi32>
      %all_reduce_population_count3A_163 = tpu.all_reduce %eq3A_162 {dim = 0 : i64, kind = #tpu.reduction_kind<sum>} : vector<16xi1> -> vector<16xi32>
      %eq3A_164 = arith.constant 15 : i32
      %eq3A_165 = vector.broadcast %eq3A_164 : i32 to vector<16xi32>
      %eq3A_166 = arith.cmpi eq, %iota3A, %eq3A_165 : vector<16xi32>
      %add3A_167 = arith.addi %select_n3A_159, %all_reduce_population_count3A_163 : vector<16xi32>
      %select_n3A_168 = arith.select %eq3A_166, %add3A_167, %select_n3A_159 : vector<16xi1>, vector<16xi32>
      scf.yield %select_n3A_168 : vector<16xi32>
    }
    %scan3A_11 = arith.constant 32 : i32
    %swap3A = arith.constant 0 : index
    %swap3A_12 = tpu.vector_load %arg8[%swap3A] {strides = array<i32>} : memref<16xi32, #tpu.memory_space<vmem>>, vector<16xi32>,
    tpu.vector_store %arg8[%swap3A], %scan3A_10 {strides = array<i32>} : memref<16xi32, #tpu.memory_space<vmem>>, vector<16xi32>,
    %mul3A_13 = arith.constant 512 : i32
    %mul3A_14 = arith.muli %add3A, %mul3A_13 : i32
    "tpu.region"() ({
      %run_scoped3A_15 = tpu.sem_alloc : memref<!tpu.dma_semaphore, #tpu.memory_space<semaphore_mem>>
      %dma_start3A = tpu.memref_slice %arg3[%mul3A_14] : memref<16384xi32, #tpu.memory_space<hbm>> -> memref<512xi32, #tpu.memory_space<hbm>>
      %dma_start3A_16 = tpu.memref_slice %arg3[%mul3A_14] : memref<16384xi32, #tpu.memory_space<hbm>> -> memref<512xi32, #tpu.memory_space<hbm>>
      tpu.enqueue_dma source(%arg7 : memref<512xi32, #tpu.memory_space<vmem>>) target(%dma_start3A_16 : memref<512xi32, #tpu.memory_space<hbm>>) target_semaphore(%run_scoped3A_15 : memref<!tpu.dma_semaphore, #tpu.memory_space<semaphore_mem>>)
      %dma_wait3A = tpu.memref_slice %arg3[%mul3A_14] : memref<16384xi32, #tpu.memory_space<hbm>> -> memref<512xi32, #tpu.memory_space<hbm>>
      %dma_wait3A_17 = tpu.memref_slice %arg3[%mul3A_14] : memref<16384xi32, #tpu.memory_space<hbm>> -> memref<512xi32, #tpu.memory_space<hbm>>
      tpu.wait_dma2 semaphore(%run_scoped3A_15 : memref<!tpu.dma_semaphore, #tpu.memory_space<semaphore_mem>>) src(%arg7 : memref<512xi32, #tpu.memory_space<vmem>>) dst(%dma_wait3A_17 : memref<512xi32, #tpu.memory_space<hbm>>)
      tpu.yield
    }) : () -> ()
    "tpu.region"() ({
      %run_scoped3A_15 = tpu.sem_alloc : memref<!tpu.dma_semaphore, #tpu.memory_space<semaphore_mem>>
      %dma_start3A = arith.constant 0 : i32
      %dma_start3A_16 = tpu.memref_slice %arg4[%add3A, %dma_start3A] : memref<32x16xi32, #tpu.memory_space<hbm>> -> memref<1x16xi32, #tpu.memory_space<hbm>>
      %dma_start3A_17 = tpu.memref_squeeze %dma_start3A_16 : memref<1x16xi32, #tpu.memory_space<hbm>> -> memref<16xi32, #tpu.memory_space<hbm>>
      %dma_start3A_18 = arith.constant 0 : i32
      %dma_start3A_19 = tpu.memref_slice %arg4[%add3A, %dma_start3A_18] : memref<32x16xi32, #tpu.memory_space<hbm>> -> memref<1x16xi32, #tpu.memory_space<hbm>>
      %dma_start3A_20 = tpu.memref_squeeze %dma_start3A_19 : memref<1x16xi32, #tpu.memory_space<hbm>> -> memref<16xi32, #tpu.memory_space<hbm>>
      tpu.enqueue_dma source(%arg8 : memref<16xi32, #tpu.memory_space<vmem>>) target(%dma_start3A_20 : memref<16xi32, #tpu.memory_space<hbm>>) target_semaphore(%run_scoped3A_15 : memref<!tpu.dma_semaphore, #tpu.memory_space<semaphore_mem>>)
      %dma_wait3A = arith.constant 0 : i32
      %dma_wait3A_21 = tpu.memref_slice %arg4[%add3A, %dma_wait3A] : memref<32x16xi32, #tpu.memory_space<hbm>> -> memref<1x16xi32, #tpu.memory_space<hbm>>
      %dma_wait3A_22 = tpu.memref_squeeze %dma_wait3A_21 : memref<1x16xi32, #tpu.memory_space<hbm>> -> memref<16xi32, #tpu.memory_space<hbm>>
      %dma_wait3A_23 = arith.constant 0 : i32
      %dma_wait3A_24 = tpu.memref_slice %arg4[%add3A, %dma_wait3A_23] : memref<32x16xi32, #tpu.memory_space<hbm>> -> memref<1x16xi32, #tpu.memory_space<hbm>>
      %dma_wait3A_25 = tpu.memref_squeeze %dma_wait3A_24 : memref<1x16xi32, #tpu.memory_space<hbm>> -> memref<16xi32, #tpu.memory_space<hbm>>
      tpu.wait_dma2 semaphore(%run_scoped3A_15 : memref<!tpu.dma_semaphore, #tpu.memory_space<semaphore_mem>>) src(%arg8 : memref<16xi32, #tpu.memory_space<vmem>>) dst(%dma_wait3A_25 : memref<16xi32, #tpu.memory_space<hbm>>)
      tpu.yield
    }) : () -> ()
    return
  }
}

#map = affine_map<(d0, d1) -> (0, 0)>
#map1 = affine_map<(d0, d1) -> (0)>
module attributes {stable_mosaic.version = 14 : i64} {
  func.func @_sc_scatter_body(%arg0: i32, %arg1: i32, %arg2: memref<16384x128xf32, #tpu.memory_space<hbm>>, %arg3: memref<16384xi32, #tpu.memory_space<hbm>>, %arg4: memref<32x16xi32, #tpu.memory_space<hbm>>, %arg5: memref<24576x128xf32, #tpu.memory_space<hbm>>, %arg6: memref<2x16xi32, #tpu.memory_space<hbm>>, %arg7: memref<512xi32, #tpu.memory_space<vmem>>, %arg8: memref<32x16xi32, #tpu.memory_space<vmem>>, %arg9: memref<2x16xi32, #tpu.memory_space<vmem>>, %arg10: memref<512xi32, #tpu.memory_space<vmem>>, %arg11: memref<128xi32, #tpu.memory_space<vmem>>, %arg12: memref<128xi32, #tpu.memory_space<vmem>>, %arg13: memref<128xi32, #tpu.memory_space<vmem>>, %arg14: memref<128xi32, #tpu.memory_space<vmem>>, %arg15: memref<512x128xf32, #tpu.memory_space<vmem>>, %arg16: memref<!tpu.dma_semaphore, #tpu.memory_space<semaphore_mem>>, %arg17: memref<!tpu.dma_semaphore, #tpu.memory_space<semaphore_mem>>) attributes {dimension_semantics = [#tpu.dimension_semantics<core_parallel>, #tpu.dimension_semantics<subcore_parallel>], iteration_bounds = array<i64: 2, 16>, scalar_prefetch = 0 : i64, scratch_operands = 11 : i64, tpu.core_type = #tpu.core_type<sc_vector_subcore>, window_params = [{transform_indices = #map}, {transform_indices = #map1}, {transform_indices = #map}, {transform_indices = #map}, {transform_indices = #map}]} {
    %mul3A = arith.constant 2 : i32
    %mul3A_0 = arith.muli %arg1, %mul3A : i32
    %add3A = arith.addi %mul3A_0, %arg0 : i32
    %mul3A_1 = arith.constant 512 : i32
    %mul3A_2 = arith.muli %add3A, %mul3A_1 : i32
    %dma_start3A = arith.constant 0 : i32
    %dma_start3A_3 = tpu.memref_slice %arg2[%mul3A_2, %dma_start3A] : memref<16384x128xf32, #tpu.memory_space<hbm>> -> memref<512x128xf32, #tpu.memory_space<hbm>>
    %dma_start3A_4 = arith.constant 0 : i32
    %dma_start3A_5 = tpu.memref_slice %arg2[%mul3A_2, %dma_start3A_4] : memref<16384x128xf32, #tpu.memory_space<hbm>> -> memref<512x128xf32, #tpu.memory_space<hbm>>
    tpu.enqueue_dma source(%dma_start3A_5 : memref<512x128xf32, #tpu.memory_space<hbm>>) target(%arg15 : memref<512x128xf32, #tpu.memory_space<vmem>>) target_semaphore(%arg16 : memref<!tpu.dma_semaphore, #tpu.memory_space<semaphore_mem>>)
    %mul3A_6 = arith.constant 512 : i32
    %mul3A_7 = arith.muli %add3A, %mul3A_6 : i32
    "tpu.region"() ({
      %run_scoped3A = tpu.sem_alloc : memref<!tpu.dma_semaphore, #tpu.memory_space<semaphore_mem>>
      %dma_start3A_620 = tpu.memref_slice %arg3[%mul3A_7] : memref<16384xi32, #tpu.memory_space<hbm>> -> memref<512xi32, #tpu.memory_space<hbm>>
      %dma_start3A_621 = tpu.memref_slice %arg3[%mul3A_7] : memref<16384xi32, #tpu.memory_space<hbm>> -> memref<512xi32, #tpu.memory_space<hbm>>
      tpu.enqueue_dma source(%dma_start3A_621 : memref<512xi32, #tpu.memory_space<hbm>>) target(%arg7 : memref<512xi32, #tpu.memory_space<vmem>>) target_semaphore(%run_scoped3A : memref<!tpu.dma_semaphore, #tpu.memory_space<semaphore_mem>>)
      %dma_wait3A_622 = tpu.memref_slice %arg3[%mul3A_7] : memref<16384xi32, #tpu.memory_space<hbm>> -> memref<512xi32, #tpu.memory_space<hbm>>
      %dma_wait3A_623 = tpu.memref_slice %arg3[%mul3A_7] : memref<16384xi32, #tpu.memory_space<hbm>> -> memref<512xi32, #tpu.memory_space<hbm>>
      tpu.wait_dma2 semaphore(%run_scoped3A : memref<!tpu.dma_semaphore, #tpu.memory_space<semaphore_mem>>) src(%dma_wait3A_623 : memref<512xi32, #tpu.memory_space<hbm>>) dst(%arg7 : memref<512xi32, #tpu.memory_space<vmem>>)
      tpu.yield
    }) : () -> ()
    "tpu.region"() ({
      %run_scoped3A = tpu.sem_alloc : memref<!tpu.dma_semaphore, #tpu.memory_space<semaphore_mem>>
      tpu.enqueue_dma source(%arg4 : memref<32x16xi32, #tpu.memory_space<hbm>>) target(%arg8 : memref<32x16xi32, #tpu.memory_space<vmem>>) target_semaphore(%run_scoped3A : memref<!tpu.dma_semaphore, #tpu.memory_space<semaphore_mem>>)
      tpu.wait_dma2 semaphore(%run_scoped3A : memref<!tpu.dma_semaphore, #tpu.memory_space<semaphore_mem>>) src(%arg4 : memref<32x16xi32, #tpu.memory_space<hbm>>) dst(%arg8 : memref<32x16xi32, #tpu.memory_space<vmem>>)
      tpu.yield
    }) : () -> ()
    %broadcast_in_dim3A = arith.constant 0 : i32
    %broadcast_in_dim3A_8 = vector.broadcast %broadcast_in_dim3A : i32 to vector<16xi32>
    %scan3A = arith.constant 0 : i32
    %scan3A_9 = arith.constant 32 : i32
    %scan3A_10 = arith.addi %scan3A, %scan3A_9 : i32
    %scan3A_11 = arith.constant 1 : i32
    %scan3A_12 = scf.for %scan3A_620 = %scan3A to %scan3A_10 step %scan3A_11 iter_args(%scan3A_621 = %broadcast_in_dim3A_8) -> (vector<16xi32>)  : i32 {
      %get3A_622 = arith.index_cast %scan3A_620 : i32 to index
      %get3A_623 = arith.constant 0 : index
      %get3A_624 = tpu.vector_load %arg8[%get3A_622, %get3A_623] {strides = array<i32>} : memref<32x16xi32, #tpu.memory_space<vmem>>, vector<16xi32>,
      %add3A_625 = arith.addi %scan3A_621, %get3A_624 : vector<16xi32>
      scf.yield %add3A_625 : vector<16xi32>
    }
    %scan3A_13 = arith.constant 32 : i32
    %broadcast_in_dim3A_14 = arith.constant true
    %broadcast_in_dim3A_15 = vector.broadcast %broadcast_in_dim3A_14 : i1 to vector<16xi1>
    %masked_cumsum3A = tpu.scan <sum>, %scan3A_12 masked %broadcast_in_dim3A_15 : vector<16xi32>, vector<16xi1> -> vector<16xi32>
    %sub3A = arith.subi %masked_cumsum3A, %scan3A_12 : vector<16xi32>
    %broadcast_in_dim3A_16 = arith.constant 0 : i32
    %broadcast_in_dim3A_17 = vector.broadcast %broadcast_in_dim3A_16 : i32 to vector<16xi32>
    %while3A = arith.constant 0 : i32
    %while3A_18 = arith.subi %add3A, %while3A : i32
    %while3A_19 = arith.addi %while3A, %while3A_18 : i32
    %while3A_20 = arith.constant 1 : i32
    %while3A_21 = arith.divsi %while3A_18, %while3A_20 : i32
    %while3A_22 = arith.muli %while3A_21, %while3A_20 : i32
    %while3A_23 = arith.addi %while3A, %while3A_22 : i32
    %while3A_24 = arith.constant 1 : i32
    %while3A_25 = scf.for %while3A_620 = %while3A to %while3A_23 step %while3A_24 iter_args(%while3A_621 = %broadcast_in_dim3A_17) -> (vector<16xi32>)  : i32 {
      %get3A_622 = arith.index_cast %while3A_620 : i32 to index
      %get3A_623 = arith.constant 0 : index
      %get3A_624 = tpu.vector_load %arg8[%get3A_622, %get3A_623] {strides = array<i32>} : memref<32x16xi32, #tpu.memory_space<vmem>>, vector<16xi32>,
      %add3A_625 = arith.addi %while3A_621, %get3A_624 : vector<16xi32>
      scf.yield %add3A_625 : vector<16xi32>
    }
    %while3A_26 = arith.constant 1 : i32
    %while3A_27 = scf.for %while3A_620 = %while3A_23 to %while3A_19 step %while3A_26 iter_args(%while3A_621 = %while3A_25) -> (vector<16xi32>)  : i32 {
      %get3A_622 = arith.index_cast %while3A_620 : i32 to index
      %get3A_623 = arith.constant 0 : index
      %get3A_624 = tpu.vector_load %arg8[%get3A_622, %get3A_623] {strides = array<i32>} : memref<32x16xi32, #tpu.memory_space<vmem>>, vector<16xi32>,
      %add3A_625 = arith.addi %while3A_621, %get3A_624 : vector<16xi32>
      scf.yield %add3A_625 : vector<16xi32>
    }
    %eq3A = arith.constant 0 : i32
    %eq3A_28 = arith.cmpi eq, %arg0, %eq3A : i32
    %eq3A_29 = arith.constant 0 : i32
    %eq3A_30 = arith.cmpi eq, %arg1, %eq3A_29 : i32
    %and3A = arith.andi %eq3A_28, %eq3A_30 : i1
    %convert_element_type3A = arith.extui %and3A : i1 to i32
    %cond3A = arith.constant 0 : i32
    %cond3A_31 = arith.cmpi ne, %convert_element_type3A, %cond3A : i32
    scf.if %cond3A_31 {
      %swap3A_620 = arith.constant 0 : i32
      %swap3A_621 = arith.index_cast %swap3A_620 : i32 to index
      %swap3A_622 = arith.constant 0 : index
      %swap3A_623 = tpu.vector_load %arg9[%swap3A_621, %swap3A_622] {strides = array<i32>} : memref<2x16xi32, #tpu.memory_space<vmem>>, vector<16xi32>,
      tpu.vector_store %arg9[%swap3A_621, %swap3A_622], %scan3A_12 {strides = array<i32>} : memref<2x16xi32, #tpu.memory_space<vmem>>, vector<16xi32>,
      %swap3A_624 = arith.constant 1 : i32
      %swap3A_625 = arith.index_cast %swap3A_624 : i32 to index
      %swap3A_626 = arith.constant 0 : index
      %swap3A_627 = tpu.vector_load %arg9[%swap3A_625, %swap3A_626] {strides = array<i32>} : memref<2x16xi32, #tpu.memory_space<vmem>>, vector<16xi32>,
      tpu.vector_store %arg9[%swap3A_625, %swap3A_626], %sub3A {strides = array<i32>} : memref<2x16xi32, #tpu.memory_space<vmem>>, vector<16xi32>,
      "tpu.region"() ({
        %run_scoped3A = tpu.sem_alloc : memref<!tpu.dma_semaphore, #tpu.memory_space<semaphore_mem>>
        tpu.enqueue_dma source(%arg9 : memref<2x16xi32, #tpu.memory_space<vmem>>) target(%arg6 : memref<2x16xi32, #tpu.memory_space<hbm>>) target_semaphore(%run_scoped3A : memref<!tpu.dma_semaphore, #tpu.memory_space<semaphore_mem>>)
        tpu.wait_dma2 semaphore(%run_scoped3A : memref<!tpu.dma_semaphore, #tpu.memory_space<semaphore_mem>>) src(%arg9 : memref<2x16xi32, #tpu.memory_space<vmem>>) dst(%arg6 : memref<2x16xi32, #tpu.memory_space<hbm>>)
        tpu.yield
      }) : () -> ()
    } else {
    }
    %slice3A = vector.extract_strided_slice %sub3A {offsets = [0], sizes = [1], strides = [1]} : vector<16xi32> to vector<1xi32>
    %squeeze3A = vector.extract %slice3A[0] : i32 from vector<1xi32>
    %slice3A_32 = vector.extract_strided_slice %while3A_27 {offsets = [0], sizes = [1], strides = [1]} : vector<16xi32> to vector<1xi32>
    %squeeze3A_33 = vector.extract %slice3A_32[0] : i32 from vector<1xi32>
    %add3A_34 = arith.addi %squeeze3A, %squeeze3A_33 : i32
    %sub3A_35 = arith.constant 1 : i32
    %sub3A_36 = arith.subi %add3A_34, %sub3A_35 : i32
    %scan3A_37 = arith.constant 0 : i32
    %scan3A_38 = arith.constant 0 : i32
    %scan3A_39 = arith.constant 32 : i32
    %scan3A_40 = arith.addi %scan3A_38, %scan3A_39 : i32
    %scan3A_41 = arith.constant 1 : i32
    %scan3A_42 = scf.for %scan3A_620 = %scan3A_38 to %scan3A_40 step %scan3A_41 iter_args(%scan3A_621 = %scan3A_37) -> (i32)  : i32 {
      %mul3A_622 = arith.constant 16 : i32
      %mul3A_623 = arith.muli %scan3A_620, %mul3A_622 : i32
      %get3A_624 = arith.index_cast %mul3A_623 : i32 to index
      %get3A_625 = tpu.vector_load %arg7[%get3A_624] {strides = array<i32>} : memref<512xi32, #tpu.memory_space<vmem>>, vector<16xi32>,
      %eq3A_626 = arith.constant 0 : i32
      %eq3A_627 = vector.broadcast %eq3A_626 : i32 to vector<16xi32>
      %eq3A_628 = arith.cmpi eq, %get3A_625, %eq3A_627 : vector<16xi32>
      %convert_element_type3A_629 = arith.extui %eq3A_628 : vector<16xi1> to vector<16xi32>
      %broadcast_in_dim3A_630 = arith.constant true
      %broadcast_in_dim3A_631 = vector.broadcast %broadcast_in_dim3A_630 : i1 to vector<16xi1>
      %masked_cumsum3A_632 = tpu.scan <sum>, %convert_element_type3A_629 masked %broadcast_in_dim3A_631 : vector<16xi32>, vector<16xi1> -> vector<16xi32>
      %add3A_633 = arith.addi %sub3A_36, %scan3A_621 : i32
      %add3A_634 = vector.broadcast %add3A_633 : i32 to vector<16xi32>
      %add3A_635 = arith.addi %add3A_634, %masked_cumsum3A_632 : vector<16xi32>
      %get3A_636 = arith.index_cast %mul3A_623 : i32 to index
      %get3A_637 = tpu.vector_load %arg10[%get3A_636] {strides = array<i32>} : memref<512xi32, #tpu.memory_space<vmem>>, vector<16xi32>,
      %select_n3A = arith.select %eq3A_628, %add3A_635, %get3A_637 : vector<16xi1>, vector<16xi32>
      %swap3A_638 = arith.index_cast %mul3A_623 : i32 to index
      %swap3A_639 = tpu.vector_load %arg10[%swap3A_638] {strides = array<i32>} : memref<512xi32, #tpu.memory_space<vmem>>, vector<16xi32>,
      tpu.vector_store %arg10[%swap3A_638], %select_n3A {strides = array<i32>} : memref<512xi32, #tpu.memory_space<vmem>>, vector<16xi32>,
      %reduce_sum3A = arith.constant true
      %reduce_sum3A_640 = vector.broadcast %reduce_sum3A : i1 to vector<16xi1>
      %reduce_sum3A_641 = tpu.scan <sum>, %convert_element_type3A_629 masked %reduce_sum3A_640 : vector<16xi32>, vector<16xi1> -> vector<16xi32>
      %reduce_sum3A_642 = vector.extract %reduce_sum3A_641[15] : i32 from vector<16xi32>
      %add3A_643 = arith.addi %scan3A_621, %reduce_sum3A_642 : i32
      scf.yield %add3A_643 : i32
    }
    %scan3A_43 = arith.constant 32 : i32
    %slice3A_44 = vector.extract_strided_slice %sub3A {offsets = [1], sizes = [1], strides = [1]} : vector<16xi32> to vector<1xi32>
    %squeeze3A_45 = vector.extract %slice3A_44[0] : i32 from vector<1xi32>
    %slice3A_46 = vector.extract_strided_slice %while3A_27 {offsets = [1], sizes = [1], strides = [1]} : vector<16xi32> to vector<1xi32>
    %squeeze3A_47 = vector.extract %slice3A_46[0] : i32 from vector<1xi32>
    %add3A_48 = arith.addi %squeeze3A_45, %squeeze3A_47 : i32
    %sub3A_49 = arith.constant 1 : i32
    %sub3A_50 = arith.subi %add3A_48, %sub3A_49 : i32
    %scan3A_51 = arith.constant 0 : i32
    %scan3A_52 = arith.constant 0 : i32
    %scan3A_53 = arith.constant 32 : i32
    %scan3A_54 = arith.addi %scan3A_52, %scan3A_53 : i32
    %scan3A_55 = arith.constant 1 : i32
    %scan3A_56 = scf.for %scan3A_620 = %scan3A_52 to %scan3A_54 step %scan3A_55 iter_args(%scan3A_621 = %scan3A_51) -> (i32)  : i32 {
      %mul3A_622 = arith.constant 16 : i32
      %mul3A_623 = arith.muli %scan3A_620, %mul3A_622 : i32
      %get3A_624 = arith.index_cast %mul3A_623 : i32 to index
      %get3A_625 = tpu.vector_load %arg7[%get3A_624] {strides = array<i32>} : memref<512xi32, #tpu.memory_space<vmem>>, vector<16xi32>,
      %eq3A_626 = arith.constant 1 : i32
      %eq3A_627 = vector.broadcast %eq3A_626 : i32 to vector<16xi32>
      %eq3A_628 = arith.cmpi eq, %get3A_625, %eq3A_627 : vector<16xi32>
      %convert_element_type3A_629 = arith.extui %eq3A_628 : vector<16xi1> to vector<16xi32>
      %broadcast_in_dim3A_630 = arith.constant true
      %broadcast_in_dim3A_631 = vector.broadcast %broadcast_in_dim3A_630 : i1 to vector<16xi1>
      %masked_cumsum3A_632 = tpu.scan <sum>, %convert_element_type3A_629 masked %broadcast_in_dim3A_631 : vector<16xi32>, vector<16xi1> -> vector<16xi32>
      %add3A_633 = arith.addi %sub3A_50, %scan3A_621 : i32
      %add3A_634 = vector.broadcast %add3A_633 : i32 to vector<16xi32>
      %add3A_635 = arith.addi %add3A_634, %masked_cumsum3A_632 : vector<16xi32>
      %get3A_636 = arith.index_cast %mul3A_623 : i32 to index
      %get3A_637 = tpu.vector_load %arg10[%get3A_636] {strides = array<i32>} : memref<512xi32, #tpu.memory_space<vmem>>, vector<16xi32>,
      %select_n3A = arith.select %eq3A_628, %add3A_635, %get3A_637 : vector<16xi1>, vector<16xi32>
      %swap3A_638 = arith.index_cast %mul3A_623 : i32 to index
      %swap3A_639 = tpu.vector_load %arg10[%swap3A_638] {strides = array<i32>} : memref<512xi32, #tpu.memory_space<vmem>>, vector<16xi32>,
      tpu.vector_store %arg10[%swap3A_638], %select_n3A {strides = array<i32>} : memref<512xi32, #tpu.memory_space<vmem>>, vector<16xi32>,
      %reduce_sum3A = arith.constant true
      %reduce_sum3A_640 = vector.broadcast %reduce_sum3A : i1 to vector<16xi1>
      %reduce_sum3A_641 = tpu.scan <sum>, %convert_element_type3A_629 masked %reduce_sum3A_640 : vector<16xi32>, vector<16xi1> -> vector<16xi32>
      %reduce_sum3A_642 = vector.extract %reduce_sum3A_641[15] : i32 from vector<16xi32>
      %add3A_643 = arith.addi %scan3A_621, %reduce_sum3A_642 : i32
      scf.yield %add3A_643 : i32
    }
    %scan3A_57 = arith.constant 32 : i32
    %slice3A_58 = vector.extract_strided_slice %sub3A {offsets = [2], sizes = [1], strides = [1]} : vector<16xi32> to vector<1xi32>
    %squeeze3A_59 = vector.extract %slice3A_58[0] : i32 from vector<1xi32>
    %slice3A_60 = vector.extract_strided_slice %while3A_27 {offsets = [2], sizes = [1], strides = [1]} : vector<16xi32> to vector<1xi32>
    %squeeze3A_61 = vector.extract %slice3A_60[0] : i32 from vector<1xi32>
    %add3A_62 = arith.addi %squeeze3A_59, %squeeze3A_61 : i32
    %sub3A_63 = arith.constant 1 : i32
    %sub3A_64 = arith.subi %add3A_62, %sub3A_63 : i32
    %scan3A_65 = arith.constant 0 : i32
    %scan3A_66 = arith.constant 0 : i32
    %scan3A_67 = arith.constant 32 : i32
    %scan3A_68 = arith.addi %scan3A_66, %scan3A_67 : i32
    %scan3A_69 = arith.constant 1 : i32
    %scan3A_70 = scf.for %scan3A_620 = %scan3A_66 to %scan3A_68 step %scan3A_69 iter_args(%scan3A_621 = %scan3A_65) -> (i32)  : i32 {
      %mul3A_622 = arith.constant 16 : i32
      %mul3A_623 = arith.muli %scan3A_620, %mul3A_622 : i32
      %get3A_624 = arith.index_cast %mul3A_623 : i32 to index
      %get3A_625 = tpu.vector_load %arg7[%get3A_624] {strides = array<i32>} : memref<512xi32, #tpu.memory_space<vmem>>, vector<16xi32>,
      %eq3A_626 = arith.constant 2 : i32
      %eq3A_627 = vector.broadcast %eq3A_626 : i32 to vector<16xi32>
      %eq3A_628 = arith.cmpi eq, %get3A_625, %eq3A_627 : vector<16xi32>
      %convert_element_type3A_629 = arith.extui %eq3A_628 : vector<16xi1> to vector<16xi32>
      %broadcast_in_dim3A_630 = arith.constant true
      %broadcast_in_dim3A_631 = vector.broadcast %broadcast_in_dim3A_630 : i1 to vector<16xi1>
      %masked_cumsum3A_632 = tpu.scan <sum>, %convert_element_type3A_629 masked %broadcast_in_dim3A_631 : vector<16xi32>, vector<16xi1> -> vector<16xi32>
      %add3A_633 = arith.addi %sub3A_64, %scan3A_621 : i32
      %add3A_634 = vector.broadcast %add3A_633 : i32 to vector<16xi32>
      %add3A_635 = arith.addi %add3A_634, %masked_cumsum3A_632 : vector<16xi32>
      %get3A_636 = arith.index_cast %mul3A_623 : i32 to index
      %get3A_637 = tpu.vector_load %arg10[%get3A_636] {strides = array<i32>} : memref<512xi32, #tpu.memory_space<vmem>>, vector<16xi32>,
      %select_n3A = arith.select %eq3A_628, %add3A_635, %get3A_637 : vector<16xi1>, vector<16xi32>
      %swap3A_638 = arith.index_cast %mul3A_623 : i32 to index
      %swap3A_639 = tpu.vector_load %arg10[%swap3A_638] {strides = array<i32>} : memref<512xi32, #tpu.memory_space<vmem>>, vector<16xi32>,
      tpu.vector_store %arg10[%swap3A_638], %select_n3A {strides = array<i32>} : memref<512xi32, #tpu.memory_space<vmem>>, vector<16xi32>,
      %reduce_sum3A = arith.constant true
      %reduce_sum3A_640 = vector.broadcast %reduce_sum3A : i1 to vector<16xi1>
      %reduce_sum3A_641 = tpu.scan <sum>, %convert_element_type3A_629 masked %reduce_sum3A_640 : vector<16xi32>, vector<16xi1> -> vector<16xi32>
      %reduce_sum3A_642 = vector.extract %reduce_sum3A_641[15] : i32 from vector<16xi32>
      %add3A_643 = arith.addi %scan3A_621, %reduce_sum3A_642 : i32
      scf.yield %add3A_643 : i32
    }
    %scan3A_71 = arith.constant 32 : i32
    %slice3A_72 = vector.extract_strided_slice %sub3A {offsets = [3], sizes = [1], strides = [1]} : vector<16xi32> to vector<1xi32>
    %squeeze3A_73 = vector.extract %slice3A_72[0] : i32 from vector<1xi32>
    %slice3A_74 = vector.extract_strided_slice %while3A_27 {offsets = [3], sizes = [1], strides = [1]} : vector<16xi32> to vector<1xi32>
    %squeeze3A_75 = vector.extract %slice3A_74[0] : i32 from vector<1xi32>
    %add3A_76 = arith.addi %squeeze3A_73, %squeeze3A_75 : i32
    %sub3A_77 = arith.constant 1 : i32
    %sub3A_78 = arith.subi %add3A_76, %sub3A_77 : i32
    %scan3A_79 = arith.constant 0 : i32
    %scan3A_80 = arith.constant 0 : i32
    %scan3A_81 = arith.constant 32 : i32
    %scan3A_82 = arith.addi %scan3A_80, %scan3A_81 : i32
    %scan3A_83 = arith.constant 1 : i32
    %scan3A_84 = scf.for %scan3A_620 = %scan3A_80 to %scan3A_82 step %scan3A_83 iter_args(%scan3A_621 = %scan3A_79) -> (i32)  : i32 {
      %mul3A_622 = arith.constant 16 : i32
      %mul3A_623 = arith.muli %scan3A_620, %mul3A_622 : i32
      %get3A_624 = arith.index_cast %mul3A_623 : i32 to index
      %get3A_625 = tpu.vector_load %arg7[%get3A_624] {strides = array<i32>} : memref<512xi32, #tpu.memory_space<vmem>>, vector<16xi32>,
      %eq3A_626 = arith.constant 3 : i32
      %eq3A_627 = vector.broadcast %eq3A_626 : i32 to vector<16xi32>
      %eq3A_628 = arith.cmpi eq, %get3A_625, %eq3A_627 : vector<16xi32>
      %convert_element_type3A_629 = arith.extui %eq3A_628 : vector<16xi1> to vector<16xi32>
      %broadcast_in_dim3A_630 = arith.constant true
      %broadcast_in_dim3A_631 = vector.broadcast %broadcast_in_dim3A_630 : i1 to vector<16xi1>
      %masked_cumsum3A_632 = tpu.scan <sum>, %convert_element_type3A_629 masked %broadcast_in_dim3A_631 : vector<16xi32>, vector<16xi1> -> vector<16xi32>
      %add3A_633 = arith.addi %sub3A_78, %scan3A_621 : i32
      %add3A_634 = vector.broadcast %add3A_633 : i32 to vector<16xi32>
      %add3A_635 = arith.addi %add3A_634, %masked_cumsum3A_632 : vector<16xi32>
      %get3A_636 = arith.index_cast %mul3A_623 : i32 to index
      %get3A_637 = tpu.vector_load %arg10[%get3A_636] {strides = array<i32>} : memref<512xi32, #tpu.memory_space<vmem>>, vector<16xi32>,
      %select_n3A = arith.select %eq3A_628, %add3A_635, %get3A_637 : vector<16xi1>, vector<16xi32>
      %swap3A_638 = arith.index_cast %mul3A_623 : i32 to index
      %swap3A_639 = tpu.vector_load %arg10[%swap3A_638] {strides = array<i32>} : memref<512xi32, #tpu.memory_space<vmem>>, vector<16xi32>,
      tpu.vector_store %arg10[%swap3A_638], %select_n3A {strides = array<i32>} : memref<512xi32, #tpu.memory_space<vmem>>, vector<16xi32>,
      %reduce_sum3A = arith.constant true
      %reduce_sum3A_640 = vector.broadcast %reduce_sum3A : i1 to vector<16xi1>
      %reduce_sum3A_641 = tpu.scan <sum>, %convert_element_type3A_629 masked %reduce_sum3A_640 : vector<16xi32>, vector<16xi1> -> vector<16xi32>
      %reduce_sum3A_642 = vector.extract %reduce_sum3A_641[15] : i32 from vector<16xi32>
      %add3A_643 = arith.addi %scan3A_621, %reduce_sum3A_642 : i32
      scf.yield %add3A_643 : i32
    }
    %scan3A_85 = arith.constant 32 : i32
    %slice3A_86 = vector.extract_strided_slice %sub3A {offsets = [4], sizes = [1], strides = [1]} : vector<16xi32> to vector<1xi32>
    %squeeze3A_87 = vector.extract %slice3A_86[0] : i32 from vector<1xi32>
    %slice3A_88 = vector.extract_strided_slice %while3A_27 {offsets = [4], sizes = [1], strides = [1]} : vector<16xi32> to vector<1xi32>
    %squeeze3A_89 = vector.extract %slice3A_88[0] : i32 from vector<1xi32>
    %add3A_90 = arith.addi %squeeze3A_87, %squeeze3A_89 : i32
    %sub3A_91 = arith.constant 1 : i32
    %sub3A_92 = arith.subi %add3A_90, %sub3A_91 : i32
    %scan3A_93 = arith.constant 0 : i32
    %scan3A_94 = arith.constant 0 : i32
    %scan3A_95 = arith.constant 32 : i32
    %scan3A_96 = arith.addi %scan3A_94, %scan3A_95 : i32
    %scan3A_97 = arith.constant 1 : i32
    %scan3A_98 = scf.for %scan3A_620 = %scan3A_94 to %scan3A_96 step %scan3A_97 iter_args(%scan3A_621 = %scan3A_93) -> (i32)  : i32 {
      %mul3A_622 = arith.constant 16 : i32
      %mul3A_623 = arith.muli %scan3A_620, %mul3A_622 : i32
      %get3A_624 = arith.index_cast %mul3A_623 : i32 to index
      %get3A_625 = tpu.vector_load %arg7[%get3A_624] {strides = array<i32>} : memref<512xi32, #tpu.memory_space<vmem>>, vector<16xi32>,
      %eq3A_626 = arith.constant 4 : i32
      %eq3A_627 = vector.broadcast %eq3A_626 : i32 to vector<16xi32>
      %eq3A_628 = arith.cmpi eq, %get3A_625, %eq3A_627 : vector<16xi32>
      %convert_element_type3A_629 = arith.extui %eq3A_628 : vector<16xi1> to vector<16xi32>
      %broadcast_in_dim3A_630 = arith.constant true
      %broadcast_in_dim3A_631 = vector.broadcast %broadcast_in_dim3A_630 : i1 to vector<16xi1>
      %masked_cumsum3A_632 = tpu.scan <sum>, %convert_element_type3A_629 masked %broadcast_in_dim3A_631 : vector<16xi32>, vector<16xi1> -> vector<16xi32>
      %add3A_633 = arith.addi %sub3A_92, %scan3A_621 : i32
      %add3A_634 = vector.broadcast %add3A_633 : i32 to vector<16xi32>
      %add3A_635 = arith.addi %add3A_634, %masked_cumsum3A_632 : vector<16xi32>
      %get3A_636 = arith.index_cast %mul3A_623 : i32 to index
      %get3A_637 = tpu.vector_load %arg10[%get3A_636] {strides = array<i32>} : memref<512xi32, #tpu.memory_space<vmem>>, vector<16xi32>,
      %select_n3A = arith.select %eq3A_628, %add3A_635, %get3A_637 : vector<16xi1>, vector<16xi32>
      %swap3A_638 = arith.index_cast %mul3A_623 : i32 to index
      %swap3A_639 = tpu.vector_load %arg10[%swap3A_638] {strides = array<i32>} : memref<512xi32, #tpu.memory_space<vmem>>, vector<16xi32>,
      tpu.vector_store %arg10[%swap3A_638], %select_n3A {strides = array<i32>} : memref<512xi32, #tpu.memory_space<vmem>>, vector<16xi32>,
      %reduce_sum3A = arith.constant true
      %reduce_sum3A_640 = vector.broadcast %reduce_sum3A : i1 to vector<16xi1>
      %reduce_sum3A_641 = tpu.scan <sum>, %convert_element_type3A_629 masked %reduce_sum3A_640 : vector<16xi32>, vector<16xi1> -> vector<16xi32>
      %reduce_sum3A_642 = vector.extract %reduce_sum3A_641[15] : i32 from vector<16xi32>
      %add3A_643 = arith.addi %scan3A_621, %reduce_sum3A_642 : i32
      scf.yield %add3A_643 : i32
    }
    %scan3A_99 = arith.constant 32 : i32
    %slice3A_100 = vector.extract_strided_slice %sub3A {offsets = [5], sizes = [1], strides = [1]} : vector<16xi32> to vector<1xi32>
    %squeeze3A_101 = vector.extract %slice3A_100[0] : i32 from vector<1xi32>
    %slice3A_102 = vector.extract_strided_slice %while3A_27 {offsets = [5], sizes = [1], strides = [1]} : vector<16xi32> to vector<1xi32>
    %squeeze3A_103 = vector.extract %slice3A_102[0] : i32 from vector<1xi32>
    %add3A_104 = arith.addi %squeeze3A_101, %squeeze3A_103 : i32
    %sub3A_105 = arith.constant 1 : i32
    %sub3A_106 = arith.subi %add3A_104, %sub3A_105 : i32
    %scan3A_107 = arith.constant 0 : i32
    %scan3A_108 = arith.constant 0 : i32
    %scan3A_109 = arith.constant 32 : i32
    %scan3A_110 = arith.addi %scan3A_108, %scan3A_109 : i32
    %scan3A_111 = arith.constant 1 : i32
    %scan3A_112 = scf.for %scan3A_620 = %scan3A_108 to %scan3A_110 step %scan3A_111 iter_args(%scan3A_621 = %scan3A_107) -> (i32)  : i32 {
      %mul3A_622 = arith.constant 16 : i32
      %mul3A_623 = arith.muli %scan3A_620, %mul3A_622 : i32
      %get3A_624 = arith.index_cast %mul3A_623 : i32 to index
      %get3A_625 = tpu.vector_load %arg7[%get3A_624] {strides = array<i32>} : memref<512xi32, #tpu.memory_space<vmem>>, vector<16xi32>,
      %eq3A_626 = arith.constant 5 : i32
      %eq3A_627 = vector.broadcast %eq3A_626 : i32 to vector<16xi32>
      %eq3A_628 = arith.cmpi eq, %get3A_625, %eq3A_627 : vector<16xi32>
      %convert_element_type3A_629 = arith.extui %eq3A_628 : vector<16xi1> to vector<16xi32>
      %broadcast_in_dim3A_630 = arith.constant true
      %broadcast_in_dim3A_631 = vector.broadcast %broadcast_in_dim3A_630 : i1 to vector<16xi1>
      %masked_cumsum3A_632 = tpu.scan <sum>, %convert_element_type3A_629 masked %broadcast_in_dim3A_631 : vector<16xi32>, vector<16xi1> -> vector<16xi32>
      %add3A_633 = arith.addi %sub3A_106, %scan3A_621 : i32
      %add3A_634 = vector.broadcast %add3A_633 : i32 to vector<16xi32>
      %add3A_635 = arith.addi %add3A_634, %masked_cumsum3A_632 : vector<16xi32>
      %get3A_636 = arith.index_cast %mul3A_623 : i32 to index
      %get3A_637 = tpu.vector_load %arg10[%get3A_636] {strides = array<i32>} : memref<512xi32, #tpu.memory_space<vmem>>, vector<16xi32>,
      %select_n3A = arith.select %eq3A_628, %add3A_635, %get3A_637 : vector<16xi1>, vector<16xi32>
      %swap3A_638 = arith.index_cast %mul3A_623 : i32 to index
      %swap3A_639 = tpu.vector_load %arg10[%swap3A_638] {strides = array<i32>} : memref<512xi32, #tpu.memory_space<vmem>>, vector<16xi32>,
      tpu.vector_store %arg10[%swap3A_638], %select_n3A {strides = array<i32>} : memref<512xi32, #tpu.memory_space<vmem>>, vector<16xi32>,
      %reduce_sum3A = arith.constant true
      %reduce_sum3A_640 = vector.broadcast %reduce_sum3A : i1 to vector<16xi1>
      %reduce_sum3A_641 = tpu.scan <sum>, %convert_element_type3A_629 masked %reduce_sum3A_640 : vector<16xi32>, vector<16xi1> -> vector<16xi32>
      %reduce_sum3A_642 = vector.extract %reduce_sum3A_641[15] : i32 from vector<16xi32>
      %add3A_643 = arith.addi %scan3A_621, %reduce_sum3A_642 : i32
      scf.yield %add3A_643 : i32
    }
    %scan3A_113 = arith.constant 32 : i32
    %slice3A_114 = vector.extract_strided_slice %sub3A {offsets = [6], sizes = [1], strides = [1]} : vector<16xi32> to vector<1xi32>
    %squeeze3A_115 = vector.extract %slice3A_114[0] : i32 from vector<1xi32>
    %slice3A_116 = vector.extract_strided_slice %while3A_27 {offsets = [6], sizes = [1], strides = [1]} : vector<16xi32> to vector<1xi32>
    %squeeze3A_117 = vector.extract %slice3A_116[0] : i32 from vector<1xi32>
    %add3A_118 = arith.addi %squeeze3A_115, %squeeze3A_117 : i32
    %sub3A_119 = arith.constant 1 : i32
    %sub3A_120 = arith.subi %add3A_118, %sub3A_119 : i32
    %scan3A_121 = arith.constant 0 : i32
    %scan3A_122 = arith.constant 0 : i32
    %scan3A_123 = arith.constant 32 : i32
    %scan3A_124 = arith.addi %scan3A_122, %scan3A_123 : i32
    %scan3A_125 = arith.constant 1 : i32
    %scan3A_126 = scf.for %scan3A_620 = %scan3A_122 to %scan3A_124 step %scan3A_125 iter_args(%scan3A_621 = %scan3A_121) -> (i32)  : i32 {
      %mul3A_622 = arith.constant 16 : i32
      %mul3A_623 = arith.muli %scan3A_620, %mul3A_622 : i32
      %get3A_624 = arith.index_cast %mul3A_623 : i32 to index
      %get3A_625 = tpu.vector_load %arg7[%get3A_624] {strides = array<i32>} : memref<512xi32, #tpu.memory_space<vmem>>, vector<16xi32>,
      %eq3A_626 = arith.constant 6 : i32
      %eq3A_627 = vector.broadcast %eq3A_626 : i32 to vector<16xi32>
      %eq3A_628 = arith.cmpi eq, %get3A_625, %eq3A_627 : vector<16xi32>
      %convert_element_type3A_629 = arith.extui %eq3A_628 : vector<16xi1> to vector<16xi32>
      %broadcast_in_dim3A_630 = arith.constant true
      %broadcast_in_dim3A_631 = vector.broadcast %broadcast_in_dim3A_630 : i1 to vector<16xi1>
      %masked_cumsum3A_632 = tpu.scan <sum>, %convert_element_type3A_629 masked %broadcast_in_dim3A_631 : vector<16xi32>, vector<16xi1> -> vector<16xi32>
      %add3A_633 = arith.addi %sub3A_120, %scan3A_621 : i32
      %add3A_634 = vector.broadcast %add3A_633 : i32 to vector<16xi32>
      %add3A_635 = arith.addi %add3A_634, %masked_cumsum3A_632 : vector<16xi32>
      %get3A_636 = arith.index_cast %mul3A_623 : i32 to index
      %get3A_637 = tpu.vector_load %arg10[%get3A_636] {strides = array<i32>} : memref<512xi32, #tpu.memory_space<vmem>>, vector<16xi32>,
      %select_n3A = arith.select %eq3A_628, %add3A_635, %get3A_637 : vector<16xi1>, vector<16xi32>
      %swap3A_638 = arith.index_cast %mul3A_623 : i32 to index
      %swap3A_639 = tpu.vector_load %arg10[%swap3A_638] {strides = array<i32>} : memref<512xi32, #tpu.memory_space<vmem>>, vector<16xi32>,
      tpu.vector_store %arg10[%swap3A_638], %select_n3A {strides = array<i32>} : memref<512xi32, #tpu.memory_space<vmem>>, vector<16xi32>,
      %reduce_sum3A = arith.constant true
      %reduce_sum3A_640 = vector.broadcast %reduce_sum3A : i1 to vector<16xi1>
      %reduce_sum3A_641 = tpu.scan <sum>, %convert_element_type3A_629 masked %reduce_sum3A_640 : vector<16xi32>, vector<16xi1> -> vector<16xi32>
      %reduce_sum3A_642 = vector.extract %reduce_sum3A_641[15] : i32 from vector<16xi32>
      %add3A_643 = arith.addi %scan3A_621, %reduce_sum3A_642 : i32
      scf.yield %add3A_643 : i32
    }
    %scan3A_127 = arith.constant 32 : i32
    %slice3A_128 = vector.extract_strided_slice %sub3A {offsets = [7], sizes = [1], strides = [1]} : vector<16xi32> to vector<1xi32>
    %squeeze3A_129 = vector.extract %slice3A_128[0] : i32 from vector<1xi32>
    %slice3A_130 = vector.extract_strided_slice %while3A_27 {offsets = [7], sizes = [1], strides = [1]} : vector<16xi32> to vector<1xi32>
    %squeeze3A_131 = vector.extract %slice3A_130[0] : i32 from vector<1xi32>
    %add3A_132 = arith.addi %squeeze3A_129, %squeeze3A_131 : i32
    %sub3A_133 = arith.constant 1 : i32
    %sub3A_134 = arith.subi %add3A_132, %sub3A_133 : i32
    %scan3A_135 = arith.constant 0 : i32
    %scan3A_136 = arith.constant 0 : i32
    %scan3A_137 = arith.constant 32 : i32
    %scan3A_138 = arith.addi %scan3A_136, %scan3A_137 : i32
    %scan3A_139 = arith.constant 1 : i32
    %scan3A_140 = scf.for %scan3A_620 = %scan3A_136 to %scan3A_138 step %scan3A_139 iter_args(%scan3A_621 = %scan3A_135) -> (i32)  : i32 {
      %mul3A_622 = arith.constant 16 : i32
      %mul3A_623 = arith.muli %scan3A_620, %mul3A_622 : i32
      %get3A_624 = arith.index_cast %mul3A_623 : i32 to index
      %get3A_625 = tpu.vector_load %arg7[%get3A_624] {strides = array<i32>} : memref<512xi32, #tpu.memory_space<vmem>>, vector<16xi32>,
      %eq3A_626 = arith.constant 7 : i32
      %eq3A_627 = vector.broadcast %eq3A_626 : i32 to vector<16xi32>
      %eq3A_628 = arith.cmpi eq, %get3A_625, %eq3A_627 : vector<16xi32>
      %convert_element_type3A_629 = arith.extui %eq3A_628 : vector<16xi1> to vector<16xi32>
      %broadcast_in_dim3A_630 = arith.constant true
      %broadcast_in_dim3A_631 = vector.broadcast %broadcast_in_dim3A_630 : i1 to vector<16xi1>
      %masked_cumsum3A_632 = tpu.scan <sum>, %convert_element_type3A_629 masked %broadcast_in_dim3A_631 : vector<16xi32>, vector<16xi1> -> vector<16xi32>
      %add3A_633 = arith.addi %sub3A_134, %scan3A_621 : i32
      %add3A_634 = vector.broadcast %add3A_633 : i32 to vector<16xi32>
      %add3A_635 = arith.addi %add3A_634, %masked_cumsum3A_632 : vector<16xi32>
      %get3A_636 = arith.index_cast %mul3A_623 : i32 to index
      %get3A_637 = tpu.vector_load %arg10[%get3A_636] {strides = array<i32>} : memref<512xi32, #tpu.memory_space<vmem>>, vector<16xi32>,
      %select_n3A = arith.select %eq3A_628, %add3A_635, %get3A_637 : vector<16xi1>, vector<16xi32>
      %swap3A_638 = arith.index_cast %mul3A_623 : i32 to index
      %swap3A_639 = tpu.vector_load %arg10[%swap3A_638] {strides = array<i32>} : memref<512xi32, #tpu.memory_space<vmem>>, vector<16xi32>,
      tpu.vector_store %arg10[%swap3A_638], %select_n3A {strides = array<i32>} : memref<512xi32, #tpu.memory_space<vmem>>, vector<16xi32>,
      %reduce_sum3A = arith.constant true
      %reduce_sum3A_640 = vector.broadcast %reduce_sum3A : i1 to vector<16xi1>
      %reduce_sum3A_641 = tpu.scan <sum>, %convert_element_type3A_629 masked %reduce_sum3A_640 : vector<16xi32>, vector<16xi1> -> vector<16xi32>
      %reduce_sum3A_642 = vector.extract %reduce_sum3A_641[15] : i32 from vector<16xi32>
      %add3A_643 = arith.addi %scan3A_621, %reduce_sum3A_642 : i32
      scf.yield %add3A_643 : i32
    }
    %scan3A_141 = arith.constant 32 : i32
    %slice3A_142 = vector.extract_strided_slice %sub3A {offsets = [8], sizes = [1], strides = [1]} : vector<16xi32> to vector<1xi32>
    %squeeze3A_143 = vector.extract %slice3A_142[0] : i32 from vector<1xi32>
    %slice3A_144 = vector.extract_strided_slice %while3A_27 {offsets = [8], sizes = [1], strides = [1]} : vector<16xi32> to vector<1xi32>
    %squeeze3A_145 = vector.extract %slice3A_144[0] : i32 from vector<1xi32>
    %add3A_146 = arith.addi %squeeze3A_143, %squeeze3A_145 : i32
    %sub3A_147 = arith.constant 1 : i32
    %sub3A_148 = arith.subi %add3A_146, %sub3A_147 : i32
    %scan3A_149 = arith.constant 0 : i32
    %scan3A_150 = arith.constant 0 : i32
    %scan3A_151 = arith.constant 32 : i32
    %scan3A_152 = arith.addi %scan3A_150, %scan3A_151 : i32
    %scan3A_153 = arith.constant 1 : i32
    %scan3A_154 = scf.for %scan3A_620 = %scan3A_150 to %scan3A_152 step %scan3A_153 iter_args(%scan3A_621 = %scan3A_149) -> (i32)  : i32 {
      %mul3A_622 = arith.constant 16 : i32
      %mul3A_623 = arith.muli %scan3A_620, %mul3A_622 : i32
      %get3A_624 = arith.index_cast %mul3A_623 : i32 to index
      %get3A_625 = tpu.vector_load %arg7[%get3A_624] {strides = array<i32>} : memref<512xi32, #tpu.memory_space<vmem>>, vector<16xi32>,
      %eq3A_626 = arith.constant 8 : i32
      %eq3A_627 = vector.broadcast %eq3A_626 : i32 to vector<16xi32>
      %eq3A_628 = arith.cmpi eq, %get3A_625, %eq3A_627 : vector<16xi32>
      %convert_element_type3A_629 = arith.extui %eq3A_628 : vector<16xi1> to vector<16xi32>
      %broadcast_in_dim3A_630 = arith.constant true
      %broadcast_in_dim3A_631 = vector.broadcast %broadcast_in_dim3A_630 : i1 to vector<16xi1>
      %masked_cumsum3A_632 = tpu.scan <sum>, %convert_element_type3A_629 masked %broadcast_in_dim3A_631 : vector<16xi32>, vector<16xi1> -> vector<16xi32>
      %add3A_633 = arith.addi %sub3A_148, %scan3A_621 : i32
      %add3A_634 = vector.broadcast %add3A_633 : i32 to vector<16xi32>
      %add3A_635 = arith.addi %add3A_634, %masked_cumsum3A_632 : vector<16xi32>
      %get3A_636 = arith.index_cast %mul3A_623 : i32 to index
      %get3A_637 = tpu.vector_load %arg10[%get3A_636] {strides = array<i32>} : memref<512xi32, #tpu.memory_space<vmem>>, vector<16xi32>,
      %select_n3A = arith.select %eq3A_628, %add3A_635, %get3A_637 : vector<16xi1>, vector<16xi32>
      %swap3A_638 = arith.index_cast %mul3A_623 : i32 to index
      %swap3A_639 = tpu.vector_load %arg10[%swap3A_638] {strides = array<i32>} : memref<512xi32, #tpu.memory_space<vmem>>, vector<16xi32>,
      tpu.vector_store %arg10[%swap3A_638], %select_n3A {strides = array<i32>} : memref<512xi32, #tpu.memory_space<vmem>>, vector<16xi32>,
      %reduce_sum3A = arith.constant true
      %reduce_sum3A_640 = vector.broadcast %reduce_sum3A : i1 to vector<16xi1>
      %reduce_sum3A_641 = tpu.scan <sum>, %convert_element_type3A_629 masked %reduce_sum3A_640 : vector<16xi32>, vector<16xi1> -> vector<16xi32>
      %reduce_sum3A_642 = vector.extract %reduce_sum3A_641[15] : i32 from vector<16xi32>
      %add3A_643 = arith.addi %scan3A_621, %reduce_sum3A_642 : i32
      scf.yield %add3A_643 : i32
    }
    %scan3A_155 = arith.constant 32 : i32
    %slice3A_156 = vector.extract_strided_slice %sub3A {offsets = [9], sizes = [1], strides = [1]} : vector<16xi32> to vector<1xi32>
    %squeeze3A_157 = vector.extract %slice3A_156[0] : i32 from vector<1xi32>
    %slice3A_158 = vector.extract_strided_slice %while3A_27 {offsets = [9], sizes = [1], strides = [1]} : vector<16xi32> to vector<1xi32>
    %squeeze3A_159 = vector.extract %slice3A_158[0] : i32 from vector<1xi32>
    %add3A_160 = arith.addi %squeeze3A_157, %squeeze3A_159 : i32
    %sub3A_161 = arith.constant 1 : i32
    %sub3A_162 = arith.subi %add3A_160, %sub3A_161 : i32
    %scan3A_163 = arith.constant 0 : i32
    %scan3A_164 = arith.constant 0 : i32
    %scan3A_165 = arith.constant 32 : i32
    %scan3A_166 = arith.addi %scan3A_164, %scan3A_165 : i32
    %scan3A_167 = arith.constant 1 : i32
    %scan3A_168 = scf.for %scan3A_620 = %scan3A_164 to %scan3A_166 step %scan3A_167 iter_args(%scan3A_621 = %scan3A_163) -> (i32)  : i32 {
      %mul3A_622 = arith.constant 16 : i32
      %mul3A_623 = arith.muli %scan3A_620, %mul3A_622 : i32
      %get3A_624 = arith.index_cast %mul3A_623 : i32 to index
      %get3A_625 = tpu.vector_load %arg7[%get3A_624] {strides = array<i32>} : memref<512xi32, #tpu.memory_space<vmem>>, vector<16xi32>,
      %eq3A_626 = arith.constant 9 : i32
      %eq3A_627 = vector.broadcast %eq3A_626 : i32 to vector<16xi32>
      %eq3A_628 = arith.cmpi eq, %get3A_625, %eq3A_627 : vector<16xi32>
      %convert_element_type3A_629 = arith.extui %eq3A_628 : vector<16xi1> to vector<16xi32>
      %broadcast_in_dim3A_630 = arith.constant true
      %broadcast_in_dim3A_631 = vector.broadcast %broadcast_in_dim3A_630 : i1 to vector<16xi1>
      %masked_cumsum3A_632 = tpu.scan <sum>, %convert_element_type3A_629 masked %broadcast_in_dim3A_631 : vector<16xi32>, vector<16xi1> -> vector<16xi32>
      %add3A_633 = arith.addi %sub3A_162, %scan3A_621 : i32
      %add3A_634 = vector.broadcast %add3A_633 : i32 to vector<16xi32>
      %add3A_635 = arith.addi %add3A_634, %masked_cumsum3A_632 : vector<16xi32>
      %get3A_636 = arith.index_cast %mul3A_623 : i32 to index
      %get3A_637 = tpu.vector_load %arg10[%get3A_636] {strides = array<i32>} : memref<512xi32, #tpu.memory_space<vmem>>, vector<16xi32>,
      %select_n3A = arith.select %eq3A_628, %add3A_635, %get3A_637 : vector<16xi1>, vector<16xi32>
      %swap3A_638 = arith.index_cast %mul3A_623 : i32 to index
      %swap3A_639 = tpu.vector_load %arg10[%swap3A_638] {strides = array<i32>} : memref<512xi32, #tpu.memory_space<vmem>>, vector<16xi32>,
      tpu.vector_store %arg10[%swap3A_638], %select_n3A {strides = array<i32>} : memref<512xi32, #tpu.memory_space<vmem>>, vector<16xi32>,
      %reduce_sum3A = arith.constant true
      %reduce_sum3A_640 = vector.broadcast %reduce_sum3A : i1 to vector<16xi1>
      %reduce_sum3A_641 = tpu.scan <sum>, %convert_element_type3A_629 masked %reduce_sum3A_640 : vector<16xi32>, vector<16xi1> -> vector<16xi32>
      %reduce_sum3A_642 = vector.extract %reduce_sum3A_641[15] : i32 from vector<16xi32>
      %add3A_643 = arith.addi %scan3A_621, %reduce_sum3A_642 : i32
      scf.yield %add3A_643 : i32
    }
    %scan3A_169 = arith.constant 32 : i32
    %slice3A_170 = vector.extract_strided_slice %sub3A {offsets = [10], sizes = [1], strides = [1]} : vector<16xi32> to vector<1xi32>
    %squeeze3A_171 = vector.extract %slice3A_170[0] : i32 from vector<1xi32>
    %slice3A_172 = vector.extract_strided_slice %while3A_27 {offsets = [10], sizes = [1], strides = [1]} : vector<16xi32> to vector<1xi32>
    %squeeze3A_173 = vector.extract %slice3A_172[0] : i32 from vector<1xi32>
    %add3A_174 = arith.addi %squeeze3A_171, %squeeze3A_173 : i32
    %sub3A_175 = arith.constant 1 : i32
    %sub3A_176 = arith.subi %add3A_174, %sub3A_175 : i32
    %scan3A_177 = arith.constant 0 : i32
    %scan3A_178 = arith.constant 0 : i32
    %scan3A_179 = arith.constant 32 : i32
    %scan3A_180 = arith.addi %scan3A_178, %scan3A_179 : i32
    %scan3A_181 = arith.constant 1 : i32
    %scan3A_182 = scf.for %scan3A_620 = %scan3A_178 to %scan3A_180 step %scan3A_181 iter_args(%scan3A_621 = %scan3A_177) -> (i32)  : i32 {
      %mul3A_622 = arith.constant 16 : i32
      %mul3A_623 = arith.muli %scan3A_620, %mul3A_622 : i32
      %get3A_624 = arith.index_cast %mul3A_623 : i32 to index
      %get3A_625 = tpu.vector_load %arg7[%get3A_624] {strides = array<i32>} : memref<512xi32, #tpu.memory_space<vmem>>, vector<16xi32>,
      %eq3A_626 = arith.constant 10 : i32
      %eq3A_627 = vector.broadcast %eq3A_626 : i32 to vector<16xi32>
      %eq3A_628 = arith.cmpi eq, %get3A_625, %eq3A_627 : vector<16xi32>
      %convert_element_type3A_629 = arith.extui %eq3A_628 : vector<16xi1> to vector<16xi32>
      %broadcast_in_dim3A_630 = arith.constant true
      %broadcast_in_dim3A_631 = vector.broadcast %broadcast_in_dim3A_630 : i1 to vector<16xi1>
      %masked_cumsum3A_632 = tpu.scan <sum>, %convert_element_type3A_629 masked %broadcast_in_dim3A_631 : vector<16xi32>, vector<16xi1> -> vector<16xi32>
      %add3A_633 = arith.addi %sub3A_176, %scan3A_621 : i32
      %add3A_634 = vector.broadcast %add3A_633 : i32 to vector<16xi32>
      %add3A_635 = arith.addi %add3A_634, %masked_cumsum3A_632 : vector<16xi32>
      %get3A_636 = arith.index_cast %mul3A_623 : i32 to index
      %get3A_637 = tpu.vector_load %arg10[%get3A_636] {strides = array<i32>} : memref<512xi32, #tpu.memory_space<vmem>>, vector<16xi32>,
      %select_n3A = arith.select %eq3A_628, %add3A_635, %get3A_637 : vector<16xi1>, vector<16xi32>
      %swap3A_638 = arith.index_cast %mul3A_623 : i32 to index
      %swap3A_639 = tpu.vector_load %arg10[%swap3A_638] {strides = array<i32>} : memref<512xi32, #tpu.memory_space<vmem>>, vector<16xi32>,
      tpu.vector_store %arg10[%swap3A_638], %select_n3A {strides = array<i32>} : memref<512xi32, #tpu.memory_space<vmem>>, vector<16xi32>,
      %reduce_sum3A = arith.constant true
      %reduce_sum3A_640 = vector.broadcast %reduce_sum3A : i1 to vector<16xi1>
      %reduce_sum3A_641 = tpu.scan <sum>, %convert_element_type3A_629 masked %reduce_sum3A_640 : vector<16xi32>, vector<16xi1> -> vector<16xi32>
      %reduce_sum3A_642 = vector.extract %reduce_sum3A_641[15] : i32 from vector<16xi32>
      %add3A_643 = arith.addi %scan3A_621, %reduce_sum3A_642 : i32
      scf.yield %add3A_643 : i32
    }
    %scan3A_183 = arith.constant 32 : i32
    %slice3A_184 = vector.extract_strided_slice %sub3A {offsets = [11], sizes = [1], strides = [1]} : vector<16xi32> to vector<1xi32>
    %squeeze3A_185 = vector.extract %slice3A_184[0] : i32 from vector<1xi32>
    %slice3A_186 = vector.extract_strided_slice %while3A_27 {offsets = [11], sizes = [1], strides = [1]} : vector<16xi32> to vector<1xi32>
    %squeeze3A_187 = vector.extract %slice3A_186[0] : i32 from vector<1xi32>
    %add3A_188 = arith.addi %squeeze3A_185, %squeeze3A_187 : i32
    %sub3A_189 = arith.constant 1 : i32
    %sub3A_190 = arith.subi %add3A_188, %sub3A_189 : i32
    %scan3A_191 = arith.constant 0 : i32
    %scan3A_192 = arith.constant 0 : i32
    %scan3A_193 = arith.constant 32 : i32
    %scan3A_194 = arith.addi %scan3A_192, %scan3A_193 : i32
    %scan3A_195 = arith.constant 1 : i32
    %scan3A_196 = scf.for %scan3A_620 = %scan3A_192 to %scan3A_194 step %scan3A_195 iter_args(%scan3A_621 = %scan3A_191) -> (i32)  : i32 {
      %mul3A_622 = arith.constant 16 : i32
      %mul3A_623 = arith.muli %scan3A_620, %mul3A_622 : i32
      %get3A_624 = arith.index_cast %mul3A_623 : i32 to index
      %get3A_625 = tpu.vector_load %arg7[%get3A_624] {strides = array<i32>} : memref<512xi32, #tpu.memory_space<vmem>>, vector<16xi32>,
      %eq3A_626 = arith.constant 11 : i32
      %eq3A_627 = vector.broadcast %eq3A_626 : i32 to vector<16xi32>
      %eq3A_628 = arith.cmpi eq, %get3A_625, %eq3A_627 : vector<16xi32>
      %convert_element_type3A_629 = arith.extui %eq3A_628 : vector<16xi1> to vector<16xi32>
      %broadcast_in_dim3A_630 = arith.constant true
      %broadcast_in_dim3A_631 = vector.broadcast %broadcast_in_dim3A_630 : i1 to vector<16xi1>
      %masked_cumsum3A_632 = tpu.scan <sum>, %convert_element_type3A_629 masked %broadcast_in_dim3A_631 : vector<16xi32>, vector<16xi1> -> vector<16xi32>
      %add3A_633 = arith.addi %sub3A_190, %scan3A_621 : i32
      %add3A_634 = vector.broadcast %add3A_633 : i32 to vector<16xi32>
      %add3A_635 = arith.addi %add3A_634, %masked_cumsum3A_632 : vector<16xi32>
      %get3A_636 = arith.index_cast %mul3A_623 : i32 to index
      %get3A_637 = tpu.vector_load %arg10[%get3A_636] {strides = array<i32>} : memref<512xi32, #tpu.memory_space<vmem>>, vector<16xi32>,
      %select_n3A = arith.select %eq3A_628, %add3A_635, %get3A_637 : vector<16xi1>, vector<16xi32>
      %swap3A_638 = arith.index_cast %mul3A_623 : i32 to index
      %swap3A_639 = tpu.vector_load %arg10[%swap3A_638] {strides = array<i32>} : memref<512xi32, #tpu.memory_space<vmem>>, vector<16xi32>,
      tpu.vector_store %arg10[%swap3A_638], %select_n3A {strides = array<i32>} : memref<512xi32, #tpu.memory_space<vmem>>, vector<16xi32>,
      %reduce_sum3A = arith.constant true
      %reduce_sum3A_640 = vector.broadcast %reduce_sum3A : i1 to vector<16xi1>
      %reduce_sum3A_641 = tpu.scan <sum>, %convert_element_type3A_629 masked %reduce_sum3A_640 : vector<16xi32>, vector<16xi1> -> vector<16xi32>
      %reduce_sum3A_642 = vector.extract %reduce_sum3A_641[15] : i32 from vector<16xi32>
      %add3A_643 = arith.addi %scan3A_621, %reduce_sum3A_642 : i32
      scf.yield %add3A_643 : i32
    }
    %scan3A_197 = arith.constant 32 : i32
    %slice3A_198 = vector.extract_strided_slice %sub3A {offsets = [12], sizes = [1], strides = [1]} : vector<16xi32> to vector<1xi32>
    %squeeze3A_199 = vector.extract %slice3A_198[0] : i32 from vector<1xi32>
    %slice3A_200 = vector.extract_strided_slice %while3A_27 {offsets = [12], sizes = [1], strides = [1]} : vector<16xi32> to vector<1xi32>
    %squeeze3A_201 = vector.extract %slice3A_200[0] : i32 from vector<1xi32>
    %add3A_202 = arith.addi %squeeze3A_199, %squeeze3A_201 : i32
    %sub3A_203 = arith.constant 1 : i32
    %sub3A_204 = arith.subi %add3A_202, %sub3A_203 : i32
    %scan3A_205 = arith.constant 0 : i32
    %scan3A_206 = arith.constant 0 : i32
    %scan3A_207 = arith.constant 32 : i32
    %scan3A_208 = arith.addi %scan3A_206, %scan3A_207 : i32
    %scan3A_209 = arith.constant 1 : i32
    %scan3A_210 = scf.for %scan3A_620 = %scan3A_206 to %scan3A_208 step %scan3A_209 iter_args(%scan3A_621 = %scan3A_205) -> (i32)  : i32 {
      %mul3A_622 = arith.constant 16 : i32
      %mul3A_623 = arith.muli %scan3A_620, %mul3A_622 : i32
      %get3A_624 = arith.index_cast %mul3A_623 : i32 to index
      %get3A_625 = tpu.vector_load %arg7[%get3A_624] {strides = array<i32>} : memref<512xi32, #tpu.memory_space<vmem>>, vector<16xi32>,
      %eq3A_626 = arith.constant 12 : i32
      %eq3A_627 = vector.broadcast %eq3A_626 : i32 to vector<16xi32>
      %eq3A_628 = arith.cmpi eq, %get3A_625, %eq3A_627 : vector<16xi32>
      %convert_element_type3A_629 = arith.extui %eq3A_628 : vector<16xi1> to vector<16xi32>
      %broadcast_in_dim3A_630 = arith.constant true
      %broadcast_in_dim3A_631 = vector.broadcast %broadcast_in_dim3A_630 : i1 to vector<16xi1>
      %masked_cumsum3A_632 = tpu.scan <sum>, %convert_element_type3A_629 masked %broadcast_in_dim3A_631 : vector<16xi32>, vector<16xi1> -> vector<16xi32>
      %add3A_633 = arith.addi %sub3A_204, %scan3A_621 : i32
      %add3A_634 = vector.broadcast %add3A_633 : i32 to vector<16xi32>
      %add3A_635 = arith.addi %add3A_634, %masked_cumsum3A_632 : vector<16xi32>
      %get3A_636 = arith.index_cast %mul3A_623 : i32 to index
      %get3A_637 = tpu.vector_load %arg10[%get3A_636] {strides = array<i32>} : memref<512xi32, #tpu.memory_space<vmem>>, vector<16xi32>,
      %select_n3A = arith.select %eq3A_628, %add3A_635, %get3A_637 : vector<16xi1>, vector<16xi32>
      %swap3A_638 = arith.index_cast %mul3A_623 : i32 to index
      %swap3A_639 = tpu.vector_load %arg10[%swap3A_638] {strides = array<i32>} : memref<512xi32, #tpu.memory_space<vmem>>, vector<16xi32>,
      tpu.vector_store %arg10[%swap3A_638], %select_n3A {strides = array<i32>} : memref<512xi32, #tpu.memory_space<vmem>>, vector<16xi32>,
      %reduce_sum3A = arith.constant true
      %reduce_sum3A_640 = vector.broadcast %reduce_sum3A : i1 to vector<16xi1>
      %reduce_sum3A_641 = tpu.scan <sum>, %convert_element_type3A_629 masked %reduce_sum3A_640 : vector<16xi32>, vector<16xi1> -> vector<16xi32>
      %reduce_sum3A_642 = vector.extract %reduce_sum3A_641[15] : i32 from vector<16xi32>
      %add3A_643 = arith.addi %scan3A_621, %reduce_sum3A_642 : i32
      scf.yield %add3A_643 : i32
    }
    %scan3A_211 = arith.constant 32 : i32
    %slice3A_212 = vector.extract_strided_slice %sub3A {offsets = [13], sizes = [1], strides = [1]} : vector<16xi32> to vector<1xi32>
    %squeeze3A_213 = vector.extract %slice3A_212[0] : i32 from vector<1xi32>
    %slice3A_214 = vector.extract_strided_slice %while3A_27 {offsets = [13], sizes = [1], strides = [1]} : vector<16xi32> to vector<1xi32>
    %squeeze3A_215 = vector.extract %slice3A_214[0] : i32 from vector<1xi32>
    %add3A_216 = arith.addi %squeeze3A_213, %squeeze3A_215 : i32
    %sub3A_217 = arith.constant 1 : i32
    %sub3A_218 = arith.subi %add3A_216, %sub3A_217 : i32
    %scan3A_219 = arith.constant 0 : i32
    %scan3A_220 = arith.constant 0 : i32
    %scan3A_221 = arith.constant 32 : i32
    %scan3A_222 = arith.addi %scan3A_220, %scan3A_221 : i32
    %scan3A_223 = arith.constant 1 : i32
    %scan3A_224 = scf.for %scan3A_620 = %scan3A_220 to %scan3A_222 step %scan3A_223 iter_args(%scan3A_621 = %scan3A_219) -> (i32)  : i32 {
      %mul3A_622 = arith.constant 16 : i32
      %mul3A_623 = arith.muli %scan3A_620, %mul3A_622 : i32
      %get3A_624 = arith.index_cast %mul3A_623 : i32 to index
      %get3A_625 = tpu.vector_load %arg7[%get3A_624] {strides = array<i32>} : memref<512xi32, #tpu.memory_space<vmem>>, vector<16xi32>,
      %eq3A_626 = arith.constant 13 : i32
      %eq3A_627 = vector.broadcast %eq3A_626 : i32 to vector<16xi32>
      %eq3A_628 = arith.cmpi eq, %get3A_625, %eq3A_627 : vector<16xi32>
      %convert_element_type3A_629 = arith.extui %eq3A_628 : vector<16xi1> to vector<16xi32>
      %broadcast_in_dim3A_630 = arith.constant true
      %broadcast_in_dim3A_631 = vector.broadcast %broadcast_in_dim3A_630 : i1 to vector<16xi1>
      %masked_cumsum3A_632 = tpu.scan <sum>, %convert_element_type3A_629 masked %broadcast_in_dim3A_631 : vector<16xi32>, vector<16xi1> -> vector<16xi32>
      %add3A_633 = arith.addi %sub3A_218, %scan3A_621 : i32
      %add3A_634 = vector.broadcast %add3A_633 : i32 to vector<16xi32>
      %add3A_635 = arith.addi %add3A_634, %masked_cumsum3A_632 : vector<16xi32>
      %get3A_636 = arith.index_cast %mul3A_623 : i32 to index
      %get3A_637 = tpu.vector_load %arg10[%get3A_636] {strides = array<i32>} : memref<512xi32, #tpu.memory_space<vmem>>, vector<16xi32>,
      %select_n3A = arith.select %eq3A_628, %add3A_635, %get3A_637 : vector<16xi1>, vector<16xi32>
      %swap3A_638 = arith.index_cast %mul3A_623 : i32 to index
      %swap3A_639 = tpu.vector_load %arg10[%swap3A_638] {strides = array<i32>} : memref<512xi32, #tpu.memory_space<vmem>>, vector<16xi32>,
      tpu.vector_store %arg10[%swap3A_638], %select_n3A {strides = array<i32>} : memref<512xi32, #tpu.memory_space<vmem>>, vector<16xi32>,
      %reduce_sum3A = arith.constant true
      %reduce_sum3A_640 = vector.broadcast %reduce_sum3A : i1 to vector<16xi1>
      %reduce_sum3A_641 = tpu.scan <sum>, %convert_element_type3A_629 masked %reduce_sum3A_640 : vector<16xi32>, vector<16xi1> -> vector<16xi32>
      %reduce_sum3A_642 = vector.extract %reduce_sum3A_641[15] : i32 from vector<16xi32>
      %add3A_643 = arith.addi %scan3A_621, %reduce_sum3A_642 : i32
      scf.yield %add3A_643 : i32
    }
    %scan3A_225 = arith.constant 32 : i32
    %slice3A_226 = vector.extract_strided_slice %sub3A {offsets = [14], sizes = [1], strides = [1]} : vector<16xi32> to vector<1xi32>
    %squeeze3A_227 = vector.extract %slice3A_226[0] : i32 from vector<1xi32>
    %slice3A_228 = vector.extract_strided_slice %while3A_27 {offsets = [14], sizes = [1], strides = [1]} : vector<16xi32> to vector<1xi32>
    %squeeze3A_229 = vector.extract %slice3A_228[0] : i32 from vector<1xi32>
    %add3A_230 = arith.addi %squeeze3A_227, %squeeze3A_229 : i32
    %sub3A_231 = arith.constant 1 : i32
    %sub3A_232 = arith.subi %add3A_230, %sub3A_231 : i32
    %scan3A_233 = arith.constant 0 : i32
    %scan3A_234 = arith.constant 0 : i32
    %scan3A_235 = arith.constant 32 : i32
    %scan3A_236 = arith.addi %scan3A_234, %scan3A_235 : i32
    %scan3A_237 = arith.constant 1 : i32
    %scan3A_238 = scf.for %scan3A_620 = %scan3A_234 to %scan3A_236 step %scan3A_237 iter_args(%scan3A_621 = %scan3A_233) -> (i32)  : i32 {
      %mul3A_622 = arith.constant 16 : i32
      %mul3A_623 = arith.muli %scan3A_620, %mul3A_622 : i32
      %get3A_624 = arith.index_cast %mul3A_623 : i32 to index
      %get3A_625 = tpu.vector_load %arg7[%get3A_624] {strides = array<i32>} : memref<512xi32, #tpu.memory_space<vmem>>, vector<16xi32>,
      %eq3A_626 = arith.constant 14 : i32
      %eq3A_627 = vector.broadcast %eq3A_626 : i32 to vector<16xi32>
      %eq3A_628 = arith.cmpi eq, %get3A_625, %eq3A_627 : vector<16xi32>
      %convert_element_type3A_629 = arith.extui %eq3A_628 : vector<16xi1> to vector<16xi32>
      %broadcast_in_dim3A_630 = arith.constant true
      %broadcast_in_dim3A_631 = vector.broadcast %broadcast_in_dim3A_630 : i1 to vector<16xi1>
      %masked_cumsum3A_632 = tpu.scan <sum>, %convert_element_type3A_629 masked %broadcast_in_dim3A_631 : vector<16xi32>, vector<16xi1> -> vector<16xi32>
      %add3A_633 = arith.addi %sub3A_232, %scan3A_621 : i32
      %add3A_634 = vector.broadcast %add3A_633 : i32 to vector<16xi32>
      %add3A_635 = arith.addi %add3A_634, %masked_cumsum3A_632 : vector<16xi32>
      %get3A_636 = arith.index_cast %mul3A_623 : i32 to index
      %get3A_637 = tpu.vector_load %arg10[%get3A_636] {strides = array<i32>} : memref<512xi32, #tpu.memory_space<vmem>>, vector<16xi32>,
      %select_n3A = arith.select %eq3A_628, %add3A_635, %get3A_637 : vector<16xi1>, vector<16xi32>
      %swap3A_638 = arith.index_cast %mul3A_623 : i32 to index
      %swap3A_639 = tpu.vector_load %arg10[%swap3A_638] {strides = array<i32>} : memref<512xi32, #tpu.memory_space<vmem>>, vector<16xi32>,
      tpu.vector_store %arg10[%swap3A_638], %select_n3A {strides = array<i32>} : memref<512xi32, #tpu.memory_space<vmem>>, vector<16xi32>,
      %reduce_sum3A = arith.constant true
      %reduce_sum3A_640 = vector.broadcast %reduce_sum3A : i1 to vector<16xi1>
      %reduce_sum3A_641 = tpu.scan <sum>, %convert_element_type3A_629 masked %reduce_sum3A_640 : vector<16xi32>, vector<16xi1> -> vector<16xi32>
      %reduce_sum3A_642 = vector.extract %reduce_sum3A_641[15] : i32 from vector<16xi32>
      %add3A_643 = arith.addi %scan3A_621, %reduce_sum3A_642 : i32
      scf.yield %add3A_643 : i32
    }
    %scan3A_239 = arith.constant 32 : i32
    %slice3A_240 = vector.extract_strided_slice %sub3A {offsets = [15], sizes = [1], strides = [1]} : vector<16xi32> to vector<1xi32>
    %squeeze3A_241 = vector.extract %slice3A_240[0] : i32 from vector<1xi32>
    %slice3A_242 = vector.extract_strided_slice %while3A_27 {offsets = [15], sizes = [1], strides = [1]} : vector<16xi32> to vector<1xi32>
    %squeeze3A_243 = vector.extract %slice3A_242[0] : i32 from vector<1xi32>
    %add3A_244 = arith.addi %squeeze3A_241, %squeeze3A_243 : i32
    %sub3A_245 = arith.constant 1 : i32
    %sub3A_246 = arith.subi %add3A_244, %sub3A_245 : i32
    %scan3A_247 = arith.constant 0 : i32
    %scan3A_248 = arith.constant 0 : i32
    %scan3A_249 = arith.constant 32 : i32
    %scan3A_250 = arith.addi %scan3A_248, %scan3A_249 : i32
    %scan3A_251 = arith.constant 1 : i32
    %scan3A_252 = scf.for %scan3A_620 = %scan3A_248 to %scan3A_250 step %scan3A_251 iter_args(%scan3A_621 = %scan3A_247) -> (i32)  : i32 {
      %mul3A_622 = arith.constant 16 : i32
      %mul3A_623 = arith.muli %scan3A_620, %mul3A_622 : i32
      %get3A_624 = arith.index_cast %mul3A_623 : i32 to index
      %get3A_625 = tpu.vector_load %arg7[%get3A_624] {strides = array<i32>} : memref<512xi32, #tpu.memory_space<vmem>>, vector<16xi32>,
      %eq3A_626 = arith.constant 15 : i32
      %eq3A_627 = vector.broadcast %eq3A_626 : i32 to vector<16xi32>
      %eq3A_628 = arith.cmpi eq, %get3A_625, %eq3A_627 : vector<16xi32>
      %convert_element_type3A_629 = arith.extui %eq3A_628 : vector<16xi1> to vector<16xi32>
      %broadcast_in_dim3A_630 = arith.constant true
      %broadcast_in_dim3A_631 = vector.broadcast %broadcast_in_dim3A_630 : i1 to vector<16xi1>
      %masked_cumsum3A_632 = tpu.scan <sum>, %convert_element_type3A_629 masked %broadcast_in_dim3A_631 : vector<16xi32>, vector<16xi1> -> vector<16xi32>
      %add3A_633 = arith.addi %sub3A_246, %scan3A_621 : i32
      %add3A_634 = vector.broadcast %add3A_633 : i32 to vector<16xi32>
      %add3A_635 = arith.addi %add3A_634, %masked_cumsum3A_632 : vector<16xi32>
      %get3A_636 = arith.index_cast %mul3A_623 : i32 to index
      %get3A_637 = tpu.vector_load %arg10[%get3A_636] {strides = array<i32>} : memref<512xi32, #tpu.memory_space<vmem>>, vector<16xi32>,
      %select_n3A = arith.select %eq3A_628, %add3A_635, %get3A_637 : vector<16xi1>, vector<16xi32>
      %swap3A_638 = arith.index_cast %mul3A_623 : i32 to index
      %swap3A_639 = tpu.vector_load %arg10[%swap3A_638] {strides = array<i32>} : memref<512xi32, #tpu.memory_space<vmem>>, vector<16xi32>,
      tpu.vector_store %arg10[%swap3A_638], %select_n3A {strides = array<i32>} : memref<512xi32, #tpu.memory_space<vmem>>, vector<16xi32>,
      %reduce_sum3A = arith.constant true
      %reduce_sum3A_640 = vector.broadcast %reduce_sum3A : i1 to vector<16xi1>
      %reduce_sum3A_641 = tpu.scan <sum>, %convert_element_type3A_629 masked %reduce_sum3A_640 : vector<16xi32>, vector<16xi1> -> vector<16xi32>
      %reduce_sum3A_642 = vector.extract %reduce_sum3A_641[15] : i32 from vector<16xi32>
      %add3A_643 = arith.addi %scan3A_621, %reduce_sum3A_642 : i32
      scf.yield %add3A_643 : i32
    }
    %scan3A_253 = arith.constant 32 : i32
    %get3A = arith.constant 0 : index
    %get3A_254 = tpu.vector_load %arg10[%get3A] {strides = array<i32>} : memref<512xi32, #tpu.memory_space<vmem>>, vector<16xi32>,
    %jit3A = arith.constant 0 : i32
    %jit3A_255 = arith.constant 24575 : i32
    %max3A = vector.broadcast %jit3A : i32 to vector<16xi32>
    %max3A_256 = arith.maxsi %max3A, %get3A_254 : vector<16xi32>
    %min3A = vector.broadcast %jit3A_255 : i32 to vector<16xi32>
    %min3A_257 = arith.minsi %min3A, %max3A_256 : vector<16xi32>
    %swap3A = arith.constant 0 : index
    %swap3A_258 = tpu.vector_load %arg11[%swap3A] {strides = array<i32>} : memref<128xi32, #tpu.memory_space<vmem>>, vector<16xi32>,
    tpu.vector_store %arg11[%swap3A], %min3A_257 {strides = array<i32>} : memref<128xi32, #tpu.memory_space<vmem>>, vector<16xi32>,
    %get3A_259 = arith.constant 16 : index
    %get3A_260 = tpu.vector_load %arg10[%get3A_259] {strides = array<i32>} : memref<512xi32, #tpu.memory_space<vmem>>, vector<16xi32>,
    %jit3A_261 = arith.constant 0 : i32
    %jit3A_262 = arith.constant 24575 : i32
    %max3A_263 = vector.broadcast %jit3A_261 : i32 to vector<16xi32>
    %max3A_264 = arith.maxsi %max3A_263, %get3A_260 : vector<16xi32>
    %min3A_265 = vector.broadcast %jit3A_262 : i32 to vector<16xi32>
    %min3A_266 = arith.minsi %min3A_265, %max3A_264 : vector<16xi32>
    %swap3A_267 = arith.constant 16 : index
    %swap3A_268 = tpu.vector_load %arg11[%swap3A_267] {strides = array<i32>} : memref<128xi32, #tpu.memory_space<vmem>>, vector<16xi32>,
    tpu.vector_store %arg11[%swap3A_267], %min3A_266 {strides = array<i32>} : memref<128xi32, #tpu.memory_space<vmem>>, vector<16xi32>,
    %get3A_269 = arith.constant 32 : index
    %get3A_270 = tpu.vector_load %arg10[%get3A_269] {strides = array<i32>} : memref<512xi32, #tpu.memory_space<vmem>>, vector<16xi32>,
    %jit3A_271 = arith.constant 0 : i32
    %jit3A_272 = arith.constant 24575 : i32
    %max3A_273 = vector.broadcast %jit3A_271 : i32 to vector<16xi32>
    %max3A_274 = arith.maxsi %max3A_273, %get3A_270 : vector<16xi32>
    %min3A_275 = vector.broadcast %jit3A_272 : i32 to vector<16xi32>
    %min3A_276 = arith.minsi %min3A_275, %max3A_274 : vector<16xi32>
    %swap3A_277 = arith.constant 32 : index
    %swap3A_278 = tpu.vector_load %arg11[%swap3A_277] {strides = array<i32>} : memref<128xi32, #tpu.memory_space<vmem>>, vector<16xi32>,
    tpu.vector_store %arg11[%swap3A_277], %min3A_276 {strides = array<i32>} : memref<128xi32, #tpu.memory_space<vmem>>, vector<16xi32>,
    %get3A_279 = arith.constant 48 : index
    %get3A_280 = tpu.vector_load %arg10[%get3A_279] {strides = array<i32>} : memref<512xi32, #tpu.memory_space<vmem>>, vector<16xi32>,
    %jit3A_281 = arith.constant 0 : i32
    %jit3A_282 = arith.constant 24575 : i32
    %max3A_283 = vector.broadcast %jit3A_281 : i32 to vector<16xi32>
    %max3A_284 = arith.maxsi %max3A_283, %get3A_280 : vector<16xi32>
    %min3A_285 = vector.broadcast %jit3A_282 : i32 to vector<16xi32>
    %min3A_286 = arith.minsi %min3A_285, %max3A_284 : vector<16xi32>
    %swap3A_287 = arith.constant 48 : index
    %swap3A_288 = tpu.vector_load %arg11[%swap3A_287] {strides = array<i32>} : memref<128xi32, #tpu.memory_space<vmem>>, vector<16xi32>,
    tpu.vector_store %arg11[%swap3A_287], %min3A_286 {strides = array<i32>} : memref<128xi32, #tpu.memory_space<vmem>>, vector<16xi32>,
    %get3A_289 = arith.constant 64 : index
    %get3A_290 = tpu.vector_load %arg10[%get3A_289] {strides = array<i32>} : memref<512xi32, #tpu.memory_space<vmem>>, vector<16xi32>,
    %jit3A_291 = arith.constant 0 : i32
    %jit3A_292 = arith.constant 24575 : i32
    %max3A_293 = vector.broadcast %jit3A_291 : i32 to vector<16xi32>
    %max3A_294 = arith.maxsi %max3A_293, %get3A_290 : vector<16xi32>
    %min3A_295 = vector.broadcast %jit3A_292 : i32 to vector<16xi32>
    %min3A_296 = arith.minsi %min3A_295, %max3A_294 : vector<16xi32>
    %swap3A_297 = arith.constant 64 : index
    %swap3A_298 = tpu.vector_load %arg11[%swap3A_297] {strides = array<i32>} : memref<128xi32, #tpu.memory_space<vmem>>, vector<16xi32>,
    tpu.vector_store %arg11[%swap3A_297], %min3A_296 {strides = array<i32>} : memref<128xi32, #tpu.memory_space<vmem>>, vector<16xi32>,
    %get3A_299 = arith.constant 80 : index
    %get3A_300 = tpu.vector_load %arg10[%get3A_299] {strides = array<i32>} : memref<512xi32, #tpu.memory_space<vmem>>, vector<16xi32>,
    %jit3A_301 = arith.constant 0 : i32
    %jit3A_302 = arith.constant 24575 : i32
    %max3A_303 = vector.broadcast %jit3A_301 : i32 to vector<16xi32>
    %max3A_304 = arith.maxsi %max3A_303, %get3A_300 : vector<16xi32>
    %min3A_305 = vector.broadcast %jit3A_302 : i32 to vector<16xi32>
    %min3A_306 = arith.minsi %min3A_305, %max3A_304 : vector<16xi32>
    %swap3A_307 = arith.constant 80 : index
    %swap3A_308 = tpu.vector_load %arg11[%swap3A_307] {strides = array<i32>} : memref<128xi32, #tpu.memory_space<vmem>>, vector<16xi32>,
    tpu.vector_store %arg11[%swap3A_307], %min3A_306 {strides = array<i32>} : memref<128xi32, #tpu.memory_space<vmem>>, vector<16xi32>,
    %get3A_309 = arith.constant 96 : index
    %get3A_310 = tpu.vector_load %arg10[%get3A_309] {strides = array<i32>} : memref<512xi32, #tpu.memory_space<vmem>>, vector<16xi32>,
    %jit3A_311 = arith.constant 0 : i32
    %jit3A_312 = arith.constant 24575 : i32
    %max3A_313 = vector.broadcast %jit3A_311 : i32 to vector<16xi32>
    %max3A_314 = arith.maxsi %max3A_313, %get3A_310 : vector<16xi32>
    %min3A_315 = vector.broadcast %jit3A_312 : i32 to vector<16xi32>
    %min3A_316 = arith.minsi %min3A_315, %max3A_314 : vector<16xi32>
    %swap3A_317 = arith.constant 96 : index
    %swap3A_318 = tpu.vector_load %arg11[%swap3A_317] {strides = array<i32>} : memref<128xi32, #tpu.memory_space<vmem>>, vector<16xi32>,
    tpu.vector_store %arg11[%swap3A_317], %min3A_316 {strides = array<i32>} : memref<128xi32, #tpu.memory_space<vmem>>, vector<16xi32>,
    %get3A_319 = arith.constant 112 : index
    %get3A_320 = tpu.vector_load %arg10[%get3A_319] {strides = array<i32>} : memref<512xi32, #tpu.memory_space<vmem>>, vector<16xi32>,
    %jit3A_321 = arith.constant 0 : i32
    %jit3A_322 = arith.constant 24575 : i32
    %max3A_323 = vector.broadcast %jit3A_321 : i32 to vector<16xi32>
    %max3A_324 = arith.maxsi %max3A_323, %get3A_320 : vector<16xi32>
    %min3A_325 = vector.broadcast %jit3A_322 : i32 to vector<16xi32>
    %min3A_326 = arith.minsi %min3A_325, %max3A_324 : vector<16xi32>
    %swap3A_327 = arith.constant 112 : index
    %swap3A_328 = tpu.vector_load %arg11[%swap3A_327] {strides = array<i32>} : memref<128xi32, #tpu.memory_space<vmem>>, vector<16xi32>,
    tpu.vector_store %arg11[%swap3A_327], %min3A_326 {strides = array<i32>} : memref<128xi32, #tpu.memory_space<vmem>>, vector<16xi32>,
    %get3A_329 = arith.constant 128 : index
    %get3A_330 = tpu.vector_load %arg10[%get3A_329] {strides = array<i32>} : memref<512xi32, #tpu.memory_space<vmem>>, vector<16xi32>,
    %jit3A_331 = arith.constant 0 : i32
    %jit3A_332 = arith.constant 24575 : i32
    %max3A_333 = vector.broadcast %jit3A_331 : i32 to vector<16xi32>
    %max3A_334 = arith.maxsi %max3A_333, %get3A_330 : vector<16xi32>
    %min3A_335 = vector.broadcast %jit3A_332 : i32 to vector<16xi32>
    %min3A_336 = arith.minsi %min3A_335, %max3A_334 : vector<16xi32>
    %swap3A_337 = arith.constant 0 : index
    %swap3A_338 = tpu.vector_load %arg12[%swap3A_337] {strides = array<i32>} : memref<128xi32, #tpu.memory_space<vmem>>, vector<16xi32>,
    tpu.vector_store %arg12[%swap3A_337], %min3A_336 {strides = array<i32>} : memref<128xi32, #tpu.memory_space<vmem>>, vector<16xi32>,
    %get3A_339 = arith.constant 144 : index
    %get3A_340 = tpu.vector_load %arg10[%get3A_339] {strides = array<i32>} : memref<512xi32, #tpu.memory_space<vmem>>, vector<16xi32>,
    %jit3A_341 = arith.constant 0 : i32
    %jit3A_342 = arith.constant 24575 : i32
    %max3A_343 = vector.broadcast %jit3A_341 : i32 to vector<16xi32>
    %max3A_344 = arith.maxsi %max3A_343, %get3A_340 : vector<16xi32>
    %min3A_345 = vector.broadcast %jit3A_342 : i32 to vector<16xi32>
    %min3A_346 = arith.minsi %min3A_345, %max3A_344 : vector<16xi32>
    %swap3A_347 = arith.constant 16 : index
    %swap3A_348 = tpu.vector_load %arg12[%swap3A_347] {strides = array<i32>} : memref<128xi32, #tpu.memory_space<vmem>>, vector<16xi32>,
    tpu.vector_store %arg12[%swap3A_347], %min3A_346 {strides = array<i32>} : memref<128xi32, #tpu.memory_space<vmem>>, vector<16xi32>,
    %get3A_349 = arith.constant 160 : index
    %get3A_350 = tpu.vector_load %arg10[%get3A_349] {strides = array<i32>} : memref<512xi32, #tpu.memory_space<vmem>>, vector<16xi32>,
    %jit3A_351 = arith.constant 0 : i32
    %jit3A_352 = arith.constant 24575 : i32
    %max3A_353 = vector.broadcast %jit3A_351 : i32 to vector<16xi32>
    %max3A_354 = arith.maxsi %max3A_353, %get3A_350 : vector<16xi32>
    %min3A_355 = vector.broadcast %jit3A_352 : i32 to vector<16xi32>
    %min3A_356 = arith.minsi %min3A_355, %max3A_354 : vector<16xi32>
    %swap3A_357 = arith.constant 32 : index
    %swap3A_358 = tpu.vector_load %arg12[%swap3A_357] {strides = array<i32>} : memref<128xi32, #tpu.memory_space<vmem>>, vector<16xi32>,
    tpu.vector_store %arg12[%swap3A_357], %min3A_356 {strides = array<i32>} : memref<128xi32, #tpu.memory_space<vmem>>, vector<16xi32>,
    %get3A_359 = arith.constant 176 : index
    %get3A_360 = tpu.vector_load %arg10[%get3A_359] {strides = array<i32>} : memref<512xi32, #tpu.memory_space<vmem>>, vector<16xi32>,
    %jit3A_361 = arith.constant 0 : i32
    %jit3A_362 = arith.constant 24575 : i32
    %max3A_363 = vector.broadcast %jit3A_361 : i32 to vector<16xi32>
    %max3A_364 = arith.maxsi %max3A_363, %get3A_360 : vector<16xi32>
    %min3A_365 = vector.broadcast %jit3A_362 : i32 to vector<16xi32>
    %min3A_366 = arith.minsi %min3A_365, %max3A_364 : vector<16xi32>
    %swap3A_367 = arith.constant 48 : index
    %swap3A_368 = tpu.vector_load %arg12[%swap3A_367] {strides = array<i32>} : memref<128xi32, #tpu.memory_space<vmem>>, vector<16xi32>,
    tpu.vector_store %arg12[%swap3A_367], %min3A_366 {strides = array<i32>} : memref<128xi32, #tpu.memory_space<vmem>>, vector<16xi32>,
    %get3A_369 = arith.constant 192 : index
    %get3A_370 = tpu.vector_load %arg10[%get3A_369] {strides = array<i32>} : memref<512xi32, #tpu.memory_space<vmem>>, vector<16xi32>,
    %jit3A_371 = arith.constant 0 : i32
    %jit3A_372 = arith.constant 24575 : i32
    %max3A_373 = vector.broadcast %jit3A_371 : i32 to vector<16xi32>
    %max3A_374 = arith.maxsi %max3A_373, %get3A_370 : vector<16xi32>
    %min3A_375 = vector.broadcast %jit3A_372 : i32 to vector<16xi32>
    %min3A_376 = arith.minsi %min3A_375, %max3A_374 : vector<16xi32>
    %swap3A_377 = arith.constant 64 : index
    %swap3A_378 = tpu.vector_load %arg12[%swap3A_377] {strides = array<i32>} : memref<128xi32, #tpu.memory_space<vmem>>, vector<16xi32>,
    tpu.vector_store %arg12[%swap3A_377], %min3A_376 {strides = array<i32>} : memref<128xi32, #tpu.memory_space<vmem>>, vector<16xi32>,
    %get3A_379 = arith.constant 208 : index
    %get3A_380 = tpu.vector_load %arg10[%get3A_379] {strides = array<i32>} : memref<512xi32, #tpu.memory_space<vmem>>, vector<16xi32>,
    %jit3A_381 = arith.constant 0 : i32
    %jit3A_382 = arith.constant 24575 : i32
    %max3A_383 = vector.broadcast %jit3A_381 : i32 to vector<16xi32>
    %max3A_384 = arith.maxsi %max3A_383, %get3A_380 : vector<16xi32>
    %min3A_385 = vector.broadcast %jit3A_382 : i32 to vector<16xi32>
    %min3A_386 = arith.minsi %min3A_385, %max3A_384 : vector<16xi32>
    %swap3A_387 = arith.constant 80 : index
    %swap3A_388 = tpu.vector_load %arg12[%swap3A_387] {strides = array<i32>} : memref<128xi32, #tpu.memory_space<vmem>>, vector<16xi32>,
    tpu.vector_store %arg12[%swap3A_387], %min3A_386 {strides = array<i32>} : memref<128xi32, #tpu.memory_space<vmem>>, vector<16xi32>,
    %get3A_389 = arith.constant 224 : index
    %get3A_390 = tpu.vector_load %arg10[%get3A_389] {strides = array<i32>} : memref<512xi32, #tpu.memory_space<vmem>>, vector<16xi32>,
    %jit3A_391 = arith.constant 0 : i32
    %jit3A_392 = arith.constant 24575 : i32
    %max3A_393 = vector.broadcast %jit3A_391 : i32 to vector<16xi32>
    %max3A_394 = arith.maxsi %max3A_393, %get3A_390 : vector<16xi32>
    %min3A_395 = vector.broadcast %jit3A_392 : i32 to vector<16xi32>
    %min3A_396 = arith.minsi %min3A_395, %max3A_394 : vector<16xi32>
    %swap3A_397 = arith.constant 96 : index
    %swap3A_398 = tpu.vector_load %arg12[%swap3A_397] {strides = array<i32>} : memref<128xi32, #tpu.memory_space<vmem>>, vector<16xi32>,
    tpu.vector_store %arg12[%swap3A_397], %min3A_396 {strides = array<i32>} : memref<128xi32, #tpu.memory_space<vmem>>, vector<16xi32>,
    %get3A_399 = arith.constant 240 : index
    %get3A_400 = tpu.vector_load %arg10[%get3A_399] {strides = array<i32>} : memref<512xi32, #tpu.memory_space<vmem>>, vector<16xi32>,
    %jit3A_401 = arith.constant 0 : i32
    %jit3A_402 = arith.constant 24575 : i32
    %max3A_403 = vector.broadcast %jit3A_401 : i32 to vector<16xi32>
    %max3A_404 = arith.maxsi %max3A_403, %get3A_400 : vector<16xi32>
    %min3A_405 = vector.broadcast %jit3A_402 : i32 to vector<16xi32>
    %min3A_406 = arith.minsi %min3A_405, %max3A_404 : vector<16xi32>
    %swap3A_407 = arith.constant 112 : index
    %swap3A_408 = tpu.vector_load %arg12[%swap3A_407] {strides = array<i32>} : memref<128xi32, #tpu.memory_space<vmem>>, vector<16xi32>,
    tpu.vector_store %arg12[%swap3A_407], %min3A_406 {strides = array<i32>} : memref<128xi32, #tpu.memory_space<vmem>>, vector<16xi32>,
    %get3A_409 = arith.constant 256 : index
    %get3A_410 = tpu.vector_load %arg10[%get3A_409] {strides = array<i32>} : memref<512xi32, #tpu.memory_space<vmem>>, vector<16xi32>,
    %jit3A_411 = arith.constant 0 : i32
    %jit3A_412 = arith.constant 24575 : i32
    %max3A_413 = vector.broadcast %jit3A_411 : i32 to vector<16xi32>
    %max3A_414 = arith.maxsi %max3A_413, %get3A_410 : vector<16xi32>
    %min3A_415 = vector.broadcast %jit3A_412 : i32 to vector<16xi32>
    %min3A_416 = arith.minsi %min3A_415, %max3A_414 : vector<16xi32>
    %swap3A_417 = arith.constant 0 : index
    %swap3A_418 = tpu.vector_load %arg13[%swap3A_417] {strides = array<i32>} : memref<128xi32, #tpu.memory_space<vmem>>, vector<16xi32>,
    tpu.vector_store %arg13[%swap3A_417], %min3A_416 {strides = array<i32>} : memref<128xi32, #tpu.memory_space<vmem>>, vector<16xi32>,
    %get3A_419 = arith.constant 272 : index
    %get3A_420 = tpu.vector_load %arg10[%get3A_419] {strides = array<i32>} : memref<512xi32, #tpu.memory_space<vmem>>, vector<16xi32>,
    %jit3A_421 = arith.constant 0 : i32
    %jit3A_422 = arith.constant 24575 : i32
    %max3A_423 = vector.broadcast %jit3A_421 : i32 to vector<16xi32>
    %max3A_424 = arith.maxsi %max3A_423, %get3A_420 : vector<16xi32>
    %min3A_425 = vector.broadcast %jit3A_422 : i32 to vector<16xi32>
    %min3A_426 = arith.minsi %min3A_425, %max3A_424 : vector<16xi32>
    %swap3A_427 = arith.constant 16 : index
    %swap3A_428 = tpu.vector_load %arg13[%swap3A_427] {strides = array<i32>} : memref<128xi32, #tpu.memory_space<vmem>>, vector<16xi32>,
    tpu.vector_store %arg13[%swap3A_427], %min3A_426 {strides = array<i32>} : memref<128xi32, #tpu.memory_space<vmem>>, vector<16xi32>,
    %get3A_429 = arith.constant 288 : index
    %get3A_430 = tpu.vector_load %arg10[%get3A_429] {strides = array<i32>} : memref<512xi32, #tpu.memory_space<vmem>>, vector<16xi32>,
    %jit3A_431 = arith.constant 0 : i32
    %jit3A_432 = arith.constant 24575 : i32
    %max3A_433 = vector.broadcast %jit3A_431 : i32 to vector<16xi32>
    %max3A_434 = arith.maxsi %max3A_433, %get3A_430 : vector<16xi32>
    %min3A_435 = vector.broadcast %jit3A_432 : i32 to vector<16xi32>
    %min3A_436 = arith.minsi %min3A_435, %max3A_434 : vector<16xi32>
    %swap3A_437 = arith.constant 32 : index
    %swap3A_438 = tpu.vector_load %arg13[%swap3A_437] {strides = array<i32>} : memref<128xi32, #tpu.memory_space<vmem>>, vector<16xi32>,
    tpu.vector_store %arg13[%swap3A_437], %min3A_436 {strides = array<i32>} : memref<128xi32, #tpu.memory_space<vmem>>, vector<16xi32>,
    %get3A_439 = arith.constant 304 : index
    %get3A_440 = tpu.vector_load %arg10[%get3A_439] {strides = array<i32>} : memref<512xi32, #tpu.memory_space<vmem>>, vector<16xi32>,
    %jit3A_441 = arith.constant 0 : i32
    %jit3A_442 = arith.constant 24575 : i32
    %max3A_443 = vector.broadcast %jit3A_441 : i32 to vector<16xi32>
    %max3A_444 = arith.maxsi %max3A_443, %get3A_440 : vector<16xi32>
    %min3A_445 = vector.broadcast %jit3A_442 : i32 to vector<16xi32>
    %min3A_446 = arith.minsi %min3A_445, %max3A_444 : vector<16xi32>
    %swap3A_447 = arith.constant 48 : index
    %swap3A_448 = tpu.vector_load %arg13[%swap3A_447] {strides = array<i32>} : memref<128xi32, #tpu.memory_space<vmem>>, vector<16xi32>,
    tpu.vector_store %arg13[%swap3A_447], %min3A_446 {strides = array<i32>} : memref<128xi32, #tpu.memory_space<vmem>>, vector<16xi32>,
    %get3A_449 = arith.constant 320 : index
    %get3A_450 = tpu.vector_load %arg10[%get3A_449] {strides = array<i32>} : memref<512xi32, #tpu.memory_space<vmem>>, vector<16xi32>,
    %jit3A_451 = arith.constant 0 : i32
    %jit3A_452 = arith.constant 24575 : i32
    %max3A_453 = vector.broadcast %jit3A_451 : i32 to vector<16xi32>
    %max3A_454 = arith.maxsi %max3A_453, %get3A_450 : vector<16xi32>
    %min3A_455 = vector.broadcast %jit3A_452 : i32 to vector<16xi32>
    %min3A_456 = arith.minsi %min3A_455, %max3A_454 : vector<16xi32>
    %swap3A_457 = arith.constant 64 : index
    %swap3A_458 = tpu.vector_load %arg13[%swap3A_457] {strides = array<i32>} : memref<128xi32, #tpu.memory_space<vmem>>, vector<16xi32>,
    tpu.vector_store %arg13[%swap3A_457], %min3A_456 {strides = array<i32>} : memref<128xi32, #tpu.memory_space<vmem>>, vector<16xi32>,
    %get3A_459 = arith.constant 336 : index
    %get3A_460 = tpu.vector_load %arg10[%get3A_459] {strides = array<i32>} : memref<512xi32, #tpu.memory_space<vmem>>, vector<16xi32>,
    %jit3A_461 = arith.constant 0 : i32
    %jit3A_462 = arith.constant 24575 : i32
    %max3A_463 = vector.broadcast %jit3A_461 : i32 to vector<16xi32>
    %max3A_464 = arith.maxsi %max3A_463, %get3A_460 : vector<16xi32>
    %min3A_465 = vector.broadcast %jit3A_462 : i32 to vector<16xi32>
    %min3A_466 = arith.minsi %min3A_465, %max3A_464 : vector<16xi32>
    %swap3A_467 = arith.constant 80 : index
    %swap3A_468 = tpu.vector_load %arg13[%swap3A_467] {strides = array<i32>} : memref<128xi32, #tpu.memory_space<vmem>>, vector<16xi32>,
    tpu.vector_store %arg13[%swap3A_467], %min3A_466 {strides = array<i32>} : memref<128xi32, #tpu.memory_space<vmem>>, vector<16xi32>,
    %get3A_469 = arith.constant 352 : index
    %get3A_470 = tpu.vector_load %arg10[%get3A_469] {strides = array<i32>} : memref<512xi32, #tpu.memory_space<vmem>>, vector<16xi32>,
    %jit3A_471 = arith.constant 0 : i32
    %jit3A_472 = arith.constant 24575 : i32
    %max3A_473 = vector.broadcast %jit3A_471 : i32 to vector<16xi32>
    %max3A_474 = arith.maxsi %max3A_473, %get3A_470 : vector<16xi32>
    %min3A_475 = vector.broadcast %jit3A_472 : i32 to vector<16xi32>
    %min3A_476 = arith.minsi %min3A_475, %max3A_474 : vector<16xi32>
    %swap3A_477 = arith.constant 96 : index
    %swap3A_478 = tpu.vector_load %arg13[%swap3A_477] {strides = array<i32>} : memref<128xi32, #tpu.memory_space<vmem>>, vector<16xi32>,
    tpu.vector_store %arg13[%swap3A_477], %min3A_476 {strides = array<i32>} : memref<128xi32, #tpu.memory_space<vmem>>, vector<16xi32>,
    %get3A_479 = arith.constant 368 : index
    %get3A_480 = tpu.vector_load %arg10[%get3A_479] {strides = array<i32>} : memref<512xi32, #tpu.memory_space<vmem>>, vector<16xi32>,
    %jit3A_481 = arith.constant 0 : i32
    %jit3A_482 = arith.constant 24575 : i32
    %max3A_483 = vector.broadcast %jit3A_481 : i32 to vector<16xi32>
    %max3A_484 = arith.maxsi %max3A_483, %get3A_480 : vector<16xi32>
    %min3A_485 = vector.broadcast %jit3A_482 : i32 to vector<16xi32>
    %min3A_486 = arith.minsi %min3A_485, %max3A_484 : vector<16xi32>
    %swap3A_487 = arith.constant 112 : index
    %swap3A_488 = tpu.vector_load %arg13[%swap3A_487] {strides = array<i32>} : memref<128xi32, #tpu.memory_space<vmem>>, vector<16xi32>,
    tpu.vector_store %arg13[%swap3A_487], %min3A_486 {strides = array<i32>} : memref<128xi32, #tpu.memory_space<vmem>>, vector<16xi32>,
    %get3A_489 = arith.constant 384 : index
    %get3A_490 = tpu.vector_load %arg10[%get3A_489] {strides = array<i32>} : memref<512xi32, #tpu.memory_space<vmem>>, vector<16xi32>,
    %jit3A_491 = arith.constant 0 : i32
    %jit3A_492 = arith.constant 24575 : i32
    %max3A_493 = vector.broadcast %jit3A_491 : i32 to vector<16xi32>
    %max3A_494 = arith.maxsi %max3A_493, %get3A_490 : vector<16xi32>
    %min3A_495 = vector.broadcast %jit3A_492 : i32 to vector<16xi32>
    %min3A_496 = arith.minsi %min3A_495, %max3A_494 : vector<16xi32>
    %swap3A_497 = arith.constant 0 : index
    %swap3A_498 = tpu.vector_load %arg14[%swap3A_497] {strides = array<i32>} : memref<128xi32, #tpu.memory_space<vmem>>, vector<16xi32>,
    tpu.vector_store %arg14[%swap3A_497], %min3A_496 {strides = array<i32>} : memref<128xi32, #tpu.memory_space<vmem>>, vector<16xi32>,
    %get3A_499 = arith.constant 400 : index
    %get3A_500 = tpu.vector_load %arg10[%get3A_499] {strides = array<i32>} : memref<512xi32, #tpu.memory_space<vmem>>, vector<16xi32>,
    %jit3A_501 = arith.constant 0 : i32
    %jit3A_502 = arith.constant 24575 : i32
    %max3A_503 = vector.broadcast %jit3A_501 : i32 to vector<16xi32>
    %max3A_504 = arith.maxsi %max3A_503, %get3A_500 : vector<16xi32>
    %min3A_505 = vector.broadcast %jit3A_502 : i32 to vector<16xi32>
    %min3A_506 = arith.minsi %min3A_505, %max3A_504 : vector<16xi32>
    %swap3A_507 = arith.constant 16 : index
    %swap3A_508 = tpu.vector_load %arg14[%swap3A_507] {strides = array<i32>} : memref<128xi32, #tpu.memory_space<vmem>>, vector<16xi32>,
    tpu.vector_store %arg14[%swap3A_507], %min3A_506 {strides = array<i32>} : memref<128xi32, #tpu.memory_space<vmem>>, vector<16xi32>,
    %get3A_509 = arith.constant 416 : index
    %get3A_510 = tpu.vector_load %arg10[%get3A_509] {strides = array<i32>} : memref<512xi32, #tpu.memory_space<vmem>>, vector<16xi32>,
    %jit3A_511 = arith.constant 0 : i32
    %jit3A_512 = arith.constant 24575 : i32
    %max3A_513 = vector.broadcast %jit3A_511 : i32 to vector<16xi32>
    %max3A_514 = arith.maxsi %max3A_513, %get3A_510 : vector<16xi32>
    %min3A_515 = vector.broadcast %jit3A_512 : i32 to vector<16xi32>
    %min3A_516 = arith.minsi %min3A_515, %max3A_514 : vector<16xi32>
    %swap3A_517 = arith.constant 32 : index
    %swap3A_518 = tpu.vector_load %arg14[%swap3A_517] {strides = array<i32>} : memref<128xi32, #tpu.memory_space<vmem>>, vector<16xi32>,
    tpu.vector_store %arg14[%swap3A_517], %min3A_516 {strides = array<i32>} : memref<128xi32, #tpu.memory_space<vmem>>, vector<16xi32>,
    %get3A_519 = arith.constant 432 : index
    %get3A_520 = tpu.vector_load %arg10[%get3A_519] {strides = array<i32>} : memref<512xi32, #tpu.memory_space<vmem>>, vector<16xi32>,
    %jit3A_521 = arith.constant 0 : i32
    %jit3A_522 = arith.constant 24575 : i32
    %max3A_523 = vector.broadcast %jit3A_521 : i32 to vector<16xi32>
    %max3A_524 = arith.maxsi %max3A_523, %get3A_520 : vector<16xi32>
    %min3A_525 = vector.broadcast %jit3A_522 : i32 to vector<16xi32>
    %min3A_526 = arith.minsi %min3A_525, %max3A_524 : vector<16xi32>
    %swap3A_527 = arith.constant 48 : index
    %swap3A_528 = tpu.vector_load %arg14[%swap3A_527] {strides = array<i32>} : memref<128xi32, #tpu.memory_space<vmem>>, vector<16xi32>,
    tpu.vector_store %arg14[%swap3A_527], %min3A_526 {strides = array<i32>} : memref<128xi32, #tpu.memory_space<vmem>>, vector<16xi32>,
    %get3A_529 = arith.constant 448 : index
    %get3A_530 = tpu.vector_load %arg10[%get3A_529] {strides = array<i32>} : memref<512xi32, #tpu.memory_space<vmem>>, vector<16xi32>,
    %jit3A_531 = arith.constant 0 : i32
    %jit3A_532 = arith.constant 24575 : i32
    %max3A_533 = vector.broadcast %jit3A_531 : i32 to vector<16xi32>
    %max3A_534 = arith.maxsi %max3A_533, %get3A_530 : vector<16xi32>
    %min3A_535 = vector.broadcast %jit3A_532 : i32 to vector<16xi32>
    %min3A_536 = arith.minsi %min3A_535, %max3A_534 : vector<16xi32>
    %swap3A_537 = arith.constant 64 : index
    %swap3A_538 = tpu.vector_load %arg14[%swap3A_537] {strides = array<i32>} : memref<128xi32, #tpu.memory_space<vmem>>, vector<16xi32>,
    tpu.vector_store %arg14[%swap3A_537], %min3A_536 {strides = array<i32>} : memref<128xi32, #tpu.memory_space<vmem>>, vector<16xi32>,
    %get3A_539 = arith.constant 464 : index
    %get3A_540 = tpu.vector_load %arg10[%get3A_539] {strides = array<i32>} : memref<512xi32, #tpu.memory_space<vmem>>, vector<16xi32>,
    %jit3A_541 = arith.constant 0 : i32
    %jit3A_542 = arith.constant 24575 : i32
    %max3A_543 = vector.broadcast %jit3A_541 : i32 to vector<16xi32>
    %max3A_544 = arith.maxsi %max3A_543, %get3A_540 : vector<16xi32>
    %min3A_545 = vector.broadcast %jit3A_542 : i32 to vector<16xi32>
    %min3A_546 = arith.minsi %min3A_545, %max3A_544 : vector<16xi32>
    %swap3A_547 = arith.constant 80 : index
    %swap3A_548 = tpu.vector_load %arg14[%swap3A_547] {strides = array<i32>} : memref<128xi32, #tpu.memory_space<vmem>>, vector<16xi32>,
    tpu.vector_store %arg14[%swap3A_547], %min3A_546 {strides = array<i32>} : memref<128xi32, #tpu.memory_space<vmem>>, vector<16xi32>,
    %get3A_549 = arith.constant 480 : index
    %get3A_550 = tpu.vector_load %arg10[%get3A_549] {strides = array<i32>} : memref<512xi32, #tpu.memory_space<vmem>>, vector<16xi32>,
    %jit3A_551 = arith.constant 0 : i32
    %jit3A_552 = arith.constant 24575 : i32
    %max3A_553 = vector.broadcast %jit3A_551 : i32 to vector<16xi32>
    %max3A_554 = arith.maxsi %max3A_553, %get3A_550 : vector<16xi32>
    %min3A_555 = vector.broadcast %jit3A_552 : i32 to vector<16xi32>
    %min3A_556 = arith.minsi %min3A_555, %max3A_554 : vector<16xi32>
    %swap3A_557 = arith.constant 96 : index
    %swap3A_558 = tpu.vector_load %arg14[%swap3A_557] {strides = array<i32>} : memref<128xi32, #tpu.memory_space<vmem>>, vector<16xi32>,
    tpu.vector_store %arg14[%swap3A_557], %min3A_556 {strides = array<i32>} : memref<128xi32, #tpu.memory_space<vmem>>, vector<16xi32>,
    %get3A_559 = arith.constant 496 : index
    %get3A_560 = tpu.vector_load %arg10[%get3A_559] {strides = array<i32>} : memref<512xi32, #tpu.memory_space<vmem>>, vector<16xi32>,
    %jit3A_561 = arith.constant 0 : i32
    %jit3A_562 = arith.constant 24575 : i32
    %max3A_563 = vector.broadcast %jit3A_561 : i32 to vector<16xi32>
    %max3A_564 = arith.maxsi %max3A_563, %get3A_560 : vector<16xi32>
    %min3A_565 = vector.broadcast %jit3A_562 : i32 to vector<16xi32>
    %min3A_566 = arith.minsi %min3A_565, %max3A_564 : vector<16xi32>
    %swap3A_567 = arith.constant 112 : index
    %swap3A_568 = tpu.vector_load %arg14[%swap3A_567] {strides = array<i32>} : memref<128xi32, #tpu.memory_space<vmem>>, vector<16xi32>,
    tpu.vector_store %arg14[%swap3A_567], %min3A_566 {strides = array<i32>} : memref<128xi32, #tpu.memory_space<vmem>>, vector<16xi32>,
    %dma_wait3A = arith.constant 0 : i32
    %dma_wait3A_569 = tpu.memref_slice %arg2[%mul3A_2, %dma_wait3A] : memref<16384x128xf32, #tpu.memory_space<hbm>> -> memref<512x128xf32, #tpu.memory_space<hbm>>
    %dma_wait3A_570 = arith.constant 0 : i32
    %dma_wait3A_571 = tpu.memref_slice %arg2[%mul3A_2, %dma_wait3A_570] : memref<16384x128xf32, #tpu.memory_space<hbm>> -> memref<512x128xf32, #tpu.memory_space<hbm>>
    tpu.wait_dma2 semaphore(%arg16 : memref<!tpu.dma_semaphore, #tpu.memory_space<semaphore_mem>>) src(%dma_wait3A_571 : memref<512x128xf32, #tpu.memory_space<hbm>>) dst(%arg15 : memref<512x128xf32, #tpu.memory_space<vmem>>)
    %dma_start3A_572 = arith.constant 0 : i32
    %dma_start3A_573 = arith.constant 0 : i32
    %dma_start3A_574 = tpu.memref_slice %arg15[%dma_start3A_572, %dma_start3A_573] : memref<512x128xf32, #tpu.memory_space<vmem>> -> memref<128x128xf32, #tpu.memory_space<vmem>>
    %dma_start3A_575 = arith.constant 0 : i32
    %dma_start3A_576 = arith.constant 0 : i32
    %dma_start3A_577 = tpu.memref_slice %arg5[%dma_start3A_575, %dma_start3A_576] : memref<24576x128xf32, #tpu.memory_space<hbm>> -> memref<24576x128xf32, #tpu.memory_space<hbm>>
    tpu.enqueue_indirect_dma source(%dma_start3A_574 : memref<128x128xf32, #tpu.memory_space<vmem>>) target(%dma_start3A_577 : memref<24576x128xf32, #tpu.memory_space<hbm>>) offsets(%arg11 : memref<128xi32, #tpu.memory_space<vmem>>) semaphore(%arg17 : memref<!tpu.dma_semaphore, #tpu.memory_space<semaphore_mem>>)
    %dma_start3A_578 = arith.constant 128 : i32
    %dma_start3A_579 = arith.constant 0 : i32
    %dma_start3A_580 = tpu.memref_slice %arg15[%dma_start3A_578, %dma_start3A_579] : memref<512x128xf32, #tpu.memory_space<vmem>> -> memref<128x128xf32, #tpu.memory_space<vmem>>
    %dma_start3A_581 = arith.constant 0 : i32
    %dma_start3A_582 = arith.constant 0 : i32
    %dma_start3A_583 = tpu.memref_slice %arg5[%dma_start3A_581, %dma_start3A_582] : memref<24576x128xf32, #tpu.memory_space<hbm>> -> memref<24576x128xf32, #tpu.memory_space<hbm>>
    tpu.enqueue_indirect_dma source(%dma_start3A_580 : memref<128x128xf32, #tpu.memory_space<vmem>>) target(%dma_start3A_583 : memref<24576x128xf32, #tpu.memory_space<hbm>>) offsets(%arg12 : memref<128xi32, #tpu.memory_space<vmem>>) semaphore(%arg17 : memref<!tpu.dma_semaphore, #tpu.memory_space<semaphore_mem>>)
    %dma_start3A_584 = arith.constant 256 : i32
    %dma_start3A_585 = arith.constant 0 : i32
    %dma_start3A_586 = tpu.memref_slice %arg15[%dma_start3A_584, %dma_start3A_585] : memref<512x128xf32, #tpu.memory_space<vmem>> -> memref<128x128xf32, #tpu.memory_space<vmem>>
    %dma_start3A_587 = arith.constant 0 : i32
    %dma_start3A_588 = arith.constant 0 : i32
    %dma_start3A_589 = tpu.memref_slice %arg5[%dma_start3A_587, %dma_start3A_588] : memref<24576x128xf32, #tpu.memory_space<hbm>> -> memref<24576x128xf32, #tpu.memory_space<hbm>>
    tpu.enqueue_indirect_dma source(%dma_start3A_586 : memref<128x128xf32, #tpu.memory_space<vmem>>) target(%dma_start3A_589 : memref<24576x128xf32, #tpu.memory_space<hbm>>) offsets(%arg13 : memref<128xi32, #tpu.memory_space<vmem>>) semaphore(%arg17 : memref<!tpu.dma_semaphore, #tpu.memory_space<semaphore_mem>>)
    %dma_start3A_590 = arith.constant 384 : i32
    %dma_start3A_591 = arith.constant 0 : i32
    %dma_start3A_592 = tpu.memref_slice %arg15[%dma_start3A_590, %dma_start3A_591] : memref<512x128xf32, #tpu.memory_space<vmem>> -> memref<128x128xf32, #tpu.memory_space<vmem>>
    %dma_start3A_593 = arith.constant 0 : i32
    %dma_start3A_594 = arith.constant 0 : i32
    %dma_start3A_595 = tpu.memref_slice %arg5[%dma_start3A_593, %dma_start3A_594] : memref<24576x128xf32, #tpu.memory_space<hbm>> -> memref<24576x128xf32, #tpu.memory_space<hbm>>
    tpu.enqueue_indirect_dma source(%dma_start3A_592 : memref<128x128xf32, #tpu.memory_space<vmem>>) target(%dma_start3A_595 : memref<24576x128xf32, #tpu.memory_space<hbm>>) offsets(%arg14 : memref<128xi32, #tpu.memory_space<vmem>>) semaphore(%arg17 : memref<!tpu.dma_semaphore, #tpu.memory_space<semaphore_mem>>)
    %dma_wait3A_596 = arith.constant 0 : i32
    %dma_wait3A_597 = arith.constant 0 : i32
    %dma_wait3A_598 = tpu.memref_slice %arg15[%dma_wait3A_596, %dma_wait3A_597] : memref<512x128xf32, #tpu.memory_space<vmem>> -> memref<128x128xf32, #tpu.memory_space<vmem>>
    %dma_wait3A_599 = arith.constant 0 : i32
    %dma_wait3A_600 = arith.constant 0 : i32
    %dma_wait3A_601 = tpu.memref_slice %arg5[%dma_wait3A_599, %dma_wait3A_600] : memref<24576x128xf32, #tpu.memory_space<hbm>> -> memref<24576x128xf32, #tpu.memory_space<hbm>>
    tpu.wait_indirect_dma semaphore(%arg17 : memref<!tpu.dma_semaphore, #tpu.memory_space<semaphore_mem>>) src(%dma_wait3A_598 : memref<128x128xf32, #tpu.memory_space<vmem>>) dst(%dma_wait3A_601 : memref<24576x128xf32, #tpu.memory_space<hbm>>)
    %dma_wait3A_602 = arith.constant 128 : i32
    %dma_wait3A_603 = arith.constant 0 : i32
    %dma_wait3A_604 = tpu.memref_slice %arg15[%dma_wait3A_602, %dma_wait3A_603] : memref<512x128xf32, #tpu.memory_space<vmem>> -> memref<128x128xf32, #tpu.memory_space<vmem>>
    %dma_wait3A_605 = arith.constant 0 : i32
    %dma_wait3A_606 = arith.constant 0 : i32
    %dma_wait3A_607 = tpu.memref_slice %arg5[%dma_wait3A_605, %dma_wait3A_606] : memref<24576x128xf32, #tpu.memory_space<hbm>> -> memref<24576x128xf32, #tpu.memory_space<hbm>>
    tpu.wait_indirect_dma semaphore(%arg17 : memref<!tpu.dma_semaphore, #tpu.memory_space<semaphore_mem>>) src(%dma_wait3A_604 : memref<128x128xf32, #tpu.memory_space<vmem>>) dst(%dma_wait3A_607 : memref<24576x128xf32, #tpu.memory_space<hbm>>)
    %dma_wait3A_608 = arith.constant 256 : i32
    %dma_wait3A_609 = arith.constant 0 : i32
    %dma_wait3A_610 = tpu.memref_slice %arg15[%dma_wait3A_608, %dma_wait3A_609] : memref<512x128xf32, #tpu.memory_space<vmem>> -> memref<128x128xf32, #tpu.memory_space<vmem>>
    %dma_wait3A_611 = arith.constant 0 : i32
    %dma_wait3A_612 = arith.constant 0 : i32
    %dma_wait3A_613 = tpu.memref_slice %arg5[%dma_wait3A_611, %dma_wait3A_612] : memref<24576x128xf32, #tpu.memory_space<hbm>> -> memref<24576x128xf32, #tpu.memory_space<hbm>>
    tpu.wait_indirect_dma semaphore(%arg17 : memref<!tpu.dma_semaphore, #tpu.memory_space<semaphore_mem>>) src(%dma_wait3A_610 : memref<128x128xf32, #tpu.memory_space<vmem>>) dst(%dma_wait3A_613 : memref<24576x128xf32, #tpu.memory_space<hbm>>)
    %dma_wait3A_614 = arith.constant 384 : i32
    %dma_wait3A_615 = arith.constant 0 : i32
    %dma_wait3A_616 = tpu.memref_slice %arg15[%dma_wait3A_614, %dma_wait3A_615] : memref<512x128xf32, #tpu.memory_space<vmem>> -> memref<128x128xf32, #tpu.memory_space<vmem>>
    %dma_wait3A_617 = arith.constant 0 : i32
    %dma_wait3A_618 = arith.constant 0 : i32
    %dma_wait3A_619 = tpu.memref_slice %arg5[%dma_wait3A_617, %dma_wait3A_618] : memref<24576x128xf32, #tpu.memory_space<hbm>> -> memref<24576x128xf32, #tpu.memory_space<hbm>>
    tpu.wait_indirect_dma semaphore(%arg17 : memref<!tpu.dma_semaphore, #tpu.memory_space<semaphore_mem>>) src(%dma_wait3A_616 : memref<128x128xf32, #tpu.memory_space<vmem>>) dst(%dma_wait3A_619 : memref<24576x128xf32, #tpu.memory_space<hbm>>)
    return
  }
}

module attributes {stable_mosaic.version = 14 : i64} {
  func.func @_tc_merge_body(%arg0: i32, %arg1: memref<8192x128xf32, #tpu.memory_space<vmem>>, %arg2: memref<24576x128xf32, #tpu.memory_space<any>>, %arg3: memref<2x16xi32, #tpu.memory_space<smem>>, %arg4: memref<8192x128xf32, #tpu.memory_space<vmem>>, %arg5: memref<8192x128xf32, #tpu.memory_space<vmem>>, %arg6: memref<!tpu.dma_semaphore, #tpu.memory_space<semaphore_mem>>) attributes {dimension_semantics = [#tpu.dimension_semantics<arbitrary>], iteration_bounds = array<i64: 32>, scalar_prefetch = 0 : i64, scratch_operands = 2 : i64, tpu.core_type = #tpu.core_type<tc>, window_params = [{transform_indices = @transform_0, window_bounds = array<i64: 8192, 128>}, {}, {transform_indices = @transform_2, window_bounds = array<i64: 2, 16>}, {transform_indices = @transform_3, window_bounds = array<i64: 8192, 128>}]} {
    %jit3A = arith.constant 2 : i32
    %div3A = arith.divsi %arg0, %jit3A : i32
    %sign3A = arith.constant 0 : i32
    %sign3A_0 = arith.cmpi sgt, %arg0, %sign3A : i32
    %sign3A_1 = arith.extui %sign3A_0 : i1 to i32
    %sign3A_2 = arith.constant 0 : i32
    %sign3A_3 = arith.cmpi slt, %arg0, %sign3A_2 : i32
    %sign3A_4 = arith.extui %sign3A_3 : i1 to i32
    %sign3A_5 = arith.subi %sign3A_1, %sign3A_4 : i32
    %sign3A_6 = arith.constant 0 : i32
    %sign3A_7 = arith.cmpi sgt, %jit3A, %sign3A_6 : i32
    %sign3A_8 = arith.extui %sign3A_7 : i1 to i32
    %sign3A_9 = arith.constant 0 : i32
    %sign3A_10 = arith.cmpi slt, %jit3A, %sign3A_9 : i32
    %sign3A_11 = arith.extui %sign3A_10 : i1 to i32
    %sign3A_12 = arith.subi %sign3A_8, %sign3A_11 : i32
    %ne3A = arith.cmpi ne, %sign3A_5, %sign3A_12 : i32
    %rem3A = arith.remsi %arg0, %jit3A : i32
    %ne3A_13 = arith.constant 0 : i32
    %ne3A_14 = arith.cmpi ne, %rem3A, %ne3A_13 : i32
    %and3A = arith.andi %ne3A, %ne3A_14 : i1
    %sub3A = arith.constant 1 : i32
    %sub3A_15 = arith.subi %div3A, %sub3A : i32
    %select_n3A = arith.select %and3A, %sub3A_15, %div3A : i32
    %jit3A_16 = arith.constant 2 : i32
    %eq3A = arith.constant 0 : i32
    %eq3A_17 = arith.cmpi eq, %jit3A_16, %eq3A : i32
    %jit3A_18 = arith.constant 1 : i32
    %select_n3A_19 = arith.select %eq3A_17, %jit3A_18, %jit3A_16 : i32
    %rem3A_20 = arith.remsi %arg0, %select_n3A_19 : i32
    %ne3A_21 = arith.constant 0 : i32
    %ne3A_22 = arith.cmpi ne, %rem3A_20, %ne3A_21 : i32
    %lt3A = arith.constant 0 : i32
    %lt3A_23 = arith.cmpi slt, %rem3A_20, %lt3A : i32
    %lt3A_24 = arith.constant 0 : i32
    %lt3A_25 = arith.cmpi slt, %select_n3A_19, %lt3A_24 : i32
    %ne3A_26 = arith.xori %lt3A_23, %lt3A_25 : i1
    %and3A_27 = arith.andi %ne3A_26, %ne3A_22 : i1
    %add3A = arith.addi %rem3A_20, %select_n3A_19 : i32
    %select_n3A_28 = arith.select %and3A_27, %add3A, %rem3A_20 : i32
    %mul3A = arith.constant 8192 : i32
    %mul3A_29 = arith.muli %select_n3A_28, %mul3A : i32
    %get3A = arith.constant 0 : index
    %get3A_30 = arith.index_cast %select_n3A : i32 to index
    %get3A_31 = memref.load %arg3[%get3A, %get3A_30] : memref<2x16xi32, #tpu.memory_space<smem>>
    %get3A_32 = arith.constant 1 : index
    %get3A_33 = arith.index_cast %select_n3A : i32 to index
    %get3A_34 = memref.load %arg3[%get3A_32, %get3A_33] : memref<2x16xi32, #tpu.memory_space<smem>>
    %sub3A_35 = arith.subi %get3A_31, %mul3A_29 : i32
    %jit3A_36 = arith.constant 0 : i32
    %jit3A_37 = arith.constant 8192 : i32
    %max3A = arith.maxsi %jit3A_36, %sub3A_35 : i32
    %min3A = arith.minsi %jit3A_37, %max3A : i32
    %gt3A = arith.constant 0 : i32
    %gt3A_38 = arith.cmpi sgt, %min3A, %gt3A : i32
    %convert_element_type3A = arith.extui %gt3A_38 : i1 to i32
    %cond3A = arith.constant 0 : i32
    %cond3A_39 = arith.cmpi ne, %convert_element_type3A, %cond3A : i32
    scf.if %cond3A_39 {
      %add3A_206 = arith.addi %get3A_34, %mul3A_29 : i32
      %add3A_207 = arith.constant 0 : i32
      %add3A_208 = arith.addi %add3A_206, %add3A_207 : i32
      %dma_start3A = arith.constant 0 : i32
      %dma_start3A_209 = arith.constant 0 : i32
      %dma_start3A_210 = tpu.memref_slice %arg5[%dma_start3A, %dma_start3A_209] : memref<8192x128xf32, #tpu.memory_space<vmem>> -> memref<512x128xf32, #tpu.memory_space<vmem>>
      %dma_start3A_211 = arith.constant 0 : i32
      %dma_start3A_212 = tpu.memref_slice %arg2[%add3A_208, %dma_start3A_211] : memref<24576x128xf32, #tpu.memory_space<any>> -> memref<512x128xf32, #tpu.memory_space<any>>
      tpu.enqueue_dma source(%dma_start3A_212 : memref<512x128xf32, #tpu.memory_space<any>>) target(%dma_start3A_210 : memref<512x128xf32, #tpu.memory_space<vmem>>) target_semaphore(%arg6 : memref<!tpu.dma_semaphore, #tpu.memory_space<semaphore_mem>>)
    } else {
    }
    %gt3A_40 = arith.constant 512 : i32
    %gt3A_41 = arith.cmpi sgt, %min3A, %gt3A_40 : i32
    %convert_element_type3A_42 = arith.extui %gt3A_41 : i1 to i32
    %cond3A_43 = arith.constant 0 : i32
    %cond3A_44 = arith.cmpi ne, %convert_element_type3A_42, %cond3A_43 : i32
    scf.if %cond3A_44 {
      %add3A_206 = arith.addi %get3A_34, %mul3A_29 : i32
      %add3A_207 = arith.constant 512 : i32
      %add3A_208 = arith.addi %add3A_206, %add3A_207 : i32
      %dma_start3A = arith.constant 512 : i32
      %dma_start3A_209 = arith.constant 0 : i32
      %dma_start3A_210 = tpu.memref_slice %arg5[%dma_start3A, %dma_start3A_209] : memref<8192x128xf32, #tpu.memory_space<vmem>> -> memref<512x128xf32, #tpu.memory_space<vmem>>
      %dma_start3A_211 = arith.constant 0 : i32
      %dma_start3A_212 = tpu.memref_slice %arg2[%add3A_208, %dma_start3A_211] : memref<24576x128xf32, #tpu.memory_space<any>> -> memref<512x128xf32, #tpu.memory_space<any>>
      tpu.enqueue_dma source(%dma_start3A_212 : memref<512x128xf32, #tpu.memory_space<any>>) target(%dma_start3A_210 : memref<512x128xf32, #tpu.memory_space<vmem>>) target_semaphore(%arg6 : memref<!tpu.dma_semaphore, #tpu.memory_space<semaphore_mem>>)
    } else {
    }
    %gt3A_45 = arith.constant 1024 : i32
    %gt3A_46 = arith.cmpi sgt, %min3A, %gt3A_45 : i32
    %convert_element_type3A_47 = arith.extui %gt3A_46 : i1 to i32
    %cond3A_48 = arith.constant 0 : i32
    %cond3A_49 = arith.cmpi ne, %convert_element_type3A_47, %cond3A_48 : i32
    scf.if %cond3A_49 {
      %add3A_206 = arith.addi %get3A_34, %mul3A_29 : i32
      %add3A_207 = arith.constant 1024 : i32
      %add3A_208 = arith.addi %add3A_206, %add3A_207 : i32
      %dma_start3A = arith.constant 1024 : i32
      %dma_start3A_209 = arith.constant 0 : i32
      %dma_start3A_210 = tpu.memref_slice %arg5[%dma_start3A, %dma_start3A_209] : memref<8192x128xf32, #tpu.memory_space<vmem>> -> memref<512x128xf32, #tpu.memory_space<vmem>>
      %dma_start3A_211 = arith.constant 0 : i32
      %dma_start3A_212 = tpu.memref_slice %arg2[%add3A_208, %dma_start3A_211] : memref<24576x128xf32, #tpu.memory_space<any>> -> memref<512x128xf32, #tpu.memory_space<any>>
      tpu.enqueue_dma source(%dma_start3A_212 : memref<512x128xf32, #tpu.memory_space<any>>) target(%dma_start3A_210 : memref<512x128xf32, #tpu.memory_space<vmem>>) target_semaphore(%arg6 : memref<!tpu.dma_semaphore, #tpu.memory_space<semaphore_mem>>)
    } else {
    }
    %gt3A_50 = arith.constant 1536 : i32
    %gt3A_51 = arith.cmpi sgt, %min3A, %gt3A_50 : i32
    %convert_element_type3A_52 = arith.extui %gt3A_51 : i1 to i32
    %cond3A_53 = arith.constant 0 : i32
    %cond3A_54 = arith.cmpi ne, %convert_element_type3A_52, %cond3A_53 : i32
    scf.if %cond3A_54 {
      %add3A_206 = arith.addi %get3A_34, %mul3A_29 : i32
      %add3A_207 = arith.constant 1536 : i32
      %add3A_208 = arith.addi %add3A_206, %add3A_207 : i32
      %dma_start3A = arith.constant 1536 : i32
      %dma_start3A_209 = arith.constant 0 : i32
      %dma_start3A_210 = tpu.memref_slice %arg5[%dma_start3A, %dma_start3A_209] : memref<8192x128xf32, #tpu.memory_space<vmem>> -> memref<512x128xf32, #tpu.memory_space<vmem>>
      %dma_start3A_211 = arith.constant 0 : i32
      %dma_start3A_212 = tpu.memref_slice %arg2[%add3A_208, %dma_start3A_211] : memref<24576x128xf32, #tpu.memory_space<any>> -> memref<512x128xf32, #tpu.memory_space<any>>
      tpu.enqueue_dma source(%dma_start3A_212 : memref<512x128xf32, #tpu.memory_space<any>>) target(%dma_start3A_210 : memref<512x128xf32, #tpu.memory_space<vmem>>) target_semaphore(%arg6 : memref<!tpu.dma_semaphore, #tpu.memory_space<semaphore_mem>>)
    } else {
    }
    %gt3A_55 = arith.constant 2048 : i32
    %gt3A_56 = arith.cmpi sgt, %min3A, %gt3A_55 : i32
    %convert_element_type3A_57 = arith.extui %gt3A_56 : i1 to i32
    %cond3A_58 = arith.constant 0 : i32
    %cond3A_59 = arith.cmpi ne, %convert_element_type3A_57, %cond3A_58 : i32
    scf.if %cond3A_59 {
      %add3A_206 = arith.addi %get3A_34, %mul3A_29 : i32
      %add3A_207 = arith.constant 2048 : i32
      %add3A_208 = arith.addi %add3A_206, %add3A_207 : i32
      %dma_start3A = arith.constant 2048 : i32
      %dma_start3A_209 = arith.constant 0 : i32
      %dma_start3A_210 = tpu.memref_slice %arg5[%dma_start3A, %dma_start3A_209] : memref<8192x128xf32, #tpu.memory_space<vmem>> -> memref<512x128xf32, #tpu.memory_space<vmem>>
      %dma_start3A_211 = arith.constant 0 : i32
      %dma_start3A_212 = tpu.memref_slice %arg2[%add3A_208, %dma_start3A_211] : memref<24576x128xf32, #tpu.memory_space<any>> -> memref<512x128xf32, #tpu.memory_space<any>>
      tpu.enqueue_dma source(%dma_start3A_212 : memref<512x128xf32, #tpu.memory_space<any>>) target(%dma_start3A_210 : memref<512x128xf32, #tpu.memory_space<vmem>>) target_semaphore(%arg6 : memref<!tpu.dma_semaphore, #tpu.memory_space<semaphore_mem>>)
    } else {
    }
    %gt3A_60 = arith.constant 2560 : i32
    %gt3A_61 = arith.cmpi sgt, %min3A, %gt3A_60 : i32
    %convert_element_type3A_62 = arith.extui %gt3A_61 : i1 to i32
    %cond3A_63 = arith.constant 0 : i32
    %cond3A_64 = arith.cmpi ne, %convert_element_type3A_62, %cond3A_63 : i32
    scf.if %cond3A_64 {
      %add3A_206 = arith.addi %get3A_34, %mul3A_29 : i32
      %add3A_207 = arith.constant 2560 : i32
      %add3A_208 = arith.addi %add3A_206, %add3A_207 : i32
      %dma_start3A = arith.constant 2560 : i32
      %dma_start3A_209 = arith.constant 0 : i32
      %dma_start3A_210 = tpu.memref_slice %arg5[%dma_start3A, %dma_start3A_209] : memref<8192x128xf32, #tpu.memory_space<vmem>> -> memref<512x128xf32, #tpu.memory_space<vmem>>
      %dma_start3A_211 = arith.constant 0 : i32
      %dma_start3A_212 = tpu.memref_slice %arg2[%add3A_208, %dma_start3A_211] : memref<24576x128xf32, #tpu.memory_space<any>> -> memref<512x128xf32, #tpu.memory_space<any>>
      tpu.enqueue_dma source(%dma_start3A_212 : memref<512x128xf32, #tpu.memory_space<any>>) target(%dma_start3A_210 : memref<512x128xf32, #tpu.memory_space<vmem>>) target_semaphore(%arg6 : memref<!tpu.dma_semaphore, #tpu.memory_space<semaphore_mem>>)
    } else {
    }
    %gt3A_65 = arith.constant 3072 : i32
    %gt3A_66 = arith.cmpi sgt, %min3A, %gt3A_65 : i32
    %convert_element_type3A_67 = arith.extui %gt3A_66 : i1 to i32
    %cond3A_68 = arith.constant 0 : i32
    %cond3A_69 = arith.cmpi ne, %convert_element_type3A_67, %cond3A_68 : i32
    scf.if %cond3A_69 {
      %add3A_206 = arith.addi %get3A_34, %mul3A_29 : i32
      %add3A_207 = arith.constant 3072 : i32
      %add3A_208 = arith.addi %add3A_206, %add3A_207 : i32
      %dma_start3A = arith.constant 3072 : i32
      %dma_start3A_209 = arith.constant 0 : i32
      %dma_start3A_210 = tpu.memref_slice %arg5[%dma_start3A, %dma_start3A_209] : memref<8192x128xf32, #tpu.memory_space<vmem>> -> memref<512x128xf32, #tpu.memory_space<vmem>>
      %dma_start3A_211 = arith.constant 0 : i32
      %dma_start3A_212 = tpu.memref_slice %arg2[%add3A_208, %dma_start3A_211] : memref<24576x128xf32, #tpu.memory_space<any>> -> memref<512x128xf32, #tpu.memory_space<any>>
      tpu.enqueue_dma source(%dma_start3A_212 : memref<512x128xf32, #tpu.memory_space<any>>) target(%dma_start3A_210 : memref<512x128xf32, #tpu.memory_space<vmem>>) target_semaphore(%arg6 : memref<!tpu.dma_semaphore, #tpu.memory_space<semaphore_mem>>)
    } else {
    }
    %gt3A_70 = arith.constant 3584 : i32
    %gt3A_71 = arith.cmpi sgt, %min3A, %gt3A_70 : i32
    %convert_element_type3A_72 = arith.extui %gt3A_71 : i1 to i32
    %cond3A_73 = arith.constant 0 : i32
    %cond3A_74 = arith.cmpi ne, %convert_element_type3A_72, %cond3A_73 : i32
    scf.if %cond3A_74 {
      %add3A_206 = arith.addi %get3A_34, %mul3A_29 : i32
      %add3A_207 = arith.constant 3584 : i32
      %add3A_208 = arith.addi %add3A_206, %add3A_207 : i32
      %dma_start3A = arith.constant 3584 : i32
      %dma_start3A_209 = arith.constant 0 : i32
      %dma_start3A_210 = tpu.memref_slice %arg5[%dma_start3A, %dma_start3A_209] : memref<8192x128xf32, #tpu.memory_space<vmem>> -> memref<512x128xf32, #tpu.memory_space<vmem>>
      %dma_start3A_211 = arith.constant 0 : i32
      %dma_start3A_212 = tpu.memref_slice %arg2[%add3A_208, %dma_start3A_211] : memref<24576x128xf32, #tpu.memory_space<any>> -> memref<512x128xf32, #tpu.memory_space<any>>
      tpu.enqueue_dma source(%dma_start3A_212 : memref<512x128xf32, #tpu.memory_space<any>>) target(%dma_start3A_210 : memref<512x128xf32, #tpu.memory_space<vmem>>) target_semaphore(%arg6 : memref<!tpu.dma_semaphore, #tpu.memory_space<semaphore_mem>>)
    } else {
    }
    %gt3A_75 = arith.constant 4096 : i32
    %gt3A_76 = arith.cmpi sgt, %min3A, %gt3A_75 : i32
    %convert_element_type3A_77 = arith.extui %gt3A_76 : i1 to i32
    %cond3A_78 = arith.constant 0 : i32
    %cond3A_79 = arith.cmpi ne, %convert_element_type3A_77, %cond3A_78 : i32
    scf.if %cond3A_79 {
      %add3A_206 = arith.addi %get3A_34, %mul3A_29 : i32
      %add3A_207 = arith.constant 4096 : i32
      %add3A_208 = arith.addi %add3A_206, %add3A_207 : i32
      %dma_start3A = arith.constant 4096 : i32
      %dma_start3A_209 = arith.constant 0 : i32
      %dma_start3A_210 = tpu.memref_slice %arg5[%dma_start3A, %dma_start3A_209] : memref<8192x128xf32, #tpu.memory_space<vmem>> -> memref<512x128xf32, #tpu.memory_space<vmem>>
      %dma_start3A_211 = arith.constant 0 : i32
      %dma_start3A_212 = tpu.memref_slice %arg2[%add3A_208, %dma_start3A_211] : memref<24576x128xf32, #tpu.memory_space<any>> -> memref<512x128xf32, #tpu.memory_space<any>>
      tpu.enqueue_dma source(%dma_start3A_212 : memref<512x128xf32, #tpu.memory_space<any>>) target(%dma_start3A_210 : memref<512x128xf32, #tpu.memory_space<vmem>>) target_semaphore(%arg6 : memref<!tpu.dma_semaphore, #tpu.memory_space<semaphore_mem>>)
    } else {
    }
    %gt3A_80 = arith.constant 4608 : i32
    %gt3A_81 = arith.cmpi sgt, %min3A, %gt3A_80 : i32
    %convert_element_type3A_82 = arith.extui %gt3A_81 : i1 to i32
    %cond3A_83 = arith.constant 0 : i32
    %cond3A_84 = arith.cmpi ne, %convert_element_type3A_82, %cond3A_83 : i32
    scf.if %cond3A_84 {
      %add3A_206 = arith.addi %get3A_34, %mul3A_29 : i32
      %add3A_207 = arith.constant 4608 : i32
      %add3A_208 = arith.addi %add3A_206, %add3A_207 : i32
      %dma_start3A = arith.constant 4608 : i32
      %dma_start3A_209 = arith.constant 0 : i32
      %dma_start3A_210 = tpu.memref_slice %arg5[%dma_start3A, %dma_start3A_209] : memref<8192x128xf32, #tpu.memory_space<vmem>> -> memref<512x128xf32, #tpu.memory_space<vmem>>
      %dma_start3A_211 = arith.constant 0 : i32
      %dma_start3A_212 = tpu.memref_slice %arg2[%add3A_208, %dma_start3A_211] : memref<24576x128xf32, #tpu.memory_space<any>> -> memref<512x128xf32, #tpu.memory_space<any>>
      tpu.enqueue_dma source(%dma_start3A_212 : memref<512x128xf32, #tpu.memory_space<any>>) target(%dma_start3A_210 : memref<512x128xf32, #tpu.memory_space<vmem>>) target_semaphore(%arg6 : memref<!tpu.dma_semaphore, #tpu.memory_space<semaphore_mem>>)
    } else {
    }
    %gt3A_85 = arith.constant 5120 : i32
    %gt3A_86 = arith.cmpi sgt, %min3A, %gt3A_85 : i32
    %convert_element_type3A_87 = arith.extui %gt3A_86 : i1 to i32
    %cond3A_88 = arith.constant 0 : i32
    %cond3A_89 = arith.cmpi ne, %convert_element_type3A_87, %cond3A_88 : i32
    scf.if %cond3A_89 {
      %add3A_206 = arith.addi %get3A_34, %mul3A_29 : i32
      %add3A_207 = arith.constant 5120 : i32
      %add3A_208 = arith.addi %add3A_206, %add3A_207 : i32
      %dma_start3A = arith.constant 5120 : i32
      %dma_start3A_209 = arith.constant 0 : i32
      %dma_start3A_210 = tpu.memref_slice %arg5[%dma_start3A, %dma_start3A_209] : memref<8192x128xf32, #tpu.memory_space<vmem>> -> memref<512x128xf32, #tpu.memory_space<vmem>>
      %dma_start3A_211 = arith.constant 0 : i32
      %dma_start3A_212 = tpu.memref_slice %arg2[%add3A_208, %dma_start3A_211] : memref<24576x128xf32, #tpu.memory_space<any>> -> memref<512x128xf32, #tpu.memory_space<any>>
      tpu.enqueue_dma source(%dma_start3A_212 : memref<512x128xf32, #tpu.memory_space<any>>) target(%dma_start3A_210 : memref<512x128xf32, #tpu.memory_space<vmem>>) target_semaphore(%arg6 : memref<!tpu.dma_semaphore, #tpu.memory_space<semaphore_mem>>)
    } else {
    }
    %gt3A_90 = arith.constant 5632 : i32
    %gt3A_91 = arith.cmpi sgt, %min3A, %gt3A_90 : i32
    %convert_element_type3A_92 = arith.extui %gt3A_91 : i1 to i32
    %cond3A_93 = arith.constant 0 : i32
    %cond3A_94 = arith.cmpi ne, %convert_element_type3A_92, %cond3A_93 : i32
    scf.if %cond3A_94 {
      %add3A_206 = arith.addi %get3A_34, %mul3A_29 : i32
      %add3A_207 = arith.constant 5632 : i32
      %add3A_208 = arith.addi %add3A_206, %add3A_207 : i32
      %dma_start3A = arith.constant 5632 : i32
      %dma_start3A_209 = arith.constant 0 : i32
      %dma_start3A_210 = tpu.memref_slice %arg5[%dma_start3A, %dma_start3A_209] : memref<8192x128xf32, #tpu.memory_space<vmem>> -> memref<512x128xf32, #tpu.memory_space<vmem>>
      %dma_start3A_211 = arith.constant 0 : i32
      %dma_start3A_212 = tpu.memref_slice %arg2[%add3A_208, %dma_start3A_211] : memref<24576x128xf32, #tpu.memory_space<any>> -> memref<512x128xf32, #tpu.memory_space<any>>
      tpu.enqueue_dma source(%dma_start3A_212 : memref<512x128xf32, #tpu.memory_space<any>>) target(%dma_start3A_210 : memref<512x128xf32, #tpu.memory_space<vmem>>) target_semaphore(%arg6 : memref<!tpu.dma_semaphore, #tpu.memory_space<semaphore_mem>>)
    } else {
    }
    %gt3A_95 = arith.constant 6144 : i32
    %gt3A_96 = arith.cmpi sgt, %min3A, %gt3A_95 : i32
    %convert_element_type3A_97 = arith.extui %gt3A_96 : i1 to i32
    %cond3A_98 = arith.constant 0 : i32
    %cond3A_99 = arith.cmpi ne, %convert_element_type3A_97, %cond3A_98 : i32
    scf.if %cond3A_99 {
      %add3A_206 = arith.addi %get3A_34, %mul3A_29 : i32
      %add3A_207 = arith.constant 6144 : i32
      %add3A_208 = arith.addi %add3A_206, %add3A_207 : i32
      %dma_start3A = arith.constant 6144 : i32
      %dma_start3A_209 = arith.constant 0 : i32
      %dma_start3A_210 = tpu.memref_slice %arg5[%dma_start3A, %dma_start3A_209] : memref<8192x128xf32, #tpu.memory_space<vmem>> -> memref<512x128xf32, #tpu.memory_space<vmem>>
      %dma_start3A_211 = arith.constant 0 : i32
      %dma_start3A_212 = tpu.memref_slice %arg2[%add3A_208, %dma_start3A_211] : memref<24576x128xf32, #tpu.memory_space<any>> -> memref<512x128xf32, #tpu.memory_space<any>>
      tpu.enqueue_dma source(%dma_start3A_212 : memref<512x128xf32, #tpu.memory_space<any>>) target(%dma_start3A_210 : memref<512x128xf32, #tpu.memory_space<vmem>>) target_semaphore(%arg6 : memref<!tpu.dma_semaphore, #tpu.memory_space<semaphore_mem>>)
    } else {
    }
    %gt3A_100 = arith.constant 6656 : i32
    %gt3A_101 = arith.cmpi sgt, %min3A, %gt3A_100 : i32
    %convert_element_type3A_102 = arith.extui %gt3A_101 : i1 to i32
    %cond3A_103 = arith.constant 0 : i32
    %cond3A_104 = arith.cmpi ne, %convert_element_type3A_102, %cond3A_103 : i32
    scf.if %cond3A_104 {
      %add3A_206 = arith.addi %get3A_34, %mul3A_29 : i32
      %add3A_207 = arith.constant 6656 : i32
      %add3A_208 = arith.addi %add3A_206, %add3A_207 : i32
      %dma_start3A = arith.constant 6656 : i32
      %dma_start3A_209 = arith.constant 0 : i32
      %dma_start3A_210 = tpu.memref_slice %arg5[%dma_start3A, %dma_start3A_209] : memref<8192x128xf32, #tpu.memory_space<vmem>> -> memref<512x128xf32, #tpu.memory_space<vmem>>
      %dma_start3A_211 = arith.constant 0 : i32
      %dma_start3A_212 = tpu.memref_slice %arg2[%add3A_208, %dma_start3A_211] : memref<24576x128xf32, #tpu.memory_space<any>> -> memref<512x128xf32, #tpu.memory_space<any>>
      tpu.enqueue_dma source(%dma_start3A_212 : memref<512x128xf32, #tpu.memory_space<any>>) target(%dma_start3A_210 : memref<512x128xf32, #tpu.memory_space<vmem>>) target_semaphore(%arg6 : memref<!tpu.dma_semaphore, #tpu.memory_space<semaphore_mem>>)
    } else {
    }
    %gt3A_105 = arith.constant 7168 : i32
    %gt3A_106 = arith.cmpi sgt, %min3A, %gt3A_105 : i32
    %convert_element_type3A_107 = arith.extui %gt3A_106 : i1 to i32
    %cond3A_108 = arith.constant 0 : i32
    %cond3A_109 = arith.cmpi ne, %convert_element_type3A_107, %cond3A_108 : i32
    scf.if %cond3A_109 {
      %add3A_206 = arith.addi %get3A_34, %mul3A_29 : i32
      %add3A_207 = arith.constant 7168 : i32
      %add3A_208 = arith.addi %add3A_206, %add3A_207 : i32
      %dma_start3A = arith.constant 7168 : i32
      %dma_start3A_209 = arith.constant 0 : i32
      %dma_start3A_210 = tpu.memref_slice %arg5[%dma_start3A, %dma_start3A_209] : memref<8192x128xf32, #tpu.memory_space<vmem>> -> memref<512x128xf32, #tpu.memory_space<vmem>>
      %dma_start3A_211 = arith.constant 0 : i32
      %dma_start3A_212 = tpu.memref_slice %arg2[%add3A_208, %dma_start3A_211] : memref<24576x128xf32, #tpu.memory_space<any>> -> memref<512x128xf32, #tpu.memory_space<any>>
      tpu.enqueue_dma source(%dma_start3A_212 : memref<512x128xf32, #tpu.memory_space<any>>) target(%dma_start3A_210 : memref<512x128xf32, #tpu.memory_space<vmem>>) target_semaphore(%arg6 : memref<!tpu.dma_semaphore, #tpu.memory_space<semaphore_mem>>)
    } else {
    }
    %gt3A_110 = arith.constant 7680 : i32
    %gt3A_111 = arith.cmpi sgt, %min3A, %gt3A_110 : i32
    %convert_element_type3A_112 = arith.extui %gt3A_111 : i1 to i32
    %cond3A_113 = arith.constant 0 : i32
    %cond3A_114 = arith.cmpi ne, %convert_element_type3A_112, %cond3A_113 : i32
    scf.if %cond3A_114 {
      %add3A_206 = arith.addi %get3A_34, %mul3A_29 : i32
      %add3A_207 = arith.constant 7680 : i32
      %add3A_208 = arith.addi %add3A_206, %add3A_207 : i32
      %dma_start3A = arith.constant 7680 : i32
      %dma_start3A_209 = arith.constant 0 : i32
      %dma_start3A_210 = tpu.memref_slice %arg5[%dma_start3A, %dma_start3A_209] : memref<8192x128xf32, #tpu.memory_space<vmem>> -> memref<512x128xf32, #tpu.memory_space<vmem>>
      %dma_start3A_211 = arith.constant 0 : i32
      %dma_start3A_212 = tpu.memref_slice %arg2[%add3A_208, %dma_start3A_211] : memref<24576x128xf32, #tpu.memory_space<any>> -> memref<512x128xf32, #tpu.memory_space<any>>
      tpu.enqueue_dma source(%dma_start3A_212 : memref<512x128xf32, #tpu.memory_space<any>>) target(%dma_start3A_210 : memref<512x128xf32, #tpu.memory_space<vmem>>) target_semaphore(%arg6 : memref<!tpu.dma_semaphore, #tpu.memory_space<semaphore_mem>>)
    } else {
    }
    %gt3A_115 = arith.constant 0 : i32
    %gt3A_116 = arith.cmpi sgt, %min3A, %gt3A_115 : i32
    %convert_element_type3A_117 = arith.extui %gt3A_116 : i1 to i32
    %cond3A_118 = arith.constant 0 : i32
    %cond3A_119 = arith.cmpi ne, %convert_element_type3A_117, %cond3A_118 : i32
    scf.if %cond3A_119 {
      %add3A_206 = arith.addi %get3A_34, %mul3A_29 : i32
      %add3A_207 = arith.constant 0 : i32
      %add3A_208 = arith.addi %add3A_206, %add3A_207 : i32
      %dma_wait3A = arith.constant 0 : i32
      %dma_wait3A_209 = arith.constant 0 : i32
      %dma_wait3A_210 = tpu.memref_slice %arg5[%dma_wait3A, %dma_wait3A_209] : memref<8192x128xf32, #tpu.memory_space<vmem>> -> memref<512x128xf32, #tpu.memory_space<vmem>>
      %dma_wait3A_211 = arith.constant 0 : i32
      %dma_wait3A_212 = tpu.memref_slice %arg2[%add3A_208, %dma_wait3A_211] : memref<24576x128xf32, #tpu.memory_space<any>> -> memref<512x128xf32, #tpu.memory_space<any>>
      tpu.wait_dma2 semaphore(%arg6 : memref<!tpu.dma_semaphore, #tpu.memory_space<semaphore_mem>>) src(%dma_wait3A_212 : memref<512x128xf32, #tpu.memory_space<any>>) dst(%dma_wait3A_210 : memref<512x128xf32, #tpu.memory_space<vmem>>)
    } else {
    }
    %gt3A_120 = arith.constant 512 : i32
    %gt3A_121 = arith.cmpi sgt, %min3A, %gt3A_120 : i32
    %convert_element_type3A_122 = arith.extui %gt3A_121 : i1 to i32
    %cond3A_123 = arith.constant 0 : i32
    %cond3A_124 = arith.cmpi ne, %convert_element_type3A_122, %cond3A_123 : i32
    scf.if %cond3A_124 {
      %add3A_206 = arith.addi %get3A_34, %mul3A_29 : i32
      %add3A_207 = arith.constant 512 : i32
      %add3A_208 = arith.addi %add3A_206, %add3A_207 : i32
      %dma_wait3A = arith.constant 512 : i32
      %dma_wait3A_209 = arith.constant 0 : i32
      %dma_wait3A_210 = tpu.memref_slice %arg5[%dma_wait3A, %dma_wait3A_209] : memref<8192x128xf32, #tpu.memory_space<vmem>> -> memref<512x128xf32, #tpu.memory_space<vmem>>
      %dma_wait3A_211 = arith.constant 0 : i32
      %dma_wait3A_212 = tpu.memref_slice %arg2[%add3A_208, %dma_wait3A_211] : memref<24576x128xf32, #tpu.memory_space<any>> -> memref<512x128xf32, #tpu.memory_space<any>>
      tpu.wait_dma2 semaphore(%arg6 : memref<!tpu.dma_semaphore, #tpu.memory_space<semaphore_mem>>) src(%dma_wait3A_212 : memref<512x128xf32, #tpu.memory_space<any>>) dst(%dma_wait3A_210 : memref<512x128xf32, #tpu.memory_space<vmem>>)
    } else {
    }
    %gt3A_125 = arith.constant 1024 : i32
    %gt3A_126 = arith.cmpi sgt, %min3A, %gt3A_125 : i32
    %convert_element_type3A_127 = arith.extui %gt3A_126 : i1 to i32
    %cond3A_128 = arith.constant 0 : i32
    %cond3A_129 = arith.cmpi ne, %convert_element_type3A_127, %cond3A_128 : i32
    scf.if %cond3A_129 {
      %add3A_206 = arith.addi %get3A_34, %mul3A_29 : i32
      %add3A_207 = arith.constant 1024 : i32
      %add3A_208 = arith.addi %add3A_206, %add3A_207 : i32
      %dma_wait3A = arith.constant 1024 : i32
      %dma_wait3A_209 = arith.constant 0 : i32
      %dma_wait3A_210 = tpu.memref_slice %arg5[%dma_wait3A, %dma_wait3A_209] : memref<8192x128xf32, #tpu.memory_space<vmem>> -> memref<512x128xf32, #tpu.memory_space<vmem>>
      %dma_wait3A_211 = arith.constant 0 : i32
      %dma_wait3A_212 = tpu.memref_slice %arg2[%add3A_208, %dma_wait3A_211] : memref<24576x128xf32, #tpu.memory_space<any>> -> memref<512x128xf32, #tpu.memory_space<any>>
      tpu.wait_dma2 semaphore(%arg6 : memref<!tpu.dma_semaphore, #tpu.memory_space<semaphore_mem>>) src(%dma_wait3A_212 : memref<512x128xf32, #tpu.memory_space<any>>) dst(%dma_wait3A_210 : memref<512x128xf32, #tpu.memory_space<vmem>>)
    } else {
    }
    %gt3A_130 = arith.constant 1536 : i32
    %gt3A_131 = arith.cmpi sgt, %min3A, %gt3A_130 : i32
    %convert_element_type3A_132 = arith.extui %gt3A_131 : i1 to i32
    %cond3A_133 = arith.constant 0 : i32
    %cond3A_134 = arith.cmpi ne, %convert_element_type3A_132, %cond3A_133 : i32
    scf.if %cond3A_134 {
      %add3A_206 = arith.addi %get3A_34, %mul3A_29 : i32
      %add3A_207 = arith.constant 1536 : i32
      %add3A_208 = arith.addi %add3A_206, %add3A_207 : i32
      %dma_wait3A = arith.constant 1536 : i32
      %dma_wait3A_209 = arith.constant 0 : i32
      %dma_wait3A_210 = tpu.memref_slice %arg5[%dma_wait3A, %dma_wait3A_209] : memref<8192x128xf32, #tpu.memory_space<vmem>> -> memref<512x128xf32, #tpu.memory_space<vmem>>
      %dma_wait3A_211 = arith.constant 0 : i32
      %dma_wait3A_212 = tpu.memref_slice %arg2[%add3A_208, %dma_wait3A_211] : memref<24576x128xf32, #tpu.memory_space<any>> -> memref<512x128xf32, #tpu.memory_space<any>>
      tpu.wait_dma2 semaphore(%arg6 : memref<!tpu.dma_semaphore, #tpu.memory_space<semaphore_mem>>) src(%dma_wait3A_212 : memref<512x128xf32, #tpu.memory_space<any>>) dst(%dma_wait3A_210 : memref<512x128xf32, #tpu.memory_space<vmem>>)
    } else {
    }
    %gt3A_135 = arith.constant 2048 : i32
    %gt3A_136 = arith.cmpi sgt, %min3A, %gt3A_135 : i32
    %convert_element_type3A_137 = arith.extui %gt3A_136 : i1 to i32
    %cond3A_138 = arith.constant 0 : i32
    %cond3A_139 = arith.cmpi ne, %convert_element_type3A_137, %cond3A_138 : i32
    scf.if %cond3A_139 {
      %add3A_206 = arith.addi %get3A_34, %mul3A_29 : i32
      %add3A_207 = arith.constant 2048 : i32
      %add3A_208 = arith.addi %add3A_206, %add3A_207 : i32
      %dma_wait3A = arith.constant 2048 : i32
      %dma_wait3A_209 = arith.constant 0 : i32
      %dma_wait3A_210 = tpu.memref_slice %arg5[%dma_wait3A, %dma_wait3A_209] : memref<8192x128xf32, #tpu.memory_space<vmem>> -> memref<512x128xf32, #tpu.memory_space<vmem>>
      %dma_wait3A_211 = arith.constant 0 : i32
      %dma_wait3A_212 = tpu.memref_slice %arg2[%add3A_208, %dma_wait3A_211] : memref<24576x128xf32, #tpu.memory_space<any>> -> memref<512x128xf32, #tpu.memory_space<any>>
      tpu.wait_dma2 semaphore(%arg6 : memref<!tpu.dma_semaphore, #tpu.memory_space<semaphore_mem>>) src(%dma_wait3A_212 : memref<512x128xf32, #tpu.memory_space<any>>) dst(%dma_wait3A_210 : memref<512x128xf32, #tpu.memory_space<vmem>>)
    } else {
    }
    %gt3A_140 = arith.constant 2560 : i32
    %gt3A_141 = arith.cmpi sgt, %min3A, %gt3A_140 : i32
    %convert_element_type3A_142 = arith.extui %gt3A_141 : i1 to i32
    %cond3A_143 = arith.constant 0 : i32
    %cond3A_144 = arith.cmpi ne, %convert_element_type3A_142, %cond3A_143 : i32
    scf.if %cond3A_144 {
      %add3A_206 = arith.addi %get3A_34, %mul3A_29 : i32
      %add3A_207 = arith.constant 2560 : i32
      %add3A_208 = arith.addi %add3A_206, %add3A_207 : i32
      %dma_wait3A = arith.constant 2560 : i32
      %dma_wait3A_209 = arith.constant 0 : i32
      %dma_wait3A_210 = tpu.memref_slice %arg5[%dma_wait3A, %dma_wait3A_209] : memref<8192x128xf32, #tpu.memory_space<vmem>> -> memref<512x128xf32, #tpu.memory_space<vmem>>
      %dma_wait3A_211 = arith.constant 0 : i32
      %dma_wait3A_212 = tpu.memref_slice %arg2[%add3A_208, %dma_wait3A_211] : memref<24576x128xf32, #tpu.memory_space<any>> -> memref<512x128xf32, #tpu.memory_space<any>>
      tpu.wait_dma2 semaphore(%arg6 : memref<!tpu.dma_semaphore, #tpu.memory_space<semaphore_mem>>) src(%dma_wait3A_212 : memref<512x128xf32, #tpu.memory_space<any>>) dst(%dma_wait3A_210 : memref<512x128xf32, #tpu.memory_space<vmem>>)
    } else {
    }
    %gt3A_145 = arith.constant 3072 : i32
    %gt3A_146 = arith.cmpi sgt, %min3A, %gt3A_145 : i32
    %convert_element_type3A_147 = arith.extui %gt3A_146 : i1 to i32
    %cond3A_148 = arith.constant 0 : i32
    %cond3A_149 = arith.cmpi ne, %convert_element_type3A_147, %cond3A_148 : i32
    scf.if %cond3A_149 {
      %add3A_206 = arith.addi %get3A_34, %mul3A_29 : i32
      %add3A_207 = arith.constant 3072 : i32
      %add3A_208 = arith.addi %add3A_206, %add3A_207 : i32
      %dma_wait3A = arith.constant 3072 : i32
      %dma_wait3A_209 = arith.constant 0 : i32
      %dma_wait3A_210 = tpu.memref_slice %arg5[%dma_wait3A, %dma_wait3A_209] : memref<8192x128xf32, #tpu.memory_space<vmem>> -> memref<512x128xf32, #tpu.memory_space<vmem>>
      %dma_wait3A_211 = arith.constant 0 : i32
      %dma_wait3A_212 = tpu.memref_slice %arg2[%add3A_208, %dma_wait3A_211] : memref<24576x128xf32, #tpu.memory_space<any>> -> memref<512x128xf32, #tpu.memory_space<any>>
      tpu.wait_dma2 semaphore(%arg6 : memref<!tpu.dma_semaphore, #tpu.memory_space<semaphore_mem>>) src(%dma_wait3A_212 : memref<512x128xf32, #tpu.memory_space<any>>) dst(%dma_wait3A_210 : memref<512x128xf32, #tpu.memory_space<vmem>>)
    } else {
    }
    %gt3A_150 = arith.constant 3584 : i32
    %gt3A_151 = arith.cmpi sgt, %min3A, %gt3A_150 : i32
    %convert_element_type3A_152 = arith.extui %gt3A_151 : i1 to i32
    %cond3A_153 = arith.constant 0 : i32
    %cond3A_154 = arith.cmpi ne, %convert_element_type3A_152, %cond3A_153 : i32
    scf.if %cond3A_154 {
      %add3A_206 = arith.addi %get3A_34, %mul3A_29 : i32
      %add3A_207 = arith.constant 3584 : i32
      %add3A_208 = arith.addi %add3A_206, %add3A_207 : i32
      %dma_wait3A = arith.constant 3584 : i32
      %dma_wait3A_209 = arith.constant 0 : i32
      %dma_wait3A_210 = tpu.memref_slice %arg5[%dma_wait3A, %dma_wait3A_209] : memref<8192x128xf32, #tpu.memory_space<vmem>> -> memref<512x128xf32, #tpu.memory_space<vmem>>
      %dma_wait3A_211 = arith.constant 0 : i32
      %dma_wait3A_212 = tpu.memref_slice %arg2[%add3A_208, %dma_wait3A_211] : memref<24576x128xf32, #tpu.memory_space<any>> -> memref<512x128xf32, #tpu.memory_space<any>>
      tpu.wait_dma2 semaphore(%arg6 : memref<!tpu.dma_semaphore, #tpu.memory_space<semaphore_mem>>) src(%dma_wait3A_212 : memref<512x128xf32, #tpu.memory_space<any>>) dst(%dma_wait3A_210 : memref<512x128xf32, #tpu.memory_space<vmem>>)
    } else {
    }
    %gt3A_155 = arith.constant 4096 : i32
    %gt3A_156 = arith.cmpi sgt, %min3A, %gt3A_155 : i32
    %convert_element_type3A_157 = arith.extui %gt3A_156 : i1 to i32
    %cond3A_158 = arith.constant 0 : i32
    %cond3A_159 = arith.cmpi ne, %convert_element_type3A_157, %cond3A_158 : i32
    scf.if %cond3A_159 {
      %add3A_206 = arith.addi %get3A_34, %mul3A_29 : i32
      %add3A_207 = arith.constant 4096 : i32
      %add3A_208 = arith.addi %add3A_206, %add3A_207 : i32
      %dma_wait3A = arith.constant 4096 : i32
      %dma_wait3A_209 = arith.constant 0 : i32
      %dma_wait3A_210 = tpu.memref_slice %arg5[%dma_wait3A, %dma_wait3A_209] : memref<8192x128xf32, #tpu.memory_space<vmem>> -> memref<512x128xf32, #tpu.memory_space<vmem>>
      %dma_wait3A_211 = arith.constant 0 : i32
      %dma_wait3A_212 = tpu.memref_slice %arg2[%add3A_208, %dma_wait3A_211] : memref<24576x128xf32, #tpu.memory_space<any>> -> memref<512x128xf32, #tpu.memory_space<any>>
      tpu.wait_dma2 semaphore(%arg6 : memref<!tpu.dma_semaphore, #tpu.memory_space<semaphore_mem>>) src(%dma_wait3A_212 : memref<512x128xf32, #tpu.memory_space<any>>) dst(%dma_wait3A_210 : memref<512x128xf32, #tpu.memory_space<vmem>>)
    } else {
    }
    %gt3A_160 = arith.constant 4608 : i32
    %gt3A_161 = arith.cmpi sgt, %min3A, %gt3A_160 : i32
    %convert_element_type3A_162 = arith.extui %gt3A_161 : i1 to i32
    %cond3A_163 = arith.constant 0 : i32
    %cond3A_164 = arith.cmpi ne, %convert_element_type3A_162, %cond3A_163 : i32
    scf.if %cond3A_164 {
      %add3A_206 = arith.addi %get3A_34, %mul3A_29 : i32
      %add3A_207 = arith.constant 4608 : i32
      %add3A_208 = arith.addi %add3A_206, %add3A_207 : i32
      %dma_wait3A = arith.constant 4608 : i32
      %dma_wait3A_209 = arith.constant 0 : i32
      %dma_wait3A_210 = tpu.memref_slice %arg5[%dma_wait3A, %dma_wait3A_209] : memref<8192x128xf32, #tpu.memory_space<vmem>> -> memref<512x128xf32, #tpu.memory_space<vmem>>
      %dma_wait3A_211 = arith.constant 0 : i32
      %dma_wait3A_212 = tpu.memref_slice %arg2[%add3A_208, %dma_wait3A_211] : memref<24576x128xf32, #tpu.memory_space<any>> -> memref<512x128xf32, #tpu.memory_space<any>>
      tpu.wait_dma2 semaphore(%arg6 : memref<!tpu.dma_semaphore, #tpu.memory_space<semaphore_mem>>) src(%dma_wait3A_212 : memref<512x128xf32, #tpu.memory_space<any>>) dst(%dma_wait3A_210 : memref<512x128xf32, #tpu.memory_space<vmem>>)
    } else {
    }
    %gt3A_165 = arith.constant 5120 : i32
    %gt3A_166 = arith.cmpi sgt, %min3A, %gt3A_165 : i32
    %convert_element_type3A_167 = arith.extui %gt3A_166 : i1 to i32
    %cond3A_168 = arith.constant 0 : i32
    %cond3A_169 = arith.cmpi ne, %convert_element_type3A_167, %cond3A_168 : i32
    scf.if %cond3A_169 {
      %add3A_206 = arith.addi %get3A_34, %mul3A_29 : i32
      %add3A_207 = arith.constant 5120 : i32
      %add3A_208 = arith.addi %add3A_206, %add3A_207 : i32
      %dma_wait3A = arith.constant 5120 : i32
      %dma_wait3A_209 = arith.constant 0 : i32
      %dma_wait3A_210 = tpu.memref_slice %arg5[%dma_wait3A, %dma_wait3A_209] : memref<8192x128xf32, #tpu.memory_space<vmem>> -> memref<512x128xf32, #tpu.memory_space<vmem>>
      %dma_wait3A_211 = arith.constant 0 : i32
      %dma_wait3A_212 = tpu.memref_slice %arg2[%add3A_208, %dma_wait3A_211] : memref<24576x128xf32, #tpu.memory_space<any>> -> memref<512x128xf32, #tpu.memory_space<any>>
      tpu.wait_dma2 semaphore(%arg6 : memref<!tpu.dma_semaphore, #tpu.memory_space<semaphore_mem>>) src(%dma_wait3A_212 : memref<512x128xf32, #tpu.memory_space<any>>) dst(%dma_wait3A_210 : memref<512x128xf32, #tpu.memory_space<vmem>>)
    } else {
    }
    %gt3A_170 = arith.constant 5632 : i32
    %gt3A_171 = arith.cmpi sgt, %min3A, %gt3A_170 : i32
    %convert_element_type3A_172 = arith.extui %gt3A_171 : i1 to i32
    %cond3A_173 = arith.constant 0 : i32
    %cond3A_174 = arith.cmpi ne, %convert_element_type3A_172, %cond3A_173 : i32
    scf.if %cond3A_174 {
      %add3A_206 = arith.addi %get3A_34, %mul3A_29 : i32
      %add3A_207 = arith.constant 5632 : i32
      %add3A_208 = arith.addi %add3A_206, %add3A_207 : i32
      %dma_wait3A = arith.constant 5632 : i32
      %dma_wait3A_209 = arith.constant 0 : i32
      %dma_wait3A_210 = tpu.memref_slice %arg5[%dma_wait3A, %dma_wait3A_209] : memref<8192x128xf32, #tpu.memory_space<vmem>> -> memref<512x128xf32, #tpu.memory_space<vmem>>
      %dma_wait3A_211 = arith.constant 0 : i32
      %dma_wait3A_212 = tpu.memref_slice %arg2[%add3A_208, %dma_wait3A_211] : memref<24576x128xf32, #tpu.memory_space<any>> -> memref<512x128xf32, #tpu.memory_space<any>>
      tpu.wait_dma2 semaphore(%arg6 : memref<!tpu.dma_semaphore, #tpu.memory_space<semaphore_mem>>) src(%dma_wait3A_212 : memref<512x128xf32, #tpu.memory_space<any>>) dst(%dma_wait3A_210 : memref<512x128xf32, #tpu.memory_space<vmem>>)
    } else {
    }
    %gt3A_175 = arith.constant 6144 : i32
    %gt3A_176 = arith.cmpi sgt, %min3A, %gt3A_175 : i32
    %convert_element_type3A_177 = arith.extui %gt3A_176 : i1 to i32
    %cond3A_178 = arith.constant 0 : i32
    %cond3A_179 = arith.cmpi ne, %convert_element_type3A_177, %cond3A_178 : i32
    scf.if %cond3A_179 {
      %add3A_206 = arith.addi %get3A_34, %mul3A_29 : i32
      %add3A_207 = arith.constant 6144 : i32
      %add3A_208 = arith.addi %add3A_206, %add3A_207 : i32
      %dma_wait3A = arith.constant 6144 : i32
      %dma_wait3A_209 = arith.constant 0 : i32
      %dma_wait3A_210 = tpu.memref_slice %arg5[%dma_wait3A, %dma_wait3A_209] : memref<8192x128xf32, #tpu.memory_space<vmem>> -> memref<512x128xf32, #tpu.memory_space<vmem>>
      %dma_wait3A_211 = arith.constant 0 : i32
      %dma_wait3A_212 = tpu.memref_slice %arg2[%add3A_208, %dma_wait3A_211] : memref<24576x128xf32, #tpu.memory_space<any>> -> memref<512x128xf32, #tpu.memory_space<any>>
      tpu.wait_dma2 semaphore(%arg6 : memref<!tpu.dma_semaphore, #tpu.memory_space<semaphore_mem>>) src(%dma_wait3A_212 : memref<512x128xf32, #tpu.memory_space<any>>) dst(%dma_wait3A_210 : memref<512x128xf32, #tpu.memory_space<vmem>>)
    } else {
    }
    %gt3A_180 = arith.constant 6656 : i32
    %gt3A_181 = arith.cmpi sgt, %min3A, %gt3A_180 : i32
    %convert_element_type3A_182 = arith.extui %gt3A_181 : i1 to i32
    %cond3A_183 = arith.constant 0 : i32
    %cond3A_184 = arith.cmpi ne, %convert_element_type3A_182, %cond3A_183 : i32
    scf.if %cond3A_184 {
      %add3A_206 = arith.addi %get3A_34, %mul3A_29 : i32
      %add3A_207 = arith.constant 6656 : i32
      %add3A_208 = arith.addi %add3A_206, %add3A_207 : i32
      %dma_wait3A = arith.constant 6656 : i32
      %dma_wait3A_209 = arith.constant 0 : i32
      %dma_wait3A_210 = tpu.memref_slice %arg5[%dma_wait3A, %dma_wait3A_209] : memref<8192x128xf32, #tpu.memory_space<vmem>> -> memref<512x128xf32, #tpu.memory_space<vmem>>
      %dma_wait3A_211 = arith.constant 0 : i32
      %dma_wait3A_212 = tpu.memref_slice %arg2[%add3A_208, %dma_wait3A_211] : memref<24576x128xf32, #tpu.memory_space<any>> -> memref<512x128xf32, #tpu.memory_space<any>>
      tpu.wait_dma2 semaphore(%arg6 : memref<!tpu.dma_semaphore, #tpu.memory_space<semaphore_mem>>) src(%dma_wait3A_212 : memref<512x128xf32, #tpu.memory_space<any>>) dst(%dma_wait3A_210 : memref<512x128xf32, #tpu.memory_space<vmem>>)
    } else {
    }
    %gt3A_185 = arith.constant 7168 : i32
    %gt3A_186 = arith.cmpi sgt, %min3A, %gt3A_185 : i32
    %convert_element_type3A_187 = arith.extui %gt3A_186 : i1 to i32
    %cond3A_188 = arith.constant 0 : i32
    %cond3A_189 = arith.cmpi ne, %convert_element_type3A_187, %cond3A_188 : i32
    scf.if %cond3A_189 {
      %add3A_206 = arith.addi %get3A_34, %mul3A_29 : i32
      %add3A_207 = arith.constant 7168 : i32
      %add3A_208 = arith.addi %add3A_206, %add3A_207 : i32
      %dma_wait3A = arith.constant 7168 : i32
      %dma_wait3A_209 = arith.constant 0 : i32
      %dma_wait3A_210 = tpu.memref_slice %arg5[%dma_wait3A, %dma_wait3A_209] : memref<8192x128xf32, #tpu.memory_space<vmem>> -> memref<512x128xf32, #tpu.memory_space<vmem>>
      %dma_wait3A_211 = arith.constant 0 : i32
      %dma_wait3A_212 = tpu.memref_slice %arg2[%add3A_208, %dma_wait3A_211] : memref<24576x128xf32, #tpu.memory_space<any>> -> memref<512x128xf32, #tpu.memory_space<any>>
      tpu.wait_dma2 semaphore(%arg6 : memref<!tpu.dma_semaphore, #tpu.memory_space<semaphore_mem>>) src(%dma_wait3A_212 : memref<512x128xf32, #tpu.memory_space<any>>) dst(%dma_wait3A_210 : memref<512x128xf32, #tpu.memory_space<vmem>>)
    } else {
    }
    %gt3A_190 = arith.constant 7680 : i32
    %gt3A_191 = arith.cmpi sgt, %min3A, %gt3A_190 : i32
    %convert_element_type3A_192 = arith.extui %gt3A_191 : i1 to i32
    %cond3A_193 = arith.constant 0 : i32
    %cond3A_194 = arith.cmpi ne, %convert_element_type3A_192, %cond3A_193 : i32
    scf.if %cond3A_194 {
      %add3A_206 = arith.addi %get3A_34, %mul3A_29 : i32
      %add3A_207 = arith.constant 7680 : i32
      %add3A_208 = arith.addi %add3A_206, %add3A_207 : i32
      %dma_wait3A = arith.constant 7680 : i32
      %dma_wait3A_209 = arith.constant 0 : i32
      %dma_wait3A_210 = tpu.memref_slice %arg5[%dma_wait3A, %dma_wait3A_209] : memref<8192x128xf32, #tpu.memory_space<vmem>> -> memref<512x128xf32, #tpu.memory_space<vmem>>
      %dma_wait3A_211 = arith.constant 0 : i32
      %dma_wait3A_212 = tpu.memref_slice %arg2[%add3A_208, %dma_wait3A_211] : memref<24576x128xf32, #tpu.memory_space<any>> -> memref<512x128xf32, #tpu.memory_space<any>>
      tpu.wait_dma2 semaphore(%arg6 : memref<!tpu.dma_semaphore, #tpu.memory_space<semaphore_mem>>) src(%dma_wait3A_212 : memref<512x128xf32, #tpu.memory_space<any>>) dst(%dma_wait3A_210 : memref<512x128xf32, #tpu.memory_space<vmem>>)
    } else {
    }
    %iota3A = tpu.iota {dimensions = array<i32: 0>} : vector<8192x128xi32>
    %lt3A_195 = vector.broadcast %min3A : i32 to vector<8192x128xi32>
    %lt3A_196 = arith.cmpi slt, %iota3A, %lt3A_195 : vector<8192x128xi32>
    %get3A_197 = arith.constant 0 : index
    %get3A_198 = arith.constant 0 : index
    %get3A_199 = vector.load %arg5[%get3A_197, %get3A_198] : memref<8192x128xf32, #tpu.memory_space<vmem>>, vector<8192x128xf32>
    %get3A_200 = arith.constant 0 : index
    %get3A_201 = arith.constant 0 : index
    %get3A_202 = vector.load %arg1[%get3A_200, %get3A_201] : memref<8192x128xf32, #tpu.memory_space<vmem>>, vector<8192x128xf32>
    %select_n3A_203 = arith.select %lt3A_196, %get3A_199, %get3A_202 : vector<8192x128xi1>, vector<8192x128xf32>
    %swap3A = arith.constant 0 : index
    %swap3A_204 = arith.constant 0 : index
    %swap3A_205 = vector.load %arg4[%swap3A, %swap3A_204] : memref<8192x128xf32, #tpu.memory_space<vmem>>, vector<8192x128xf32>
    tpu.vector_store %arg4[%swap3A, %swap3A_204], %select_n3A_203 {strides = array<i32>} : memref<8192x128xf32, #tpu.memory_space<vmem>>, vector<8192x128xf32>,
    return
  }
  func.func @transform_0(%arg0: i32) -> (i32, i32) {
    %c0_i32 = arith.constant 0 : i32
    %c0_i32_0 = arith.constant 0 : i32
    return %arg0, %c0_i32 : i32, i32
  }
  func.func @transform_2(%arg0: i32) -> (i32, i32) {
    %c0_i32 = arith.constant 0 : i32
    %c0_i32_0 = arith.constant 0 : i32
    %c0_i32_1 = arith.constant 0 : i32
    return %c0_i32, %c0_i32_0 : i32, i32
  }
  func.func @transform_3(%arg0: i32) -> (i32, i32) {
    %c0_i32 = arith.constant 0 : i32
    %c0_i32_0 = arith.constant 0 : i32
    return %arg0, %c0_i32 : i32, i32
  }
}

</mosaic_0001>

<sc_bundles>
// kernel: kernel.5.cloned.1.call-start
scs
__scs_entry_jumppad:
0x0: {  	(pc) =	sbr.rel $0x88, $3  }
0x1: {  	(tag) =	ssettag $0x0;
	lr =	simm.s32 $0x1  }
0x2: {  	[smem:$0x3F9E] =	sst lr;
	_ =	strace $0xD0000000  }
0x3: {  	_ = 	snop  }
0x4: {  	_ = 	snop  }
0x5: {  	_ = 	snop  }
0x6: {  	_ = 	snop  }
0x7: {  	_ = 	snop  }
__scs_overlays_trampoline_lowered:
0x8: {  	[smem:$0x3FAD] =	sst s0  }
0x9: {  	[smem:$0x3FAE] =	sst s1  }
0xa: {  	[smem:$0x3FAF] =	sst s2  }
0xb: {  	[smem:$0x3FB0] =	sst s3  }
0xc: {  	[smem:$0x3FB1] =	sst s4  }
0xd: {  	[smem:$0x3FB2] =	sst s5  }
0xe: {  	[smem:$0x3FB3] =	sst s6  }
0xf: {  	[smem:$0x3FB4] =	sst s7  }
0x10: {  	[smem:$0x3FB5] =	sst s8  }
0x11: {  	[smem:$0x3FB6] =	sst s9;
	s0 =	simm.s32 @!p0 $0x0  }
0x12: {  	s1 =	sld [smem:$0x3F9C];
	s0 =	simm.s32 @p0 $0x1  }
0x13: {  	[smem:$0x3FB7] =	sst s0;
	s0 =	simm.s32 @!p1 $0x0  }
0x14: {  	s2 =	sld [smem:$0x3F9B];
	s0 =	simm.s32 @p1 $0x1  }
0x15: {  	[smem:$0x3FB8] =	sst s0;
	s0 =	simm.s32 @!p2 $0x0  }
0x16: {  	s3 =	sld [smem:$0x3FDB];
	s0 =	simm.s32 @p2 $0x1  }
0x17: {  	s4 =	simm.s32 $0x1BF5;
	[smem:$0x3FBA] =	sst s0  }
0x18: {  	s0 =	sld [smem:$0x3F9D];
	_ =	swait.ge [sflag:s4], $0x0  }
0x19: {  	s7 =	sld [smem:$0x3F9E]  }
0x1a: {  	s8 =	sadd.s32 $0xFFFFE003, lr  }
0x1b: {  	s9 =	sadd.s32 $0xFFFFFEF7, lr;
	s5 =	simm.s32 $0xFFFFFFFF;
	p2 =	slt.u32 s8, $0xFFFFF086  }
0x1c: {  	p1 =	slt.u32 s9, $0xF7A;
	s5 =	simm.s32 @!p2 $0x0  }
0x1d: {  	s5 =	simm.s32 @p1 $0x1;
	p0 =	seq.s32 s7, s2  }
0x1e: {  	s7 =	smul.u32 @!p0 $0xF7A, s2;
	p2 =	seq.s32 @!p0 s5, $0x0  }
0x1f: {  	s9 =	smul.u32 $0xF7A, s1;
	s8 =	simm.s32 @!p0 $0x1BF5;
	p2 =	por !p2, p0  }
0x20: {  	[sflag:s8] =	ssyncset.s32 @!p0 $0xFFFFF086;
	s6 =	sadd.s32 @!p0 s3, s7;
	s7 =	simm.s32 @!p0 $0x108  }
0x21: {  	s3 =	sadd.s32 s3, s9;
	s6 =	sadd.s32 @!p0 $0x88, s6;
	s7 =	simm.s32 @p2 $0x1082  }
0x22: {  	[simem:s7], [sflag:s8] =	dma.local @!p0 [hbm:s6], $0xF7A  }
0x23: {  	s9 =	sor.u32 $0xD0000000, s2;
	s6 =	simm.s32 $0x108;
	_ =	swait.ge @!p0 [sflag:s8], $0x0  }
0x24: {  	s3 =	sadd.s32 $0x88, s3;
	s6 =	simm.s32 @!p1 $0x1082;
	[sflag:s4] =	ssyncset.s32 $0xFFFFF086  }
0x25: {  	[simem:s6], [sflag:s4] =	dma.local [hbm:s3], $0xF7A  }
0x26: {  	[smem:$0x3F9E] =	sst s1;
	(tag) =	ssettag s2;
	_ =	strace s9  }
0x27: {  	s1 =	sld [smem:$0x3FAE]  }
0x28: {  	s2 =	sld [smem:$0x3FAF]  }
0x29: {  	s4 =	sld [smem:$0x3FB1]  }
0x2a: {  	p0 =	seq.s32 s5, $0x0;
	s5 =	sld [smem:$0x3FB2]  }
0x2b: {  	s6 =	sld [smem:$0x3FB3]  }
0x2c: {  	s7 =	sld [smem:$0x3FB4]  }
0x2d: {  	s3 =	simm.s32 $0x108;
	s8 =	sld [smem:$0x3FB5]  }
0x2e: {  	s3 =	simm.s32 @!p0 $0x1082;
	s9 =	sld [smem:$0x3FB6]  }
0x2f: {  	lr =	sadd.s32 s0, s3;
	s0 =	sld [smem:$0x3FAD]  }
0x30: {  	s3 =	sld [smem:$0x3FB0]  }
0x31: {  	[smem:$0x3FB9] =	sst s10  }
0x32: {  	s10 =	sld [smem:$0x3FB7];
	_ =	sdelay $0x3  }
0x33: {  	p0 =	seq.s32 s10, $0x1;
	s10 =	sld [smem:$0x3FB9];
	_ =	sdelay $0x3  }
0x34: {  	[smem:$0x3FB9] =	sst s10  }
0x35: {  	s10 =	sld [smem:$0x3FB8];
	_ =	sdelay $0x3  }
0x36: {  	p1 =	seq.s32 s10, $0x1;
	s10 =	sld [smem:$0x3FB9];
	_ =	sdelay $0x3  }
0x37: {  	[smem:$0x3FB9] =	sst s10  }
0x38: {  	s10 =	sld [smem:$0x3FBA]  }
0x39: {  	_ = 	snop;
	(pc) =	sbr.ind lr, $3  }
0x3a: {  	_ = 	snop  }
0x3b: {  	_ = 	snop  }
0x3c: {  	p2 =	seq.s32 s10, $0x1;
	s10 =	sld [smem:$0x3FB9]  }
0x3d: {  	_ =	shalt  }
0x3e: {  	_ =	shalt  }
0x3f: {  	_ =	shalt  }
0x40: {  	_ =	shalt  }
0x41: {  	_ =	shalt  }
0x42: {  	_ =	shalt  }
0x43: {  	_ =	shalt  }
0x44: {  	_ =	shalt  }
0x45: {  	_ =	shalt  }
0x46: {  	_ =	shalt  }
0x47: {  	_ =	shalt  }
0x48: {  	_ =	shalt  }
0x49: {  	_ =	shalt  }
0x4a: {  	_ =	shalt  }
0x4b: {  	_ =	shalt  }
0x4c: {  	_ =	shalt  }
0x4d: {  	_ =	shalt  }
0x4e: {  	_ =	shalt  }
0x4f: {  	_ =	shalt  }
0x50: {  	_ =	shalt  }
0x51: {  	_ =	shalt  }
0x52: {  	_ =	shalt  }
0x53: {  	_ =	shalt  }
0x54: {  	_ =	shalt  }
0x55: {  	_ =	shalt  }
0x56: {  	_ =	shalt  }
0x57: {  	_ =	shalt  }
0x58: {  	_ =	shalt  }
0x59: {  	_ =	shalt  }
0x5a: {  	_ =	shalt  }
0x5b: {  	_ =	shalt  }
0x5c: {  	_ =	shalt  }
0x5d: {  	_ =	shalt  }
0x5e: {  	_ =	shalt  }
0x5f: {  	_ =	shalt  }
0x60: {  	_ =	shalt  }
0x61: {  	_ =	shalt  }
0x62: {  	_ =	shalt  }
0x63: {  	_ =	shalt  }
0x64: {  	_ =	shalt  }
0x65: {  	_ =	shalt  }
0x66: {  	_ =	shalt  }
0x67: {  	_ =	shalt  }
0x68: {  	_ =	shalt  }
0x69: {  	_ =	shalt  }
0x6a: {  	_ =	shalt  }
0x6b: {  	_ =	shalt  }
0x6c: {  	_ =	shalt  }
0x6d: {  	_ =	shalt  }
0x6e: {  	_ =	shalt  }
0x6f: {  	_ =	shalt  }
0x70: {  	_ =	shalt  }
0x71: {  	_ =	shalt  }
0x72: {  	_ =	shalt  }
0x73: {  	_ =	shalt  }
0x74: {  	_ =	shalt  }
0x75: {  	_ =	shalt  }
0x76: {  	_ =	shalt  }
0x77: {  	_ =	shalt  }
0x78: {  	_ =	shalt  }
0x79: {  	_ =	shalt  }
0x7a: {  	_ =	shalt  }
0x7b: {  	_ =	shalt  }
0x7c: {  	_ =	shalt  }
0x7d: {  	_ =	shalt  }
0x7e: {  	_ =	shalt  }
0x7f: {  	_ =	shalt  }
0x80: {  	_ =	shalt  }
0x81: {  	_ =	shalt  }
0x82: {  	_ =	shalt  }
0x83: {  	_ =	shalt  }
0x84: {  	_ =	shalt  }
0x85: {  	_ =	shalt  }
0x86: {  	_ =	shalt  }
0x87: {  	_ =	shalt  }
.Lfunc_end0:
.L_simem_size_0:
called_computation_lowered:
.L_overlay_start_0:
0x88: {  	s2 =	sld [smem:$0x3FD9]  }
0x89: {  	s3 =	sld [smem:$0x3FFE];
	_ =	sdelay $0x1  }
0x8a: {  	s1 =	srdreg.scid  }
0x8b: {  	s0 =	sand.u32 $0x1, s1  }
0x8c: {  	s17 =	sshll.u32 s0, $0xA;
	s2 =	sadd.s32 s3, s2  }
0x8d: {  	s2 =	sadd.s32 s2, s17  }
0x8e: {  	[smem:$0x3FC5] =	sst s2  }
0x8f: {  	_ = 	snop  }
0x90: {  	s2 =	sld [smem:$0x3FC8];
	(tm) =	ssettm $0x1  }
0x91: {  	s18 =	sld [smem:$0x3FFB];
	_ =	sdelay $0x3  }
0x92: {  	_ =	strace s18  }
0x93: {  	s3 =	sld [smem:$0x3FFC];
	_ =	sdelay $0x3  }
0x94: {  	_ =	strace s3  }
0x95: {  	s3 =	sld [smem:$0x3FFD];
	_ =	sdelay $0x3  }
0x96: {  	_ =	strace s3  }
0x97: {  	_ =	strace $0x8FFFFFFF  }
0x98: {  	s19 =	sld [smem:$0x3FDB];
	_ =	sdelay $0x1  }
0x99: {  	s4 =	simm.s32 $_scs_section_size  }
0x9a: {  	s5 =	simm.s32 $_size__tile_overlayer_lowered;
	s6 =	simm.s32 $_tile_overlayer_lowered  }
0x9b: {  	s22 =	simm.s32 $0x1BFF;
	s21 =	sshll.u32 s6, $0x1;
	s3 =	sadd.s32 s4, s19  }
0x9c: {  	s7 =	simm.s32 $0x0;
	s20 =	sshll.u32 s5, $0x1;
	s5 =	sadd.s32 s21, s3  }
0x9d: {  	[timem:s7], [sflag:s22] =	dma.local [hbm:s5], s20  }
0x9e: {  	_ =	swait.ge [sflag:s22], s20  }
0x9f: {  	s4 =	ssub.s32 $0x0, s20;
	[sflag:s22] =	ssyncset.done $0x0  }
0xa0: {  	[sflag:s22] =	ssyncadd.s32 s4;
	_ =	sdelay $0x1  }
0xa1: {  	s23 =	simm.s32 $0x1B8B  }
0xa2: {  	_ =	swait.ge [sflag:s23], $0x1  }
0xa3: {  	[sflag:s23] =	ssyncset.done $0x0  }
0xa4: {  	s25 =	simm.s32 $0x1B8E;
	s24 =	sld [smem:$0x3FFE];
	[sflag:s23] =	ssyncadd.s32 $0xFFFFFFFF  }
0xa5: {  	s26 =	simm.s32 $execute0_lowered;
	[smem:$0x3FD2] =	sst s25  }
0xa6: {  	s5 =	sshll.u32 s26, $0x1;
	_ =	strace $0x80000046;
	[dreg:$0x1] =	wrdreg $0xFFFFFFFF  }
0xa7: {  	s28 =	simm.s32 $_size_execute0_lowered;
	s3 =	sadd.s32 s3, s5;
	[dreg:$0x0] =	wrdreg $0x0  }
0xa8: {  	s5 =	sshll.u32 s28, $0x1;
	[dreg:$0x2] =	wrdreg s3  }
0xa9: {  	[dreg:$0x3] =	wrdreg s5  }
0xaa: {  	[dreg:$0x4] =	wrdreg $0xC0  }
0xab: {  	_ =	task [dreg:s7], $0x5FFFF  }
0xac: {  	[dreg:$0x1] =	wrdreg $0xFFFFFFFF  }
0xad: {  	[dreg:$0x0] =	wrdreg $0x60  }
0xae: {  	[dreg:$0x2] =	wrdreg s2  }
0xaf: {  	[dreg:$0x3] =	wrdreg s24  }
0xb0: {  	[dreg:$0x4] =	wrdreg $0x9  }
0xb1: {  	_ =	task.clear_ibuf [dreg:s7], $0x5FFFF;
	_ =	strace $0x90000046  }
0xb2: {  	s29 =	simm.s32 $0x9;
	_ =	strace $0x80000048  }
0xb3: {  	_ =	swait.ge [sflag:s29], $0x1  }
0xb4: {  	[sflag:s29] =	ssyncadd.s32 $0xFFFFFFFF  }
0xb5: {  	_ =	strace $0x90000048  }
0xb6: {  	_ =	sfence  }
0xb7: {  	s30 =	sld [smem:$0x0];
	_ =	sdelay $0x2  }
0xb8: {  	s31 =	sshll.u32 s1, $0xD;
	s1 =	sshrl.u32 s1, $0x2  }
0xb9: {  	s3 =	sand.u32 $0x4000, s31;
	s1 =	sadd.s32 s1, s30  }
0xba: {  	s0 =	sor.u32 s3, s0;
	s1 =	sshll.u32 s1, $0x11  }
0xbb: {  	s0 =	sor.u32 s1, s0  }
0xbc: {  	s0 =	sadd.s32 $0x8F2B, s0  }
0xbd: {  	[sflag:s0] =	ssyncadd.remote.s32 $0x1  }
0xbe: {  	_ =	sfence.sel $0xFFFF  }
0xbf: {  	[dreg:$0x0] =	wrdreg $0xFFFFFFFF;
	(pc) =	sbr.abs _section_cstart, $3  }
0xc0: {  	[dreg:$0x1] =	wrdreg $0xFFFFFFFF  }
0xc1: {  	_ =	task.clear_ibuf [dreg:s7], $0x2FFFF;
	_ =	strace $0x9FFFFFFF  }
0xc2: {  	(tm) =	ssettm $0x7FFFFFFF  }
0xc3: {  	_ =	shalt  }
tec
execute0_lowered:
.L_overlay_start_1:
0x0: {  	(tag) =	ssettag $0x1  }
0x1: {  	s3 =	rddreg [dreg:$0x0];
	s1 =	srdreg.scid  }
0x2: {  	s0 =	stileid.u32;
	s4 =	rddreg [dreg:$0x1]  }
0x3: {  	s2 =	simm.s32 $0x0;
	s10 =	simm.s32 $0x1;
	s11 =	simm.s32 $0x200  }
0x4: {  	s12 =	simm.s32 $0x400;
	s13 =	simm.s32 $0x600;
	s14 =	simm.s32 $0x0  }
0x5: {  	s5 =	sand.u32 $0x1, s1;
	s6 =	sshll.u32 s0, $0x1;
	[smem:$0x7FF] =	sst s2  }
0x6: {  	s1 =	rddreg [dreg:$0x2];
	s6 =	sor.u32 s5, s6;
	_ =	strace $0x80000047  }
0x7: {  	vm0 =	vmmov $0x1;
	s5 =	ssub.s32 $0x2, s5;
	s7 =	sshll.u32 s6, $0x6;
	s8 =	sshll.u32 s6, $0x4  }
0x8: {  	v0 =	vimm.s32 $0x0;
	vm1 =	vcmask $0x2F2C;
	vm2 =	vcmask $0x2734;
	s6 =	sshll.u32 s6, $0x7;
	s31 =	sshrl.u32 s5, $0x1;
	s7 =	sadd.s32 s7, s4  }
0x9: {  	v63 =	vimm.s32 $0x0;
	v0 =	vsel vm0, $0xFFFFFFFF, v0;
	vm0 =	vmor vm2, vm1;
	s8 =	sadd.s32 s8, s4;
	s3 =	sadd.s32 s3, s6;
	s9 =	ssub.s32 s5, s31  }
0xa: {  	vm3 =	vcmask $0x2B34;
	vm4 =	vcmask $0x2F38;
	[tilespmem:$0x1FFE0] =	vst v0;
	v0 =	vsel vm0, $0xFFFFFFFF, v63;
	s4 =	sadd.s32 $0x10, s3;
	s5 =	sadd.s32 $0x1400, s7;
	s6 =	sadd.s32 $0x1C00, s8  }
0xb: {  	vm5 =	vcmask $0x333C;
	vm6 =	vmmov $0x3fff;
	vm14 =	vmmov $0x7fff;
	[tilespmem:$0x1FFF0] =	vst v0;
	s7 =	smax.u32 s9, $0x1;
	s8 =	simm.s32 $0x80;
	s9 =	simm.s32 $0x100  }
.LBB2_1:
0xc: {  	[tilespmem:s2], [sflag:$0x1] =	stream.strided.gather [hbm4b:s3+s8], $0x200, s9, s8, $0x38;
	[tilespmem:$0x680] =	vst v63  }
0xd: {  	_ =	swait.ge [sflag:s10], $0x200  }
0xe: {  	[sflag:s10] =	ssyncset.done $0x0  }
0xf: {  	[sflag:s10] =	ssyncadd.s32 $0xFFFFFE00  }
0x10: {  	[tilespmem:s11], [sflag:$0x1] =	stream.strided.gather [hbm4b:s4+s8], $0x200, s9, s8, $0x38;
	[tilespmem:$0x680] =	vst v63  }
0x11: {  	_ =	swait.ge [sflag:s10], $0x200  }
0x12: {  	[sflag:s10] =	ssyncset.done $0x0  }
0x13: {  	s15 =	simm.s32 $0x0;
	[sflag:s10] =	ssyncadd.s32 $0xFFFFFE00  }
0x14: {  	v0 =	vld [tilespmem:s15+$0x0]  }
0x15: {  	v1 =	vld [tilespmem:s15+$0x200];
	_ =	sdelay $0x2  }
0x16: {  	v6 =	vld [tilespmem:$0x1FFE0]  }
0x17: {  	v0 =	vshll.u32 v0, $0x2  }
0x18: {  	v1 =	vadd.s32 v1, v0  }
0x19: {  	v4 =	vimm.s32 $0x0;
	vm1 =	veq.s32 v1, $0x0;
	vm2 =	veq.s32 v1, $0x1  }
0x1a: {  	v0 =	vmpcnt.ones.xlane vm1;
	v2 =	vmpcnt.ones.xlane vm2;
	vm2 =	veq.s32 v1, $0x2  }
0x1b: {  	vm0 =	vnez.u8 v6;
	v3 =	vmpcnt.ones.xlane vm2;
	vm2 =	veq.s32 v1, $0x3  }
0x1c: {  	v5 =	vmpcnt.ones.xlane vm2;
	vm2 =	veq.s32 v1, $0x4;
	v0 =	vadd.s32 v4, v0  }
0x1d: {  	v2 =	vadd.s32 v2, v4;
	v0 =	vsel vm0, v0, v4;
	vm0 =	vcmask $0x32C  }
0x1e: {  	v6 =	vmpcnt.ones.xlane vm2;
	vm2 =	veq.s32 v1, $0x5;
	v0 =	vsel vm0, v0, v2  }
0x1f: {  	v2 =	vadd.s32 v3, v4;
	v3 =	vmpcnt.ones.xlane vm2;
	vm0 =	vcmask $0x72C  }
0x20: {  	vm2 =	veq.s32 v1, $0x6;
	v5 =	vadd.s32 v5, v4;
	v0 =	vsel vm0, v0, v2  }
0x21: {  	v2 =	vmpcnt.ones.xlane vm2;
	vm2 =	veq.s32 v1, $0x7;
	vm0 =	vcmask $0xB2C  }
0x22: {  	v0 =	vsel vm0, v0, v5;
	v5 =	vadd.s32 v6, v4;
	v6 =	vmpcnt.ones.xlane vm2  }
0x23: {  	vm2 =	veq.s32 v1, $0x8;
	vm0 =	vcmask $0xF2C;
	v3 =	vadd.s32 v3, v4  }
0x24: {  	v0 =	vsel vm0, v0, v5;
	v5 =	vmpcnt.ones.xlane vm2;
	vm0 =	vcmask $0x132C  }
0x25: {  	vm2 =	veq.s32 v1, $0x9;
	v2 =	vadd.s32 v2, v4;
	v0 =	vsel vm0, v0, v3  }
0x26: {  	v3 =	vmpcnt.ones.xlane vm2;
	vm2 =	veq.s32 v1, $0xA;
	vm0 =	vcmask $0x172C  }
0x27: {  	v0 =	vsel vm0, v0, v2;
	v2 =	vadd.s32 v6, v4;
	v6 =	vmpcnt.ones.xlane vm2  }
0x28: {  	vm0 =	vcmask $0x1B2C  }
0x29: {  	v0 =	vsel vm0, v0, v2;
	v2 =	vadd.s32 v5, v4;
	v5 =	vadd.s32 v6, v4;
	v6 =	vld [tilespmem:$0x1FFF0]  }
0x2a: {  	vm2 =	veq.s32 v1, $0xB  }
0x2b: {  	vm15 =	veq.s32 v1, $0xE;
	v7 =	vmpcnt.ones.xlane vm2;
	vm0 =	vcmask $0x1F2C  }
0x2c: {  	vm2 =	veq.s32 v1, $0xC;
	v3 =	vadd.s32 v3, v4;
	v0 =	vsel vm0, v0, v2  }
0x2d: {  	[tilespmem:s15+$0x400] =	vst v1;
	s15 =	simm.s32 $0x10;
	v2 =	vmpcnt.ones.xlane vm2;
	vm2 =	veq.s32 v1, $0xD;
	vm0 =	vcmask $0x232C  }
0x2e: {  	v3 =	vsel vm0, v0, v3;
	v0 =	vld [tilespmem:s15+$0x0];
	v4 =	vmpcnt.ones.xlane vm2;
	vm0 =	vnez.u8 v6  }
0x2f: {  	s16 =	simm.s32 $0x80;
	vm2 =	veq.s32 v1, $0xF;
	v1 =	vld [tilespmem:s15+$0x200];
	v6 =	vadd.s32 v7, v3;
	v5 =	vsel vm0, v3, v5  }
.LBB2_2:
0x30: {  	_ = 	snop  }
0x31: {  	v5 =	vsel vm3, v5, v6;
	vm3 =	vmmov vm5;
	vm1 =	vmmov vm6  }
0x32: {  	v2 =	vadd.s32 v2, v3;
	v3 =	vmpcnt.ones.xlane vm15;
	v4 =	vadd.s32 v4, v5  }
0x33: {  	v2 =	vsel vm4, v5, v2;
	v5 =	vmpcnt.ones.xlane vm2;
	v0 =	vshll.u32 v0, $0x2  }
0x34: {  	v4 =	vsel vm5, v2, v4;
	v2 =	vadd.s32 v3, v2;
	v0 =	vadd.s32 v1, v0  }
0x35: {  	v1 =	vsel vm6, v4, v2;
	v2 =	vadd.s32 v5, v4;
	vm15 =	veq.s32 v0, $0xE  }
0x36: {  	vm2 =	veq.s32 v0, $0xF;
	v2 =	vsel vm14, v1, v2;
	vm5 =	veq.s32 v0, $0xB  }
0x37: {  	vm4 =	veq.s32 v0, $0xC;
	vm0 =	veq.s32 v0, $0xD;
	v1 =	vimm.s32 $0x0  }
0x38: {  	vm8 =	veq.s32 v0, $0x8;
	vm7 =	veq.s32 v0, $0x9;
	vm6 =	veq.s32 v0, $0xA  }
0x39: {  	vm9 =	veq.s32 v0, $0x0;
	vm11 =	veq.s32 v0, $0x6;
	v1 =	vsel vm0, $0xFFFFFFFF, v1  }
0x3a: {  	vm12 =	veq.s32 v0, $0x7;
	[tilespmem:$0x1FFD0] =	vst v1;
	v1 =	vmpcnt.ones.xlane vm9;
	vm9 =	veq.s32 v0, $0x1  }
0x3b: {  	vm13 =	veq.s32 v0, $0x5;
	v3 =	vmpcnt.ones.xlane vm9;
	vm9 =	veq.s32 v0, $0x2  }
0x3c: {  	[tilespmem:s15+$0x400] =	vst v0;
	vm0 =	veq.s32 v0, $0x4;
	v4 =	vmpcnt.ones.xlane vm9;
	vm9 =	veq.s32 v0, $0x3;
	v0 =	vld [tilespmem:$0x1FFE0];
	_ =	sdelay $0x4  }
0x3d: {  	v1 =	vadd.s32 v2, v1;
	vm10 =	vnez.u8 v0  }
0x3e: {  	v0 =	vsel vm10, v1, v2  }
0x3f: {  	v1 =	vadd.s32 v3, v2;
	v3 =	vmpcnt.ones.xlane vm9;
	vm9 =	vcmask $0x32C  }
0x40: {  	v0 =	vsel vm9, v0, v1  }
0x41: {  	v1 =	vadd.s32 v4, v2;
	v4 =	vmpcnt.ones.xlane vm0;
	vm0 =	vcmask $0x72C  }
0x42: {  	v0 =	vsel vm0, v0, v1  }
0x43: {  	v1 =	vadd.s32 v3, v2;
	v3 =	vmpcnt.ones.xlane vm13;
	vm0 =	vcmask $0xB2C  }
0x44: {  	v0 =	vsel vm0, v0, v1;
	v1 =	vadd.s32 v4, v2;
	vm0 =	vcmask $0xF2C  }
0x45: {  	v4 =	vmpcnt.ones.xlane vm11;
	v0 =	vsel vm0, v0, v1  }
0x46: {  	v1 =	vadd.s32 v3, v2;
	v3 =	vmpcnt.ones.xlane vm12;
	vm0 =	vcmask $0x132C  }
0x47: {  	v0 =	vsel vm0, v0, v1;
	v1 =	vadd.s32 v4, v2;
	vm0 =	vcmask $0x172C  }
0x48: {  	v5 =	vmpcnt.ones.xlane vm6;
	v4 =	vmpcnt.ones.xlane vm8;
	v0 =	vsel vm0, v0, v1  }
0x49: {  	v1 =	vadd.s32 v3, v2;
	v3 =	vmpcnt.ones.xlane vm7;
	vm0 =	vcmask $0x1B2C  }
0x4a: {  	v1 =	vsel vm0, v0, v1;
	v4 =	vadd.s32 v4, v2;
	vm0 =	vcmask $0x1F2C  }
0x4b: {  	v4 =	vsel vm0, v1, v4;
	v3 =	vadd.s32 v3, v2;
	vm0 =	vcmask $0x232C  }
0x4c: {  	v3 =	vsel vm0, v4, v3;
	v4 =	vadd.s32 v5, v2;
	v5 =	vld [tilespmem:$0x1FFF0];
	_ =	sdelay $0x4  }
0x4d: {  	vm0 =	vnez.u8 v5  }
0x4e: {  	v5 =	vsel vm0, v3, v4;
	v4 =	vld [tilespmem:$0x1FFD0]  }
0x4f: {  	p0 =	sne.s32 s16, $0x7C0  }
.Ltmp0:
0x50: {  	_ = 	snop;
	(pc) =	sbr.rel @p0 .LBB2_2-.Ltmp0, $4  }
0x51: {  	_ = 	snop  }
0x52: {  	s15 =	sshra.s32 s16, $0x2;
	vm6 =	vmmov vm1;
	v6 =	vmpcnt.ones.xlane vm5;
	vm5 =	vmmov vm3  }
0x53: {  	vm3 =	vcmask $0x2B34;
	v0 =	vld [tilespmem:s15+$0x0];
	v2 =	vmpcnt.ones.xlane vm4;
	vm0 =	vnez.u8 v4  }
0x54: {  	s16 =	sadd.s32 $0x40, s16;
	v1 =	vld [tilespmem:s15+$0x200];
	vm4 =	vcmask $0x2F38;
	v6 =	vadd.s32 v6, v3;
	v4 =	vmpcnt.ones.xlane vm0  }
0x55: {  	_ = 	snop  }
0x56: {  	v5 =	vsel vm3, v5, v6;
	v2 =	vadd.s32 v2, v3;
	v36 =	vmpcnt.ones.xlane vm15  }
0x57: {  	v37 =	vmpcnt.ones.xlane vm2;
	v2 =	vsel vm4, v5, v2;
	v4 =	vadd.s32 v4, v5  }
0x58: {  	v7 =	vld [tilespmem:$0x1FFE0];
	v4 =	vsel vm5, v2, v4;
	v2 =	vadd.s32 v36, v2;
	v0 =	vshll.u32 v0, $0x2  }
0x59: {  	v38 =	vsel vm6, v4, v2;
	v39 =	vadd.s32 v37, v4;
	v0 =	vadd.s32 v1, v0  }
0x5a: {  	v1 =	vsel vm14, v38, v39;
	vm0 =	veq.s32 v0, $0x0  }
0x5b: {  	vm1 =	veq.s32 v0, $0x1;
	v40 =	vmpcnt.ones.xlane vm0;
	vm0 =	veq.s32 v0, $0x2  }
0x5c: {  	v41 =	vmpcnt.ones.xlane vm1;
	vm1 =	veq.s32 v0, $0x4;
	v42 =	vmpcnt.ones.xlane vm0  }
0x5d: {  	vm0 =	veq.s32 v0, $0x3;
	v44 =	vmpcnt.ones.xlane vm1;
	vm1 =	vnez.u8 v7  }
0x5e: {  	v43 =	vmpcnt.ones.xlane vm0;
	v2 =	vadd.s32 v1, v40;
	vm0 =	veq.s32 v0, $0x5  }
0x5f: {  	v3 =	vadd.s32 v41, v1;
	v2 =	vsel vm1, v2, v1;
	vm1 =	vcmask $0x32C  }
0x60: {  	v45 =	vadd.s32 v42, v1;
	v46 =	vmpcnt.ones.xlane vm0;
	vm0 =	veq.s32 v0, $0x6  }
0x61: {  	v6 =	vadd.s32 v44, v1;
	v2 =	vsel vm1, v2, v3;
	vm1 =	vcmask $0x72C  }
0x62: {  	v47 =	vadd.s32 v43, v1;
	v48 =	vmpcnt.ones.xlane vm0;
	vm0 =	veq.s32 v0, $0x7  }
0x63: {  	v2 =	vsel vm1, v2, v45;
	vm1 =	vcmask $0xB2C;
	v49 =	vmpcnt.ones.xlane vm0  }
0x64: {  	vm0 =	veq.s32 v0, $0x8;
	v4 =	vadd.s32 v46, v1;
	v2 =	vsel vm1, v2, v47  }
0x65: {  	vm1 =	vcmask $0xF2C;
	v50 =	vmpcnt.ones.xlane vm0;
	vm0 =	veq.s32 v0, $0x9  }
0x66: {  	v51 =	vadd.s32 v48, v1;
	v2 =	vsel vm1, v2, v6;
	vm1 =	vcmask $0x132C  }
0x67: {  	v52 =	vmpcnt.ones.xlane vm0;
	vm0 =	veq.s32 v0, $0xA;
	v3 =	vadd.s32 v49, v1  }
0x68: {  	v2 =	vsel vm1, v2, v4;
	vm1 =	vcmask $0x172C;
	v53 =	vmpcnt.ones.xlane vm0  }
0x69: {  	v59 =	vld [tilespmem:$0x1FFF0];
	vm0 =	veq.s32 v0, $0xB;
	v54 =	vadd.s32 v50, v1;
	v2 =	vsel vm1, v2, v51  }
0x6a: {  	vm1 =	vcmask $0x1B2C;
	v55 =	vmpcnt.ones.xlane vm0;
	vm0 =	veq.s32 v0, $0xC  }
0x6b: {  	v56 =	vadd.s32 v52, v1;
	v2 =	vsel vm1, v2, v3;
	vm1 =	vcmask $0x1F2C  }
0x6c: {  	v57 =	vmpcnt.ones.xlane vm0;
	vm0 =	veq.s32 v0, $0xD;
	v1 =	vadd.s32 v53, v1  }
0x6d: {  	v2 =	vsel vm1, v2, v54;
	vm1 =	vcmask $0x232C;
	v58 =	vmpcnt.ones.xlane vm0  }
0x6e: {  	vm0 =	veq.s32 v0, $0xE;
	v2 =	vsel vm1, v2, v56;
	vm1 =	vnez.u8 v59  }
0x6f: {  	v61 =	vmpcnt.ones.xlane vm0;
	v1 =	vsel vm1, v2, v1;
	v60 =	vadd.s32 v55, v2  }
0x70: {  	vm0 =	veq.s32 v0, $0xF;
	v2 =	vadd.s32 v57, v2;
	v1 =	vsel vm3, v1, v60  }
0x71: {  	v62 =	vmpcnt.ones.xlane vm0;
	v2 =	vsel vm4, v1, v2;
	v1 =	vadd.s32 v58, v1  }
0x72: {  	v1 =	vsel vm5, v2, v1;
	v2 =	vadd.s32 v61, v2  }
0x73: {  	v2 =	vsel vm6, v1, v2;
	v1 =	vadd.s32 v62, v1  }
0x74: {  	[tilespmem:s15+$0x400] =	vst v0;
	v63 =	vsel vm14, v2, v1  }
0x75: {  	[tilespmem:$0x600] =	vst v63  }
0x76: {  	[hbm4b:s5+s2] =	stream.linear.scatter [tilespmem:s12], [sflag:$0x1], $0x200, $0x38;
	[tilespmem:$0x680] =	vst v63  }
0x77: {  	s14 =	sadd.s32 $0x1, s14;
	_ =	swait.ge [sflag:s10], $0x200  }
0x78: {  	p0 =	sne.s32 s14, s7;
	[sflag:s10] =	ssyncset.done $0x0  }
.Ltmp1:
0x79: {  	[sflag:s10] =	ssyncadd.s32 $0xFFFFFE00;
	(pc) =	sbr.rel @p0 .LBB2_1-.Ltmp1, $4  }
0x7a: {  	[hbm4b:s6+s2] =	stream.linear.scatter [tilespmem:s13], [sflag:$0x1], $0x80, $0x38;
	[tilespmem:$0x680] =	vst v63  }
0x7b: {  	_ =	swait.ge [sflag:s10], $0x80  }
0x7c: {  	[sflag:s10] =	ssyncset.done $0x0  }
0x7d: {  	[sflag:s10] =	ssyncadd.s32 $0xFFFFFF80  }
0x7e: {  	_ =	sfence.sel $0x180000  }
0x7f: {  	[bflag:$0x0] =	sbarrier.arrive $0xFFFF  }
0x80: {  	p0 =	sne.s32 s0, $0x0;
	_ =	strace $0x90000047  }
0x81: {  	s0 =	sadd.s32 @!p0 $0x100000, s1;
	[bflag:$0x2] =	sbarrier.arrive $0xFFFF  }
0x82: {  	[sflag:s0] =	ssyncadd.tile.s32 @!p0 $0x1;
	_ =	shalt  }
.Lfunc_end2:
_tile_overlayer_lowered:
.L_overlay_start_2:
0x83: {  	(tag) =	ssettag $0x2  }
0x84: {  	s0 =	rddreg [dreg:$0x0];
	s2 =	stileid.u32  }
0x85: {  	s1 =	rddreg [dreg:$0x1];
	p0 =	sne.s32 s2, $0x0  }
0x86: {  	s3 =	rddreg [dreg:$0x2];
	[bflag:$0x3] =	sbarrier.arrive $0xFFFF;
	s2 =	simm.s32 @!p0 $0x1C01  }
0x87: {  	[timem:s3], [sflag:s2] =	dma.local @!p0 [hbm:s0], s1  }
0x88: {  	s0 =	simm.s32 @!p0 $0x1  }
0x89: {  	_ =	swait.ge @!p0 [sflag:s0], s1  }
0x8a: {  	s1 =	ssub.s32 @!p0 $0x0, s1;
	[sflag:s0] =	ssyncset.done @!p0 $0x0  }
0x8b: {  	[sflag:s0] =	ssyncadd.s32 @!p0 s1  }
0x8c: {  	[bflag:$0x3] =	sbarrier.arrive $0xFFFF  }
0x8d: {  	_ =	shalt  }

// kernel: kernel.8.cloned.1.call-start
scs
__scs_entry_jumppad:
0x0: {  	(pc) =	sbr.rel $0x88, $3  }
0x1: {  	(tag) =	ssettag $0x0;
	lr =	simm.s32 $0x1  }
0x2: {  	[smem:$0x3F9E] =	sst lr;
	_ =	strace $0xD0000000  }
0x3: {  	_ = 	snop  }
0x4: {  	_ = 	snop  }
0x5: {  	_ = 	snop  }
0x6: {  	_ = 	snop  }
0x7: {  	_ = 	snop  }
__scs_overlays_trampoline_lowered:
0x8: {  	[smem:$0x3FAD] =	sst s0  }
0x9: {  	[smem:$0x3FAE] =	sst s1  }
0xa: {  	[smem:$0x3FAF] =	sst s2  }
0xb: {  	[smem:$0x3FB0] =	sst s3  }
0xc: {  	[smem:$0x3FB1] =	sst s4  }
0xd: {  	[smem:$0x3FB2] =	sst s5  }
0xe: {  	[smem:$0x3FB3] =	sst s6  }
0xf: {  	[smem:$0x3FB4] =	sst s7  }
0x10: {  	[smem:$0x3FB5] =	sst s8  }
0x11: {  	[smem:$0x3FB6] =	sst s9;
	s0 =	simm.s32 @!p0 $0x0  }
0x12: {  	s1 =	sld [smem:$0x3F9C];
	s0 =	simm.s32 @p0 $0x1  }
0x13: {  	[smem:$0x3FB7] =	sst s0;
	s0 =	simm.s32 @!p1 $0x0  }
0x14: {  	s2 =	sld [smem:$0x3F9B];
	s0 =	simm.s32 @p1 $0x1  }
0x15: {  	[smem:$0x3FB8] =	sst s0;
	s0 =	simm.s32 @!p2 $0x0  }
0x16: {  	s3 =	sld [smem:$0x3FDB];
	s0 =	simm.s32 @p2 $0x1  }
0x17: {  	s4 =	simm.s32 $0x1BF5;
	[smem:$0x3FBA] =	sst s0  }
0x18: {  	s0 =	sld [smem:$0x3F9D];
	_ =	swait.ge [sflag:s4], $0x0  }
0x19: {  	s7 =	sld [smem:$0x3F9E]  }
0x1a: {  	s8 =	sadd.s32 $0xFFFFE003, lr  }
0x1b: {  	s9 =	sadd.s32 $0xFFFFFEF7, lr;
	s5 =	simm.s32 $0xFFFFFFFF;
	p2 =	slt.u32 s8, $0xFFFFF086  }
0x1c: {  	p1 =	slt.u32 s9, $0xF7A;
	s5 =	simm.s32 @!p2 $0x0  }
0x1d: {  	s5 =	simm.s32 @p1 $0x1;
	p0 =	seq.s32 s7, s2  }
0x1e: {  	s7 =	smul.u32 @!p0 $0xF7A, s2;
	p2 =	seq.s32 @!p0 s5, $0x0  }
0x1f: {  	s9 =	smul.u32 $0xF7A, s1;
	s8 =	simm.s32 @!p0 $0x1BF5;
	p2 =	por !p2, p0  }
0x20: {  	[sflag:s8] =	ssyncset.s32 @!p0 $0xFFFFF086;
	s6 =	sadd.s32 @!p0 s3, s7;
	s7 =	simm.s32 @!p0 $0x108  }
0x21: {  	s3 =	sadd.s32 s3, s9;
	s6 =	sadd.s32 @!p0 $0x88, s6;
	s7 =	simm.s32 @p2 $0x1082  }
0x22: {  	[simem:s7], [sflag:s8] =	dma.local @!p0 [hbm:s6], $0xF7A  }
0x23: {  	s9 =	sor.u32 $0xD0000000, s2;
	s6 =	simm.s32 $0x108;
	_ =	swait.ge @!p0 [sflag:s8], $0x0  }
0x24: {  	s3 =	sadd.s32 $0x88, s3;
	s6 =	simm.s32 @!p1 $0x1082;
	[sflag:s4] =	ssyncset.s32 $0xFFFFF086  }
0x25: {  	[simem:s6], [sflag:s4] =	dma.local [hbm:s3], $0xF7A  }
0x26: {  	[smem:$0x3F9E] =	sst s1;
	(tag) =	ssettag s2;
	_ =	strace s9  }
0x27: {  	s1 =	sld [smem:$0x3FAE]  }
0x28: {  	s2 =	sld [smem:$0x3FAF]  }
0x29: {  	s4 =	sld [smem:$0x3FB1]  }
0x2a: {  	p0 =	seq.s32 s5, $0x0;
	s5 =	sld [smem:$0x3FB2]  }
0x2b: {  	s6 =	sld [smem:$0x3FB3]  }
0x2c: {  	s7 =	sld [smem:$0x3FB4]  }
0x2d: {  	s3 =	simm.s32 $0x108;
	s8 =	sld [smem:$0x3FB5]  }
0x2e: {  	s3 =	simm.s32 @!p0 $0x1082;
	s9 =	sld [smem:$0x3FB6]  }
0x2f: {  	lr =	sadd.s32 s0, s3;
	s0 =	sld [smem:$0x3FAD]  }
0x30: {  	s3 =	sld [smem:$0x3FB0]  }
0x31: {  	[smem:$0x3FB9] =	sst s10  }
0x32: {  	s10 =	sld [smem:$0x3FB7];
	_ =	sdelay $0x3  }
0x33: {  	p0 =	seq.s32 s10, $0x1;
	s10 =	sld [smem:$0x3FB9];
	_ =	sdelay $0x3  }
0x34: {  	[smem:$0x3FB9] =	sst s10  }
0x35: {  	s10 =	sld [smem:$0x3FB8];
	_ =	sdelay $0x3  }
0x36: {  	p1 =	seq.s32 s10, $0x1;
	s10 =	sld [smem:$0x3FB9];
	_ =	sdelay $0x3  }
0x37: {  	[smem:$0x3FB9] =	sst s10  }
0x38: {  	s10 =	sld [smem:$0x3FBA]  }
0x39: {  	_ = 	snop;
	(pc) =	sbr.ind lr, $3  }
0x3a: {  	_ = 	snop  }
0x3b: {  	_ = 	snop  }
0x3c: {  	p2 =	seq.s32 s10, $0x1;
	s10 =	sld [smem:$0x3FB9]  }
0x3d: {  	_ =	shalt  }
0x3e: {  	_ =	shalt  }
0x3f: {  	_ =	shalt  }
0x40: {  	_ =	shalt  }
0x41: {  	_ =	shalt  }
0x42: {  	_ =	shalt  }
0x43: {  	_ =	shalt  }
0x44: {  	_ =	shalt  }
0x45: {  	_ =	shalt  }
0x46: {  	_ =	shalt  }
0x47: {  	_ =	shalt  }
0x48: {  	_ =	shalt  }
0x49: {  	_ =	shalt  }
0x4a: {  	_ =	shalt  }
0x4b: {  	_ =	shalt  }
0x4c: {  	_ =	shalt  }
0x4d: {  	_ =	shalt  }
0x4e: {  	_ =	shalt  }
0x4f: {  	_ =	shalt  }
0x50: {  	_ =	shalt  }
0x51: {  	_ =	shalt  }
0x52: {  	_ =	shalt  }
0x53: {  	_ =	shalt  }
0x54: {  	_ =	shalt  }
0x55: {  	_ =	shalt  }
0x56: {  	_ =	shalt  }
0x57: {  	_ =	shalt  }
0x58: {  	_ =	shalt  }
0x59: {  	_ =	shalt  }
0x5a: {  	_ =	shalt  }
0x5b: {  	_ =	shalt  }
0x5c: {  	_ =	shalt  }
0x5d: {  	_ =	shalt  }
0x5e: {  	_ =	shalt  }
0x5f: {  	_ =	shalt  }
0x60: {  	_ =	shalt  }
0x61: {  	_ =	shalt  }
0x62: {  	_ =	shalt  }
0x63: {  	_ =	shalt  }
0x64: {  	_ =	shalt  }
0x65: {  	_ =	shalt  }
0x66: {  	_ =	shalt  }
0x67: {  	_ =	shalt  }
0x68: {  	_ =	shalt  }
0x69: {  	_ =	shalt  }
0x6a: {  	_ =	shalt  }
0x6b: {  	_ =	shalt  }
0x6c: {  	_ =	shalt  }
0x6d: {  	_ =	shalt  }
0x6e: {  	_ =	shalt  }
0x6f: {  	_ =	shalt  }
0x70: {  	_ =	shalt  }
0x71: {  	_ =	shalt  }
0x72: {  	_ =	shalt  }
0x73: {  	_ =	shalt  }
0x74: {  	_ =	shalt  }
0x75: {  	_ =	shalt  }
0x76: {  	_ =	shalt  }
0x77: {  	_ =	shalt  }
0x78: {  	_ =	shalt  }
0x79: {  	_ =	shalt  }
0x7a: {  	_ =	shalt  }
0x7b: {  	_ =	shalt  }
0x7c: {  	_ =	shalt  }
0x7d: {  	_ =	shalt  }
0x7e: {  	_ =	shalt  }
0x7f: {  	_ =	shalt  }
0x80: {  	_ =	shalt  }
0x81: {  	_ =	shalt  }
0x82: {  	_ =	shalt  }
0x83: {  	_ =	shalt  }
0x84: {  	_ =	shalt  }
0x85: {  	_ =	shalt  }
0x86: {  	_ =	shalt  }
0x87: {  	_ =	shalt  }
.Lfunc_end0:
.L_simem_size_0:
called_computation.1_lowered:
.L_overlay_start_0:
0x88: {  	s2 =	sld [smem:$0x3FD9]  }
0x89: {  	s3 =	sld [smem:$0x3FFE];
	_ =	sdelay $0x1  }
0x8a: {  	s1 =	srdreg.scid  }
0x8b: {  	s0 =	sand.u32 $0x1, s1  }
0x8c: {  	s17 =	sshll.u32 s0, $0xA;
	s2 =	sadd.s32 s3, s2  }
0x8d: {  	s2 =	sadd.s32 s2, s17  }
0x8e: {  	[smem:$0x3FC5] =	sst s2  }
0x8f: {  	_ = 	snop  }
0x90: {  	s2 =	sld [smem:$0x3FC9]  }
0x91: {  	s18 =	sld [smem:$0x3FD0];
	(tm) =	ssettm $0x1  }
0x92: {  	s4 =	sld [smem:$0x3FFB];
	_ =	sdelay $0x3  }
0x93: {  	_ =	strace s4  }
0x94: {  	s4 =	sld [smem:$0x3FFC];
	_ =	sdelay $0x3  }
0x95: {  	_ =	strace s4  }
0x96: {  	s4 =	sld [smem:$0x3FFD];
	_ =	sdelay $0x3  }
0x97: {  	_ =	strace s4  }
0x98: {  	_ =	strace $0x8FFFFFFF  }
0x99: {  	s19 =	sld [smem:$0x3FDB];
	_ =	sdelay $0x1  }
0x9a: {  	s5 =	simm.s32 $_scs_section_size  }
0x9b: {  	s6 =	simm.s32 $_size__tile_overlayer_lowered;
	s7 =	simm.s32 $_tile_overlayer_lowered  }
0x9c: {  	s22 =	simm.s32 $0x1BFF;
	s21 =	sshll.u32 s7, $0x1;
	s4 =	sadd.s32 s5, s19  }
0x9d: {  	s8 =	simm.s32 $0x0;
	s20 =	sshll.u32 s6, $0x1;
	s6 =	sadd.s32 s21, s4  }
0x9e: {  	[timem:s8], [sflag:s22] =	dma.local [hbm:s6], s20  }
0x9f: {  	_ =	swait.ge [sflag:s22], s20  }
0xa0: {  	s5 =	ssub.s32 $0x0, s20;
	[sflag:s22] =	ssyncset.done $0x0  }
0xa1: {  	[sflag:s22] =	ssyncadd.s32 s5;
	_ =	sdelay $0x1  }
0xa2: {  	s23 =	simm.s32 $0x1B8B  }
0xa3: {  	_ =	swait.ge [sflag:s23], $0x1  }
0xa4: {  	[sflag:s23] =	ssyncset.done $0x0  }
0xa5: {  	s25 =	simm.s32 $0x1B8E;
	s24 =	sld [smem:$0x3FFE];
	[sflag:s23] =	ssyncadd.s32 $0xFFFFFFFF  }
0xa6: {  	s26 =	simm.s32 $execute0_lowered;
	[smem:$0x3FD2] =	sst s25  }
0xa7: {  	s6 =	sshll.u32 s26, $0x1;
	_ =	strace $0x80000049;
	[dreg:$0x1] =	wrdreg $0xFFFFFFFF  }
0xa8: {  	s28 =	simm.s32 $_size_execute0_lowered;
	s4 =	sadd.s32 s4, s6;
	[dreg:$0x0] =	wrdreg $0x0  }
0xa9: {  	s6 =	sshll.u32 s28, $0x1;
	[dreg:$0x2] =	wrdreg s4  }
0xaa: {  	[dreg:$0x3] =	wrdreg s6  }
0xab: {  	[dreg:$0x4] =	wrdreg $0xC0  }
0xac: {  	_ =	task [dreg:s8], $0x5FFFF  }
0xad: {  	[dreg:$0x1] =	wrdreg $0xFFFFFFFF  }
0xae: {  	[dreg:$0x0] =	wrdreg $0x60  }
0xaf: {  	[dreg:$0x2] =	wrdreg s2  }
0xb0: {  	[dreg:$0x3] =	wrdreg s24  }
0xb1: {  	[dreg:$0x4] =	wrdreg s18  }
0xb2: {  	[dreg:$0x5] =	wrdreg $0x9  }
0xb3: {  	_ =	task.clear_ibuf [dreg:s8], $0x6FFFF;
	_ =	strace $0x90000049  }
0xb4: {  	s29 =	simm.s32 $0x9;
	_ =	strace $0x8000004B  }
0xb5: {  	_ =	swait.ge [sflag:s29], $0x1  }
0xb6: {  	[sflag:s29] =	ssyncadd.s32 $0xFFFFFFFF  }
0xb7: {  	_ =	strace $0x9000004B  }
0xb8: {  	_ =	sfence  }
0xb9: {  	s30 =	sld [smem:$0x0];
	_ =	sdelay $0x2  }
0xba: {  	s31 =	sshll.u32 s1, $0xD;
	s1 =	sshrl.u32 s1, $0x2  }
0xbb: {  	s3 =	sand.u32 $0x4000, s31;
	s1 =	sadd.s32 s1, s30  }
0xbc: {  	s0 =	sor.u32 s3, s0;
	s1 =	sshll.u32 s1, $0x11  }
0xbd: {  	s0 =	sor.u32 s1, s0  }
0xbe: {  	s0 =	sadd.s32 $0x8F2B, s0  }
0xbf: {  	[sflag:s0] =	ssyncadd.remote.s32 $0x1  }
0xc0: {  	_ =	sfence.sel $0xFFFF  }
0xc1: {  	[dreg:$0x0] =	wrdreg $0xFFFFFFFF;
	(pc) =	sbr.abs _section_cstart, $3  }
0xc2: {  	[dreg:$0x1] =	wrdreg $0xFFFFFFFF  }
0xc3: {  	_ =	task.clear_ibuf [dreg:s8], $0x2FFFF;
	_ =	strace $0x9FFFFFFF  }
0xc4: {  	(tm) =	ssettm $0x7FFFFFFF  }
0xc5: {  	_ =	shalt  }
tec
execute0_lowered:
.L_overlay_start_1:
0x0: {  	(tag) =	ssettag $0x1  }
0x1: {  	s1 =	rddreg [dreg:$0x0]  }
0x2: {  	s6 =	rddreg [dreg:$0x1];
	s3 =	srdreg.scid  }
0x3: {  	s0 =	stileid.u32;
	s2 =	rddreg [dreg:$0x2]  }
0x4: {  	s12 =	simm.s32 $0x1;
	s13 =	simm.s32 $0x80;
	s14 =	simm.s32 $0x1500  }
0x5: {  	s15 =	simm.s32 $0x1580;
	s16 =	simm.s32 $0x5700;
	s17 =	simm.s32 $0x1600  }
0x6: {  	s18 =	simm.s32 $0x9700;
	s19 =	simm.s32 $0x1680;
	s20 =	simm.s32 $0xD700  }
0x7: {  	s21 =	simm.s32 $0x2;
	s9 =	sand.u32 $0x1, s3;
	s4 =	sshll.u32 s0, $0x1  }
0x8: {  	s22 =	simm.s32 $0x0;
	s3 =	simm.s32 $0x0;
	s4 =	sor.u32 s9, s4  }
0x9: {  	[smem:$0x7FF] =	sst s3;
	s7 =	ssub.s32 $0x2, s9;
	s31 =	sor.u32 s0, s9  }
0xa: {  	s5 =	sshll.u32 s4, $0x6;
	_ =	strace $0x8000004A;
	s10 =	sshrl.u32 s7, $0x1  }
0xb: {  	s11 =	sshll.u32 s4, $0xD;
	p0 =	seq.s32 s4, $0x0;
	p1 =	sne.s32 s31, $0x0  }
0xc: {  	s8 =	sadd.s32 s5, s6;
	s5 =	sadd.s32 $0x1C00, s6;
	s6 =	sadd.s32 $0x1E00, s6  }
0xd: {  	s10 =	ssub.s32 s7, s10;
	s7 =	sadd.s32 s1, s11;
	s11 =	simm.s32 $0x3  }
0xe: {  	v0 =	vimm.s32 $0x0;
	s8 =	sadd.s32 $0x1400, s8;
	s9 =	smax.u32 s10, $0x1;
	s10 =	simm.s32 $0x1700  }
.LBB2_1:
0xf: {  	[tilespmem:s10], [sflag:$0x1] =	stream.linear.gather [hbm4b:s7+s3], $0x10000, $0x38;
	[tilespmem:$0x11700] =	vst v63  }
0x10: {  	_ = 	snop  }
0x11: {  	[tilespmem:s3], [sflag:$0x3] =	stream.linear.gather [hbm4b:s8+s3], $0x200, $0x38;
	[tilespmem:$0x11700] =	vst v63  }
0x12: {  	_ =	swait.ge [sflag:s11], $0x200  }
0x13: {  	[sflag:s11] =	ssyncset.done $0x0  }
0x14: {  	s23 =	simm.s32 $0x200;
	[sflag:s11] =	ssyncadd.s32 $0xFFFFFE00  }
0x15: {  	[tilespmem:s23], [sflag:$0x3] =	stream.linear.gather [hbm4b:s5+s3], $0x1000, $0x38;
	[tilespmem:$0x11700] =	vst v63  }
0x16: {  	_ =	swait.ge [sflag:s11], $0x1000  }
0x17: {  	[sflag:s11] =	ssyncset.done $0x0  }
0x18: {  	[sflag:s11] =	ssyncadd.s32 $0xFFFFF000  }
0x19: {  	v1 =	vld [tilespmem:$0x200]  }
0x1a: {  	v2 =	vld [tilespmem:$0x280]  }
0x1b: {  	v3 =	vld [tilespmem:$0x300]  }
0x1c: {  	v4 =	vld [tilespmem:$0x380]  }
0x1d: {  	v5 =	vld [tilespmem:$0x400]  }
0x1e: {  	v6 =	vld [tilespmem:$0x480]  }
0x1f: {  	v1 =	vadd.s32 v1, v2;
	v2 =	vld [tilespmem:$0x500]  }
0x20: {  	v1 =	vadd.s32 v1, v3;
	v3 =	vld [tilespmem:$0x580]  }
0x21: {  	v1 =	vadd.s32 v1, v4;
	v4 =	vld [tilespmem:$0x600]  }
0x22: {  	v1 =	vadd.s32 v1, v5;
	v5 =	vld [tilespmem:$0x680]  }
0x23: {  	v59 =	vld [tilespmem:$0x700];
	v1 =	vadd.s32 v1, v6  }
0x24: {  	v1 =	vadd.s32 v1, v2;
	v2 =	vld [tilespmem:$0x780]  }
0x25: {  	v1 =	vadd.s32 v1, v3;
	v3 =	vld [tilespmem:$0x800]  }
0x26: {  	v1 =	vadd.s32 v1, v4;
	v4 =	vld [tilespmem:$0x880]  }
0x27: {  	v1 =	vadd.s32 v1, v5;
	v5 =	vld [tilespmem:$0x900]  }
0x28: {  	v60 =	vld [tilespmem:$0x980];
	v1 =	vadd.s32 v1, v59  }
0x29: {  	v1 =	vadd.s32 v1, v2;
	v2 =	vld [tilespmem:$0xA00]  }
0x2a: {  	v1 =	vadd.s32 v1, v3;
	v3 =	vld [tilespmem:$0xA80]  }
0x2b: {  	v1 =	vadd.s32 v1, v4;
	v4 =	vld [tilespmem:$0xB00]  }
0x2c: {  	v1 =	vadd.s32 v1, v5;
	v5 =	vld [tilespmem:$0xB80]  }
0x2d: {  	v61 =	vld [tilespmem:$0xC00];
	v1 =	vadd.s32 v1, v60  }
0x2e: {  	v1 =	vadd.s32 v1, v2;
	v2 =	vld [tilespmem:$0xC80]  }
0x2f: {  	v1 =	vadd.s32 v1, v3;
	v3 =	vld [tilespmem:$0xD00]  }
0x30: {  	v1 =	vadd.s32 v1, v4;
	v4 =	vld [tilespmem:$0xD80]  }
0x31: {  	v1 =	vadd.s32 v1, v5;
	v5 =	vld [tilespmem:$0xE00]  }
0x32: {  	v62 =	vld [tilespmem:$0xE80];
	v1 =	vadd.s32 v1, v61  }
0x33: {  	v1 =	vadd.s32 v1, v2;
	v2 =	vld [tilespmem:$0xF00]  }
0x34: {  	v1 =	vadd.s32 v1, v3;
	v3 =	vld [tilespmem:$0xF80]  }
0x35: {  	v1 =	vadd.s32 v1, v4;
	v4 =	vld [tilespmem:$0x1000]  }
0x36: {  	v1 =	vadd.s32 v1, v5;
	v5 =	vld [tilespmem:$0x1080]  }
0x37: {  	v63 =	vld [tilespmem:$0x1100];
	v1 =	vadd.s32 v1, v62  }
0x38: {  	v1 =	vadd.s32 v1, v2;
	v2 =	vld [tilespmem:$0x1180]  }
0x39: {  	v1 =	vadd.s32 v1, v3  }
0x3a: {  	v1 =	vadd.s32 v1, v4  }
0x3b: {  	v1 =	vadd.s32 v1, v5  }
0x3c: {  	v1 =	vadd.s32 v1, v63  }
0x3d: {  	v3 =	vadd.s32 v1, v2  }
0x3e: {  	(xrf0) =	vadd.scan.msk.s32 $0xffff, v3;
	_ =	sdelay $0x1  }
.Ltmp0:
0x3f: {  	_ = 	snop;
	(pc) =	sbr.rel @p0 .LBB2_5-.Ltmp0, $2  }
0x40: {  	_ =	sdelay $0x2  }
0x41: {  	v1 =	vimm.s32 $0x0;
	v2, _, _ =	vpop (xrf0)  }
0x42: {  	p2 =	sne.s32 s4, $0x1  }
.Ltmp1:
0x43: {  	_ = 	snop;
	(pc) =	sbr.rel @!p2 .LBB2_4-.Ltmp1, $2  }
0x44: {  	_ =	sdelay $0x2  }
0x45: {  	s24 =	sadd.s32 $0xFFFFFFFF, s4;
	v4 =	vld [tilespmem:s23+$0x0];
	v1 =	vimm.s32 $0x0  }
.LBB2_3:
0x46: {  	p2 =	sne.s32 s24, $0x1  }
.Ltmp2:
0x47: {  	_ = 	snop;
	(pc) =	sbr.rel @p2 .LBB2_3-.Ltmp2, $3  }
0x48: {  	_ =	sdelay $0x1  }
0x49: {  	s24 =	sadd.s32 $0xFFFFFFFF, s24;
	s23 =	sadd.s32 $0x80, s23;
	v1 =	vadd.s32 v1, v4  }
0x4a: {  	v4 =	vld [tilespmem:s23+$0x0]  }
.LBB2_4:
0x4b: {  	_ =	sdelay $0x3  }
0x4c: {  	v1 =	vadd.s32 v1, v4  }
.LBB2_5:
0x4d: {  	v2 =	vsub.s32 v2, v3;
	[tilespmem:$0x1200] =	vst @!p1 v3  }
0x4e: {  	s1 =	simm.s32 @!p1 $0x0;
	s23 =	simm.s32 @!p1 $0x1200;
	[tilespmem:$0x1280] =	vst @!p1 v2  }
0x4f: {  	[hbm4b:s6+s1] =	stream.linear.scatter @!p1 [tilespmem:s23], [sflag:$0x3], $0x100, $0x38;
	[tilespmem:$0x11700] =	vst v63  }
0x50: {  	s1 =	simm.s32 @!p1 $0x3  }
0x51: {  	_ =	swait.ge @!p1 [sflag:s1], $0x100  }
0x52: {  	[sflag:s1] =	ssyncset.done @!p1 $0x0  }
0x53: {  	s28 =	simm.s32 $0x0;
	(v2sf) =	vpush v2, $0x0;
	[sflag:s1] =	ssyncadd.s32 @!p1 $0xFFFFFF00  }
0x54: {  	v3 =	vld [tilespmem:s28+$0x0]  }
0x55: {  	s25 =	simm.s32 $0x10;
	(v2sf) =	vpush v1, $0x0  }
0x56: {  	v4 =	vld [tilespmem:s25+$0x0];
	_ =	sdelay $0x2  }
0x57: {  	vm0 =	veq.s32 v3, $0x0  }
0x58: {  	v3 =	vsel vm0, $0x1, v0  }
0x59: {  	vm1 =	veq.s32 v4, $0x0;
	(xrf0) =	vadd.scan.msk.s32 $0xffff, v3  }
0x5a: {  	v3 =	vsel vm1, $0x1, v0  }
0x5b: {  	s26 =	simm.s32 $0x20;
	(xrf0) =	vadd.scan.msk.s32 $0xffff, v3  }
0x5c: {  	v4 =	vld [tilespmem:s26+$0x0];
	_ =	sdelay $0x2  }
0x5d: {  	v3, _, _ =	vpop (xrf0)  }
0x5e: {  	s23 =	spop (v2sf);
	(v2sf) =	vpush v3, $0xF  }
0x5f: {  	vm3 =	veq.s32 v4, $0x0;
	v4, _, _ =	vpop (xrf0)  }
0x60: {  	s24 =	spop (v2sf);
	(v2sf) =	vpush v4, $0xF;
	_ =	sdelay $0x2  }
0x61: {  	v6 =	vsel vm3, $0x1, v0  }
0x62: {  	(xrf0) =	vadd.scan.msk.s32 $0xffff, v6;
	v6 =	vld [tilespmem:s28+$0x1300];
	s1 =	sadd.s32 s24, s23;
	s24 =	simm.s32 $0x30  }
0x63: {  	v5 =	vld [tilespmem:s24+$0x0]  }
0x64: {  	vm0 =	vmmov vm0  }
0x65: {  	s29 =	simm.s32 $0x0;
	vm2 =	vmmov vm1;
	vm0 =	vmmov vm0;
	s23 =	sadd.s32 $0xFFFFFFFF, s1  }
0x66: {  	s30 =	simm.s32 $0x100;
	s31 =	simm.s32 $0x140;
	vm2 =	vmmov vm2;
	vm1 =	vmmov vm0;
	vm0 =	vmmov vm3;
	s1 =	sadd.s32 $0x0, s23  }
.LBB2_6:
0x67: {  	p2 =	sne.s32 s31, $0x7C0;
	v7 =	vadd.s32 s1, v3;
	v3 =	vmov v4  }
0x68: {  	s1 =	sshra.s32 s30, $0x2;
	vm3 =	veq.s32 v5, $0x0;
	s30 =	smov.u32 s31;
	v6 =	vsel vm1, v7, v6;
	vm1 =	vmmov vm2  }
.Ltmp3:
0x69: {  	v7 =	vsel vm3, $0x1, v0;
	vm2 =	vmmov vm0;
	vm0 =	vmmov vm3;
	v5 =	vld [tilespmem:s1+$0x0];
	v4, _, _ =	vpop (xrf0);
	[tilespmem:s28+$0x1300] =	vst v6;
	s28 =	smov.u32 s25;
	s25 =	smov.u32 s26;
	(pc) =	sbr.rel @p2 .LBB2_6-.Ltmp3, $4  }
0x6a: {  	s26 =	smov.u32 s24;
	s24 =	smov.u32 s1;
	(xrf0) =	vadd.scan.msk.s32 $0xffff, v7;
	(v2sf) =	vpush v4, $0xF;
	v6 =	vld [tilespmem:s28+$0x1300]  }
0x6b: {  	s1 =	spop (v2sf)  }
0x6c: {  	s29 =	sadd.s32 s29, s1  }
0x6d: {  	s31 =	sadd.s32 $0x40, s31;
	s1 =	sadd.s32 s29, s23  }
0x6e: {  	v3 =	vadd.s32 s1, v3  }
0x6f: {  	s1 =	sshra.s32 s30, $0x2;
	vm3 =	veq.s32 v5, $0x0;
	v3 =	vsel vm1, v3, v6  }
0x70: {  	v5 =	vld [tilespmem:s1+$0x0];
	v6 =	vsel vm3, $0x1, v0;
	v7, _, _ =	vpop (xrf0);
	[tilespmem:s28+$0x1300] =	vst v3  }
0x71: {  	(xrf0) =	vadd.scan.msk.s32 $0xffff, v6;
	s28 =	spop (v2sf);
	(v2sf) =	vpush v7, $0xF;
	v3 =	vld [tilespmem:s25+$0x1300]  }
0x72: {  	s28 =	sadd.s32 s29, s28  }
0x73: {  	s29 =	sadd.s32 s28, s23  }
0x74: {  	v4 =	vadd.s32 s29, v4  }
0x75: {  	vm1 =	vmmov vm2  }
0x76: {  	v3 =	vsel vm1, v4, v3  }
0x77: {  	v4, _, _ =	vpop (xrf0);
	[tilespmem:s25+$0x1300] =	vst v3  }
0x78: {  	(v2sf) =	vpush v4, $0xF;
	v3 =	vld [tilespmem:s26+$0x1300]  }
0x79: {  	s25 =	spop (v2sf)  }
0x7a: {  	s25 =	sadd.s32 s28, s25  }
0x7b: {  	vm0 =	vmmov vm0;
	s28 =	sadd.s32 s25, s23  }
0x7c: {  	vm0 =	vmmov vm0;
	v6 =	vadd.s32 s28, v7  }
0x7d: {  	v3 =	vsel vm0, v6, v3  }
0x7e: {  	[tilespmem:s26+$0x1300] =	vst v3  }
0x7f: {  	v3 =	vld [tilespmem:s24+$0x1300]  }
0x80: {  	s26 =	spop (v2sf)  }
0x81: {  	vm1 =	vmmov vm3;
	vm0 =	veq.s32 v5, $0x0;
	s25 =	sadd.s32 s25, s26  }
0x82: {  	vm1 =	vmmov vm1;
	v5 =	vsel vm0, $0x1, v0;
	s26 =	sadd.s32 s25, s23  }
0x83: {  	vm1 =	vmmov vm1;
	(xrf0) =	vadd.scan.msk.s32 $0xffff, v5;
	v4 =	vadd.s32 s26, v4  }
0x84: {  	v3 =	vsel vm1, v4, v3  }
0x85: {  	[tilespmem:s24+$0x1300] =	vst v3  }
0x86: {  	v3 =	vld [tilespmem:s1+$0x1300]  }
0x87: {  	s26 =	spop (v2sf)  }
0x88: {  	vm0 =	vmmov vm0;
	s24 =	sadd.s32 s25, s26  }
0x89: {  	vm0 =	vmmov vm0;
	v4, _, _ =	vpop (xrf0);
	s26 =	sadd.s32 s24, s23  }
0x8a: {  	vm0 =	vmmov vm0;
	(v2sf) =	vpush v4, $0xF;
	v4 =	vadd.s32 s26, v4  }
0x8b: {  	v3 =	vsel vm0, v4, v3  }
0x8c: {  	s28 =	simm.s32 $0x0;
	[tilespmem:s1+$0x1300] =	vst v3  }
0x8d: {  	v3 =	vld [tilespmem:s28+$0x0]  }
0x8e: {  	s25 =	simm.s32 $0x10;
	(v2sf) =	vpush v2, $0x1  }
0x8f: {  	v4 =	vld [tilespmem:s25+$0x0]  }
0x90: {  	(v2sf) =	vpush v1, $0x1;
	_ =	sdelay $0x1  }
0x91: {  	vm0 =	veq.s32 v3, $0x1  }
0x92: {  	v3 =	vsel vm0, $0x1, v0  }
0x93: {  	vm1 =	veq.s32 v4, $0x1;
	(xrf0) =	vadd.scan.msk.s32 $0xffff, v3  }
0x94: {  	v3 =	vsel vm1, $0x1, v0  }
0x95: {  	s26 =	simm.s32 $0x20;
	(xrf0) =	vadd.scan.msk.s32 $0xffff, v3  }
0x96: {  	v4 =	vld [tilespmem:s26+$0x0];
	_ =	sdelay $0x2  }
0x97: {  	v3, _, _ =	vpop (xrf0)  }
0x98: {  	s23 =	spop (v2sf);
	(v2sf) =	vpush v3, $0xF  }
0x99: {  	vm3 =	veq.s32 v4, $0x1;
	v4, _, _ =	vpop (xrf0)  }
0x9a: {  	s1 =	spop (v2sf);
	(v2sf) =	vpush v4, $0xF;
	_ =	sdelay $0x1  }
0x9b: {  	s24 =	spop (v2sf)  }
0x9c: {  	s1 =	sadd.s32 s24, s1;
	s24 =	simm.s32 $0x30  }
0x9d: {  	v6 =	vsel vm3, $0x1, v0;
	v5 =	vld [tilespmem:s24+$0x0]  }
0x9e: {  	(xrf0) =	vadd.scan.msk.s32 $0xffff, v6;
	v6 =	vld [tilespmem:s28+$0x1300]  }
0x9f: {  	vm0 =	vmmov vm0  }
0xa0: {  	s30 =	simm.s32 $0x100;
	vm2 =	vmmov vm1;
	vm0 =	vmmov vm0;
	s23 =	sadd.s32 $0xFFFFFFFF, s1  }
0xa1: {  	s31 =	simm.s32 $0x140;
	s29 =	simm.s32 $0x0;
	vm2 =	vmmov vm2;
	vm1 =	vmmov vm0;
	vm0 =	vmmov vm3;
	s1 =	sadd.s32 $0x0, s23  }
.LBB2_8:
0xa2: {  	p2 =	sne.s32 s31, $0x7C0;
	v7 =	vadd.s32 s1, v3;
	v3 =	vmov v4  }
0xa3: {  	s1 =	sshra.s32 s30, $0x2;
	vm3 =	veq.s32 v5, $0x1;
	s30 =	smov.u32 s31;
	v6 =	vsel vm1, v7, v6;
	vm1 =	vmmov vm2  }
.Ltmp4:
0xa4: {  	v7 =	vsel vm3, $0x1, v0;
	vm2 =	vmmov vm0;
	vm0 =	vmmov vm3;
	v5 =	vld [tilespmem:s1+$0x0];
	v4, _, _ =	vpop (xrf0);
	[tilespmem:s28+$0x1300] =	vst v6;
	s28 =	smov.u32 s25;
	s25 =	smov.u32 s26;
	(pc) =	sbr.rel @p2 .LBB2_8-.Ltmp4, $4  }
0xa5: {  	s26 =	smov.u32 s24;
	s24 =	smov.u32 s1;
	(xrf0) =	vadd.scan.msk.s32 $0xffff, v7;
	(v2sf) =	vpush v4, $0xF;
	v6 =	vld [tilespmem:s28+$0x1300]  }
0xa6: {  	s1 =	spop (v2sf)  }
0xa7: {  	s29 =	sadd.s32 s29, s1  }
0xa8: {  	s31 =	sadd.s32 $0x40, s31;
	s1 =	sadd.s32 s29, s23  }
0xa9: {  	v3 =	vadd.s32 s1, v3  }
0xaa: {  	s1 =	sshra.s32 s30, $0x2;
	vm3 =	veq.s32 v5, $0x1;
	v3 =	vsel vm1, v3, v6  }
0xab: {  	v5 =	vld [tilespmem:s1+$0x0];
	v6 =	vsel vm3, $0x1, v0;
	v7, _, _ =	vpop (xrf0);
	[tilespmem:s28+$0x1300] =	vst v3  }
0xac: {  	(xrf0) =	vadd.scan.msk.s32 $0xffff, v6;
	s28 =	spop (v2sf);
	(v2sf) =	vpush v7, $0xF;
	v3 =	vld [tilespmem:s25+$0x1300]  }
0xad: {  	s28 =	sadd.s32 s29, s28  }
0xae: {  	s29 =	sadd.s32 s28, s23  }
0xaf: {  	v4 =	vadd.s32 s29, v4  }
0xb0: {  	vm1 =	vmmov vm2  }
0xb1: {  	v3 =	vsel vm1, v4, v3  }
0xb2: {  	v4, _, _ =	vpop (xrf0);
	[tilespmem:s25+$0x1300] =	vst v3  }
0xb3: {  	(v2sf) =	vpush v4, $0xF;
	v3 =	vld [tilespmem:s26+$0x1300]  }
0xb4: {  	s25 =	spop (v2sf)  }
0xb5: {  	s25 =	sadd.s32 s28, s25  }
0xb6: {  	vm0 =	vmmov vm0;
	s28 =	sadd.s32 s25, s23  }
0xb7: {  	vm0 =	vmmov vm0;
	v6 =	vadd.s32 s28, v7  }
0xb8: {  	v3 =	vsel vm0, v6, v3  }
0xb9: {  	[tilespmem:s26+$0x1300] =	vst v3  }
0xba: {  	v3 =	vld [tilespmem:s24+$0x1300]  }
0xbb: {  	s26 =	spop (v2sf)  }
0xbc: {  	vm1 =	vmmov vm3;
	vm0 =	veq.s32 v5, $0x1;
	s25 =	sadd.s32 s25, s26  }
0xbd: {  	vm1 =	vmmov vm1;
	v5 =	vsel vm0, $0x1, v0;
	s26 =	sadd.s32 s25, s23  }
0xbe: {  	vm1 =	vmmov vm1;
	(xrf0) =	vadd.scan.msk.s32 $0xffff, v5;
	v4 =	vadd.s32 s26, v4  }
0xbf: {  	v3 =	vsel vm1, v4, v3  }
0xc0: {  	[tilespmem:s24+$0x1300] =	vst v3  }
0xc1: {  	v3 =	vld [tilespmem:s1+$0x1300]  }
0xc2: {  	s26 =	spop (v2sf)  }
0xc3: {  	vm0 =	vmmov vm0;
	s24 =	sadd.s32 s25, s26  }
0xc4: {  	vm0 =	vmmov vm0;
	v4, _, _ =	vpop (xrf0);
	s26 =	sadd.s32 s24, s23  }
0xc5: {  	vm0 =	vmmov vm0;
	(v2sf) =	vpush v4, $0xF;
	v4 =	vadd.s32 s26, v4  }
0xc6: {  	v3 =	vsel vm0, v4, v3  }
0xc7: {  	s28 =	simm.s32 $0x0;
	[tilespmem:s1+$0x1300] =	vst v3  }
0xc8: {  	v3 =	vld [tilespmem:s28+$0x0]  }
0xc9: {  	s25 =	simm.s32 $0x10;
	(v2sf) =	vpush v2, $0x2  }
0xca: {  	v4 =	vld [tilespmem:s25+$0x0]  }
0xcb: {  	(v2sf) =	vpush v1, $0x2;
	_ =	sdelay $0x1  }
0xcc: {  	vm0 =	veq.s32 v3, $0x2  }
0xcd: {  	v3 =	vsel vm0, $0x1, v0  }
0xce: {  	vm1 =	veq.s32 v4, $0x2;
	(xrf0) =	vadd.scan.msk.s32 $0xffff, v3  }
0xcf: {  	v3 =	vsel vm1, $0x1, v0  }
0xd0: {  	s26 =	simm.s32 $0x20;
	(xrf0) =	vadd.scan.msk.s32 $0xffff, v3  }
0xd1: {  	v4 =	vld [tilespmem:s26+$0x0];
	_ =	sdelay $0x2  }
0xd2: {  	v3, _, _ =	vpop (xrf0)  }
0xd3: {  	s23 =	spop (v2sf);
	(v2sf) =	vpush v3, $0xF  }
0xd4: {  	vm3 =	veq.s32 v4, $0x2;
	v4, _, _ =	vpop (xrf0)  }
0xd5: {  	s1 =	spop (v2sf);
	(v2sf) =	vpush v4, $0xF;
	_ =	sdelay $0x1  }
0xd6: {  	s24 =	spop (v2sf)  }
0xd7: {  	s1 =	sadd.s32 s24, s1;
	s24 =	simm.s32 $0x30  }
0xd8: {  	v6 =	vsel vm3, $0x1, v0;
	v5 =	vld [tilespmem:s24+$0x0]  }
0xd9: {  	(xrf0) =	vadd.scan.msk.s32 $0xffff, v6;
	v6 =	vld [tilespmem:s28+$0x1300]  }
0xda: {  	vm0 =	vmmov vm0  }
0xdb: {  	s30 =	simm.s32 $0x100;
	vm2 =	vmmov vm1;
	vm0 =	vmmov vm0;
	s23 =	sadd.s32 $0xFFFFFFFF, s1  }
0xdc: {  	s31 =	simm.s32 $0x140;
	s29 =	simm.s32 $0x0;
	vm2 =	vmmov vm2;
	vm1 =	vmmov vm0;
	vm0 =	vmmov vm3;
	s1 =	sadd.s32 $0x0, s23  }
.LBB2_10:
0xdd: {  	p2 =	sne.s32 s31, $0x7C0;
	v7 =	vadd.s32 s1, v3;
	v3 =	vmov v4  }
0xde: {  	s1 =	sshra.s32 s30, $0x2;
	vm3 =	veq.s32 v5, $0x2;
	s30 =	smov.u32 s31;
	v6 =	vsel vm1, v7, v6;
	vm1 =	vmmov vm2  }
.Ltmp5:
0xdf: {  	v7 =	vsel vm3, $0x1, v0;
	vm2 =	vmmov vm0;
	vm0 =	vmmov vm3;
	v5 =	vld [tilespmem:s1+$0x0];
	v4, _, _ =	vpop (xrf0);
	[tilespmem:s28+$0x1300] =	vst v6;
	s28 =	smov.u32 s25;
	s25 =	smov.u32 s26;
	(pc) =	sbr.rel @p2 .LBB2_10-.Ltmp5, $4  }
0xe0: {  	s26 =	smov.u32 s24;
	s24 =	smov.u32 s1;
	(xrf0) =	vadd.scan.msk.s32 $0xffff, v7;
	(v2sf) =	vpush v4, $0xF;
	v6 =	vld [tilespmem:s28+$0x1300]  }
0xe1: {  	s1 =	spop (v2sf)  }
0xe2: {  	s29 =	sadd.s32 s29, s1  }
0xe3: {  	s31 =	sadd.s32 $0x40, s31;
	s1 =	sadd.s32 s29, s23  }
0xe4: {  	v3 =	vadd.s32 s1, v3  }
0xe5: {  	s1 =	sshra.s32 s30, $0x2;
	vm3 =	veq.s32 v5, $0x2;
	v3 =	vsel vm1, v3, v6  }
0xe6: {  	v5 =	vld [tilespmem:s1+$0x0];
	v6 =	vsel vm3, $0x1, v0;
	v7, _, _ =	vpop (xrf0);
	[tilespmem:s28+$0x1300] =	vst v3  }
0xe7: {  	(xrf0) =	vadd.scan.msk.s32 $0xffff, v6;
	s28 =	spop (v2sf);
	(v2sf) =	vpush v7, $0xF;
	v3 =	vld [tilespmem:s25+$0x1300]  }
0xe8: {  	s28 =	sadd.s32 s29, s28  }
0xe9: {  	s29 =	sadd.s32 s28, s23  }
0xea: {  	v4 =	vadd.s32 s29, v4  }
0xeb: {  	vm1 =	vmmov vm2  }
0xec: {  	v3 =	vsel vm1, v4, v3  }
0xed: {  	v4, _, _ =	vpop (xrf0);
	[tilespmem:s25+$0x1300] =	vst v3  }
0xee: {  	(v2sf) =	vpush v4, $0xF;
	v3 =	vld [tilespmem:s26+$0x1300]  }
0xef: {  	s25 =	spop (v2sf)  }
0xf0: {  	s25 =	sadd.s32 s28, s25  }
0xf1: {  	vm0 =	vmmov vm0;
	s28 =	sadd.s32 s25, s23  }
0xf2: {  	vm0 =	vmmov vm0;
	v6 =	vadd.s32 s28, v7  }
0xf3: {  	v3 =	vsel vm0, v6, v3  }
0xf4: {  	[tilespmem:s26+$0x1300] =	vst v3  }
0xf5: {  	v3 =	vld [tilespmem:s24+$0x1300]  }
0xf6: {  	s26 =	spop (v2sf)  }
0xf7: {  	vm1 =	vmmov vm3;
	vm0 =	veq.s32 v5, $0x2;
	s25 =	sadd.s32 s25, s26  }
0xf8: {  	vm1 =	vmmov vm1;
	v5 =	vsel vm0, $0x1, v0;
	s26 =	sadd.s32 s25, s23  }
0xf9: {  	vm1 =	vmmov vm1;
	(xrf0) =	vadd.scan.msk.s32 $0xffff, v5;
	v4 =	vadd.s32 s26, v4  }
0xfa: {  	v3 =	vsel vm1, v4, v3  }
0xfb: {  	[tilespmem:s24+$0x1300] =	vst v3  }
0xfc: {  	v3 =	vld [tilespmem:s1+$0x1300]  }
0xfd: {  	s26 =	spop (v2sf)  }
0xfe: {  	vm0 =	vmmov vm0;
	s24 =	sadd.s32 s25, s26  }
0xff: {  	vm0 =	vmmov vm0;
	v4, _, _ =	vpop (xrf0);
	s26 =	sadd.s32 s24, s23  }
0x100: {  	vm0 =	vmmov vm0;
	(v2sf) =	vpush v4, $0xF;
	v4 =	vadd.s32 s26, v4  }
0x101: {  	v3 =	vsel vm0, v4, v3  }
0x102: {  	s28 =	simm.s32 $0x0;
	[tilespmem:s1+$0x1300] =	vst v3  }
0x103: {  	v3 =	vld [tilespmem:s28+$0x0]  }
0x104: {  	s25 =	simm.s32 $0x10;
	(v2sf) =	vpush v2, $0x3  }
0x105: {  	v4 =	vld [tilespmem:s25+$0x0]  }
0x106: {  	(v2sf) =	vpush v1, $0x3;
	_ =	sdelay $0x1  }
0x107: {  	vm0 =	veq.s32 v3, $0x3  }
0x108: {  	v3 =	vsel vm0, $0x1, v0  }
0x109: {  	vm1 =	veq.s32 v4, $0x3;
	(xrf0) =	vadd.scan.msk.s32 $0xffff, v3  }
0x10a: {  	v3 =	vsel vm1, $0x1, v0  }
0x10b: {  	s26 =	simm.s32 $0x20;
	(xrf0) =	vadd.scan.msk.s32 $0xffff, v3  }
0x10c: {  	v4 =	vld [tilespmem:s26+$0x0];
	_ =	sdelay $0x2  }
0x10d: {  	v3, _, _ =	vpop (xrf0)  }
0x10e: {  	s23 =	spop (v2sf);
	(v2sf) =	vpush v3, $0xF  }
0x10f: {  	vm3 =	veq.s32 v4, $0x3;
	v4, _, _ =	vpop (xrf0)  }
0x110: {  	s1 =	spop (v2sf);
	(v2sf) =	vpush v4, $0xF;
	_ =	sdelay $0x1  }
0x111: {  	s24 =	spop (v2sf)  }
0x112: {  	s1 =	sadd.s32 s24, s1;
	s24 =	simm.s32 $0x30  }
0x113: {  	v6 =	vsel vm3, $0x1, v0;
	v5 =	vld [tilespmem:s24+$0x0]  }
0x114: {  	(xrf0) =	vadd.scan.msk.s32 $0xffff, v6;
	v6 =	vld [tilespmem:s28+$0x1300]  }
0x115: {  	vm0 =	vmmov vm0  }
0x116: {  	s30 =	simm.s32 $0x100;
	vm2 =	vmmov vm1;
	vm0 =	vmmov vm0;
	s23 =	sadd.s32 $0xFFFFFFFF, s1  }
0x117: {  	s31 =	simm.s32 $0x140;
	s29 =	simm.s32 $0x0;
	vm2 =	vmmov vm2;
	vm1 =	vmmov vm0;
	vm0 =	vmmov vm3;
	s1 =	sadd.s32 $0x0, s23  }
.LBB2_12:
0x118: {  	p2 =	sne.s32 s31, $0x7C0;
	v7 =	vadd.s32 s1, v3;
	v3 =	vmov v4  }
0x119: {  	s1 =	sshra.s32 s30, $0x2;
	vm3 =	veq.s32 v5, $0x3;
	s30 =	smov.u32 s31;
	v6 =	vsel vm1, v7, v6;
	vm1 =	vmmov vm2  }
.Ltmp6:
0x11a: {  	v7 =	vsel vm3, $0x1, v0;
	vm2 =	vmmov vm0;
	vm0 =	vmmov vm3;
	v5 =	vld [tilespmem:s1+$0x0];
	v4, _, _ =	vpop (xrf0);
	[tilespmem:s28+$0x1300] =	vst v6;
	s28 =	smov.u32 s25;
	s25 =	smov.u32 s26;
	(pc) =	sbr.rel @p2 .LBB2_12-.Ltmp6, $4  }
0x11b: {  	s26 =	smov.u32 s24;
	s24 =	smov.u32 s1;
	(xrf0) =	vadd.scan.msk.s32 $0xffff, v7;
	(v2sf) =	vpush v4, $0xF;
	v6 =	vld [tilespmem:s28+$0x1300]  }
0x11c: {  	s1 =	spop (v2sf)  }
0x11d: {  	s29 =	sadd.s32 s29, s1  }
0x11e: {  	s31 =	sadd.s32 $0x40, s31;
	s1 =	sadd.s32 s29, s23  }
0x11f: {  	v3 =	vadd.s32 s1, v3  }
0x120: {  	s1 =	sshra.s32 s30, $0x2;
	vm3 =	veq.s32 v5, $0x3;
	v3 =	vsel vm1, v3, v6  }
0x121: {  	v5 =	vld [tilespmem:s1+$0x0];
	v6 =	vsel vm3, $0x1, v0;
	v7, _, _ =	vpop (xrf0);
	[tilespmem:s28+$0x1300] =	vst v3  }
0x122: {  	(xrf0) =	vadd.scan.msk.s32 $0xffff, v6;
	s28 =	spop (v2sf);
	(v2sf) =	vpush v7, $0xF;
	v3 =	vld [tilespmem:s25+$0x1300]  }
0x123: {  	s28 =	sadd.s32 s29, s28  }
0x124: {  	s29 =	sadd.s32 s28, s23  }
0x125: {  	v4 =	vadd.s32 s29, v4  }
0x126: {  	vm1 =	vmmov vm2  }
0x127: {  	v3 =	vsel vm1, v4, v3  }
0x128: {  	v4, _, _ =	vpop (xrf0);
	[tilespmem:s25+$0x1300] =	vst v3  }
0x129: {  	(v2sf) =	vpush v4, $0xF;
	v3 =	vld [tilespmem:s26+$0x1300]  }
0x12a: {  	s25 =	spop (v2sf)  }
0x12b: {  	s25 =	sadd.s32 s28, s25  }
0x12c: {  	vm0 =	vmmov vm0;
	s28 =	sadd.s32 s25, s23  }
0x12d: {  	vm0 =	vmmov vm0;
	v6 =	vadd.s32 s28, v7  }
0x12e: {  	v3 =	vsel vm0, v6, v3  }
0x12f: {  	[tilespmem:s26+$0x1300] =	vst v3  }
0x130: {  	v3 =	vld [tilespmem:s24+$0x1300]  }
0x131: {  	s26 =	spop (v2sf)  }
0x132: {  	vm1 =	vmmov vm3;
	vm0 =	veq.s32 v5, $0x3;
	s25 =	sadd.s32 s25, s26  }
0x133: {  	vm1 =	vmmov vm1;
	v5 =	vsel vm0, $0x1, v0;
	s26 =	sadd.s32 s25, s23  }
0x134: {  	vm1 =	vmmov vm1;
	(xrf0) =	vadd.scan.msk.s32 $0xffff, v5;
	v4 =	vadd.s32 s26, v4  }
0x135: {  	v3 =	vsel vm1, v4, v3  }
0x136: {  	[tilespmem:s24+$0x1300] =	vst v3  }
0x137: {  	v3 =	vld [tilespmem:s1+$0x1300]  }
0x138: {  	s26 =	spop (v2sf)  }
0x139: {  	vm0 =	vmmov vm0;
	s24 =	sadd.s32 s25, s26  }
0x13a: {  	vm0 =	vmmov vm0;
	v4, _, _ =	vpop (xrf0);
	s26 =	sadd.s32 s24, s23  }
0x13b: {  	vm0 =	vmmov vm0;
	(v2sf) =	vpush v4, $0xF;
	v4 =	vadd.s32 s26, v4  }
0x13c: {  	v3 =	vsel vm0, v4, v3  }
0x13d: {  	s28 =	simm.s32 $0x0;
	[tilespmem:s1+$0x1300] =	vst v3  }
0x13e: {  	v3 =	vld [tilespmem:s28+$0x0]  }
0x13f: {  	s25 =	simm.s32 $0x10;
	(v2sf) =	vpush v2, $0x4  }
0x140: {  	v4 =	vld [tilespmem:s25+$0x0]  }
0x141: {  	(v2sf) =	vpush v1, $0x4;
	_ =	sdelay $0x1  }
0x142: {  	vm0 =	veq.s32 v3, $0x4  }
0x143: {  	v3 =	vsel vm0, $0x1, v0  }
0x144: {  	vm1 =	veq.s32 v4, $0x4;
	(xrf0) =	vadd.scan.msk.s32 $0xffff, v3  }
0x145: {  	v3 =	vsel vm1, $0x1, v0  }
0x146: {  	s26 =	simm.s32 $0x20;
	(xrf0) =	vadd.scan.msk.s32 $0xffff, v3  }
0x147: {  	v4 =	vld [tilespmem:s26+$0x0];
	_ =	sdelay $0x2  }
0x148: {  	v3, _, _ =	vpop (xrf0)  }
0x149: {  	s23 =	spop (v2sf);
	(v2sf) =	vpush v3, $0xF  }
0x14a: {  	vm3 =	veq.s32 v4, $0x4;
	v4, _, _ =	vpop (xrf0)  }
0x14b: {  	s1 =	spop (v2sf);
	(v2sf) =	vpush v4, $0xF;
	_ =	sdelay $0x1  }
0x14c: {  	s24 =	spop (v2sf)  }
0x14d: {  	s1 =	sadd.s32 s24, s1;
	s24 =	simm.s32 $0x30  }
0x14e: {  	v6 =	vsel vm3, $0x1, v0;
	v5 =	vld [tilespmem:s24+$0x0]  }
0x14f: {  	(xrf0) =	vadd.scan.msk.s32 $0xffff, v6;
	v6 =	vld [tilespmem:s28+$0x1300]  }
0x150: {  	vm0 =	vmmov vm0  }
0x151: {  	s30 =	simm.s32 $0x100;
	vm2 =	vmmov vm1;
	vm0 =	vmmov vm0;
	s23 =	sadd.s32 $0xFFFFFFFF, s1  }
0x152: {  	s31 =	simm.s32 $0x140;
	s29 =	simm.s32 $0x0;
	vm2 =	vmmov vm2;
	vm1 =	vmmov vm0;
	vm0 =	vmmov vm3;
	s1 =	sadd.s32 $0x0, s23  }
.LBB2_14:
0x153: {  	p2 =	sne.s32 s31, $0x7C0;
	v7 =	vadd.s32 s1, v3;
	v3 =	vmov v4  }
0x154: {  	s1 =	sshra.s32 s30, $0x2;
	vm3 =	veq.s32 v5, $0x4;
	s30 =	smov.u32 s31;
	v6 =	vsel vm1, v7, v6;
	vm1 =	vmmov vm2  }
.Ltmp7:
0x155: {  	v7 =	vsel vm3, $0x1, v0;
	vm2 =	vmmov vm0;
	vm0 =	vmmov vm3;
	v5 =	vld [tilespmem:s1+$0x0];
	v4, _, _ =	vpop (xrf0);
	[tilespmem:s28+$0x1300] =	vst v6;
	s28 =	smov.u32 s25;
	s25 =	smov.u32 s26;
	(pc) =	sbr.rel @p2 .LBB2_14-.Ltmp7, $4  }
0x156: {  	s26 =	smov.u32 s24;
	s24 =	smov.u32 s1;
	(xrf0) =	vadd.scan.msk.s32 $0xffff, v7;
	(v2sf) =	vpush v4, $0xF;
	v6 =	vld [tilespmem:s28+$0x1300]  }
0x157: {  	s1 =	spop (v2sf)  }
0x158: {  	s29 =	sadd.s32 s29, s1  }
0x159: {  	s31 =	sadd.s32 $0x40, s31;
	s1 =	sadd.s32 s29, s23  }
0x15a: {  	v3 =	vadd.s32 s1, v3  }
0x15b: {  	s1 =	sshra.s32 s30, $0x2;
	vm3 =	veq.s32 v5, $0x4;
	v3 =	vsel vm1, v3, v6  }
0x15c: {  	v5 =	vld [tilespmem:s1+$0x0];
	v6 =	vsel vm3, $0x1, v0;
	v7, _, _ =	vpop (xrf0);
	[tilespmem:s28+$0x1300] =	vst v3  }
0x15d: {  	(xrf0) =	vadd.scan.msk.s32 $0xffff, v6;
	s28 =	spop (v2sf);
	(v2sf) =	vpush v7, $0xF;
	v3 =	vld [tilespmem:s25+$0x1300]  }
0x15e: {  	s28 =	sadd.s32 s29, s28  }
0x15f: {  	s29 =	sadd.s32 s28, s23  }
0x160: {  	v4 =	vadd.s32 s29, v4  }
0x161: {  	vm1 =	vmmov vm2  }
0x162: {  	v3 =	vsel vm1, v4, v3  }
0x163: {  	v4, _, _ =	vpop (xrf0);
	[tilespmem:s25+$0x1300] =	vst v3  }
0x164: {  	(v2sf) =	vpush v4, $0xF;
	v3 =	vld [tilespmem:s26+$0x1300]  }
0x165: {  	s25 =	spop (v2sf)  }
0x166: {  	s25 =	sadd.s32 s28, s25  }
0x167: {  	vm0 =	vmmov vm0;
	s28 =	sadd.s32 s25, s23  }
0x168: {  	vm0 =	vmmov vm0;
	v6 =	vadd.s32 s28, v7  }
0x169: {  	v3 =	vsel vm0, v6, v3  }
0x16a: {  	[tilespmem:s26+$0x1300] =	vst v3  }
0x16b: {  	v3 =	vld [tilespmem:s24+$0x1300]  }
0x16c: {  	s26 =	spop (v2sf)  }
0x16d: {  	vm1 =	vmmov vm3;
	vm0 =	veq.s32 v5, $0x4;
	s25 =	sadd.s32 s25, s26  }
0x16e: {  	vm1 =	vmmov vm1;
	v5 =	vsel vm0, $0x1, v0;
	s26 =	sadd.s32 s25, s23  }
0x16f: {  	vm1 =	vmmov vm1;
	(xrf0) =	vadd.scan.msk.s32 $0xffff, v5;
	v4 =	vadd.s32 s26, v4  }
0x170: {  	v3 =	vsel vm1, v4, v3  }
0x171: {  	[tilespmem:s24+$0x1300] =	vst v3  }
0x172: {  	v3 =	vld [tilespmem:s1+$0x1300]  }
0x173: {  	s26 =	spop (v2sf)  }
0x174: {  	vm0 =	vmmov vm0;
	s24 =	sadd.s32 s25, s26  }
0x175: {  	vm0 =	vmmov vm0;
	v4, _, _ =	vpop (xrf0);
	s26 =	sadd.s32 s24, s23  }
0x176: {  	vm0 =	vmmov vm0;
	(v2sf) =	vpush v4, $0xF;
	v4 =	vadd.s32 s26, v4  }
0x177: {  	v3 =	vsel vm0, v4, v3  }
0x178: {  	s28 =	simm.s32 $0x0;
	[tilespmem:s1+$0x1300] =	vst v3  }
0x179: {  	v3 =	vld [tilespmem:s28+$0x0]  }
0x17a: {  	s25 =	simm.s32 $0x10;
	(v2sf) =	vpush v2, $0x5  }
0x17b: {  	v4 =	vld [tilespmem:s25+$0x0]  }
0x17c: {  	(v2sf) =	vpush v1, $0x5;
	_ =	sdelay $0x1  }
0x17d: {  	vm0 =	veq.s32 v3, $0x5  }
0x17e: {  	v3 =	vsel vm0, $0x1, v0  }
0x17f: {  	vm1 =	veq.s32 v4, $0x5;
	(xrf0) =	vadd.scan.msk.s32 $0xffff, v3  }
0x180: {  	v3 =	vsel vm1, $0x1, v0  }
0x181: {  	s26 =	simm.s32 $0x20;
	(xrf0) =	vadd.scan.msk.s32 $0xffff, v3  }
0x182: {  	v4 =	vld [tilespmem:s26+$0x0];
	_ =	sdelay $0x2  }
0x183: {  	v3, _, _ =	vpop (xrf0)  }
0x184: {  	s23 =	spop (v2sf);
	(v2sf) =	vpush v3, $0xF  }
0x185: {  	vm3 =	veq.s32 v4, $0x5;
	v4, _, _ =	vpop (xrf0)  }
0x186: {  	s1 =	spop (v2sf);
	(v2sf) =	vpush v4, $0xF;
	_ =	sdelay $0x1  }
0x187: {  	s24 =	spop (v2sf)  }
0x188: {  	s1 =	sadd.s32 s24, s1;
	s24 =	simm.s32 $0x30  }
0x189: {  	v6 =	vsel vm3, $0x1, v0;
	v5 =	vld [tilespmem:s24+$0x0]  }
0x18a: {  	(xrf0) =	vadd.scan.msk.s32 $0xffff, v6;
	v6 =	vld [tilespmem:s28+$0x1300]  }
0x18b: {  	vm0 =	vmmov vm0  }
0x18c: {  	s30 =	simm.s32 $0x100;
	vm2 =	vmmov vm1;
	vm0 =	vmmov vm0;
	s23 =	sadd.s32 $0xFFFFFFFF, s1  }
0x18d: {  	s31 =	simm.s32 $0x140;
	s29 =	simm.s32 $0x0;
	vm2 =	vmmov vm2;
	vm1 =	vmmov vm0;
	vm0 =	vmmov vm3;
	s1 =	sadd.s32 $0x0, s23  }
.LBB2_16:
0x18e: {  	p2 =	sne.s32 s31, $0x7C0;
	v7 =	vadd.s32 s1, v3;
	v3 =	vmov v4  }
0x18f: {  	s1 =	sshra.s32 s30, $0x2;
	vm3 =	veq.s32 v5, $0x5;
	s30 =	smov.u32 s31;
	v6 =	vsel vm1, v7, v6;
	vm1 =	vmmov vm2  }
.Ltmp8:
0x190: {  	v7 =	vsel vm3, $0x1, v0;
	vm2 =	vmmov vm0;
	vm0 =	vmmov vm3;
	v5 =	vld [tilespmem:s1+$0x0];
	v4, _, _ =	vpop (xrf0);
	[tilespmem:s28+$0x1300] =	vst v6;
	s28 =	smov.u32 s25;
	s25 =	smov.u32 s26;
	(pc) =	sbr.rel @p2 .LBB2_16-.Ltmp8, $4  }
0x191: {  	s26 =	smov.u32 s24;
	s24 =	smov.u32 s1;
	(xrf0) =	vadd.scan.msk.s32 $0xffff, v7;
	(v2sf) =	vpush v4, $0xF;
	v6 =	vld [tilespmem:s28+$0x1300]  }
0x192: {  	s1 =	spop (v2sf)  }
0x193: {  	s29 =	sadd.s32 s29, s1  }
0x194: {  	s31 =	sadd.s32 $0x40, s31;
	s1 =	sadd.s32 s29, s23  }
0x195: {  	v3 =	vadd.s32 s1, v3  }
0x196: {  	s1 =	sshra.s32 s30, $0x2;
	vm3 =	veq.s32 v5, $0x5;
	v3 =	vsel vm1, v3, v6  }
0x197: {  	v5 =	vld [tilespmem:s1+$0x0];
	v6 =	vsel vm3, $0x1, v0;
	v7, _, _ =	vpop (xrf0);
	[tilespmem:s28+$0x1300] =	vst v3  }
0x198: {  	(xrf0) =	vadd.scan.msk.s32 $0xffff, v6;
	s28 =	spop (v2sf);
	(v2sf) =	vpush v7, $0xF;
	v3 =	vld [tilespmem:s25+$0x1300]  }
0x199: {  	s28 =	sadd.s32 s29, s28  }
0x19a: {  	s29 =	sadd.s32 s28, s23  }
0x19b: {  	v4 =	vadd.s32 s29, v4  }
0x19c: {  	vm1 =	vmmov vm2  }
0x19d: {  	v3 =	vsel vm1, v4, v3  }
0x19e: {  	v4, _, _ =	vpop (xrf0);
	[tilespmem:s25+$0x1300] =	vst v3  }
0x19f: {  	(v2sf) =	vpush v4, $0xF;
	v3 =	vld [tilespmem:s26+$0x1300]  }
0x1a0: {  	s25 =	spop (v2sf)  }
0x1a1: {  	s25 =	sadd.s32 s28, s25  }
0x1a2: {  	vm0 =	vmmov vm0;
	s28 =	sadd.s32 s25, s23  }
0x1a3: {  	vm0 =	vmmov vm0;
	v6 =	vadd.s32 s28, v7  }
0x1a4: {  	v3 =	vsel vm0, v6, v3  }
0x1a5: {  	[tilespmem:s26+$0x1300] =	vst v3  }
0x1a6: {  	v3 =	vld [tilespmem:s24+$0x1300]  }
0x1a7: {  	s26 =	spop (v2sf)  }
0x1a8: {  	vm1 =	vmmov vm3;
	vm0 =	veq.s32 v5, $0x5;
	s25 =	sadd.s32 s25, s26  }
0x1a9: {  	vm1 =	vmmov vm1;
	v5 =	vsel vm0, $0x1, v0;
	s26 =	sadd.s32 s25, s23  }
0x1aa: {  	vm1 =	vmmov vm1;
	(xrf0) =	vadd.scan.msk.s32 $0xffff, v5;
	v4 =	vadd.s32 s26, v4  }
0x1ab: {  	v3 =	vsel vm1, v4, v3  }
0x1ac: {  	[tilespmem:s24+$0x1300] =	vst v3  }
0x1ad: {  	v3 =	vld [tilespmem:s1+$0x1300]  }
0x1ae: {  	s26 =	spop (v2sf)  }
0x1af: {  	vm0 =	vmmov vm0;
	s24 =	sadd.s32 s25, s26  }
0x1b0: {  	vm0 =	vmmov vm0;
	v4, _, _ =	vpop (xrf0);
	s26 =	sadd.s32 s24, s23  }
0x1b1: {  	vm0 =	vmmov vm0;
	(v2sf) =	vpush v4, $0xF;
	v4 =	vadd.s32 s26, v4  }
0x1b2: {  	v3 =	vsel vm0, v4, v3  }
0x1b3: {  	s28 =	simm.s32 $0x0;
	[tilespmem:s1+$0x1300] =	vst v3  }
0x1b4: {  	v3 =	vld [tilespmem:s28+$0x0]  }
0x1b5: {  	s25 =	simm.s32 $0x10;
	(v2sf) =	vpush v2, $0x6  }
0x1b6: {  	v4 =	vld [tilespmem:s25+$0x0]  }
0x1b7: {  	(v2sf) =	vpush v1, $0x6;
	_ =	sdelay $0x1  }
0x1b8: {  	vm0 =	veq.s32 v3, $0x6  }
0x1b9: {  	v3 =	vsel vm0, $0x1, v0  }
0x1ba: {  	vm1 =	veq.s32 v4, $0x6;
	(xrf0) =	vadd.scan.msk.s32 $0xffff, v3  }
0x1bb: {  	v3 =	vsel vm1, $0x1, v0  }
0x1bc: {  	s26 =	simm.s32 $0x20;
	(xrf0) =	vadd.scan.msk.s32 $0xffff, v3  }
0x1bd: {  	v4 =	vld [tilespmem:s26+$0x0];
	_ =	sdelay $0x2  }
0x1be: {  	v3, _, _ =	vpop (xrf0)  }
0x1bf: {  	s23 =	spop (v2sf);
	(v2sf) =	vpush v3, $0xF  }
0x1c0: {  	vm3 =	veq.s32 v4, $0x6;
	v4, _, _ =	vpop (xrf0)  }
0x1c1: {  	s1 =	spop (v2sf);
	(v2sf) =	vpush v4, $0xF;
	_ =	sdelay $0x1  }
0x1c2: {  	s24 =	spop (v2sf)  }
0x1c3: {  	s1 =	sadd.s32 s24, s1;
	s24 =	simm.s32 $0x30  }
0x1c4: {  	v6 =	vsel vm3, $0x1, v0;
	v5 =	vld [tilespmem:s24+$0x0]  }
0x1c5: {  	(xrf0) =	vadd.scan.msk.s32 $0xffff, v6;
	v6 =	vld [tilespmem:s28+$0x1300]  }
0x1c6: {  	vm0 =	vmmov vm0  }
0x1c7: {  	s30 =	simm.s32 $0x100;
	vm2 =	vmmov vm1;
	vm0 =	vmmov vm0;
	s23 =	sadd.s32 $0xFFFFFFFF, s1  }
0x1c8: {  	s31 =	simm.s32 $0x140;
	s29 =	simm.s32 $0x0;
	vm2 =	vmmov vm2;
	vm1 =	vmmov vm0;
	vm0 =	vmmov vm3;
	s1 =	sadd.s32 $0x0, s23  }
.LBB2_18:
0x1c9: {  	p2 =	sne.s32 s31, $0x7C0;
	v7 =	vadd.s32 s1, v3;
	v3 =	vmov v4  }
0x1ca: {  	s1 =	sshra.s32 s30, $0x2;
	vm3 =	veq.s32 v5, $0x6;
	s30 =	smov.u32 s31;
	v6 =	vsel vm1, v7, v6;
	vm1 =	vmmov vm2  }
.Ltmp9:
0x1cb: {  	v7 =	vsel vm3, $0x1, v0;
	vm2 =	vmmov vm0;
	vm0 =	vmmov vm3;
	v5 =	vld [tilespmem:s1+$0x0];
	v4, _, _ =	vpop (xrf0);
	[tilespmem:s28+$0x1300] =	vst v6;
	s28 =	smov.u32 s25;
	s25 =	smov.u32 s26;
	(pc) =	sbr.rel @p2 .LBB2_18-.Ltmp9, $4  }
0x1cc: {  	s26 =	smov.u32 s24;
	s24 =	smov.u32 s1;
	(xrf0) =	vadd.scan.msk.s32 $0xffff, v7;
	(v2sf) =	vpush v4, $0xF;
	v6 =	vld [tilespmem:s28+$0x1300]  }
0x1cd: {  	s1 =	spop (v2sf)  }
0x1ce: {  	s29 =	sadd.s32 s29, s1  }
0x1cf: {  	s31 =	sadd.s32 $0x40, s31;
	s1 =	sadd.s32 s29, s23  }
0x1d0: {  	v3 =	vadd.s32 s1, v3  }
0x1d1: {  	s1 =	sshra.s32 s30, $0x2;
	vm3 =	veq.s32 v5, $0x6;
	v3 =	vsel vm1, v3, v6  }
0x1d2: {  	v5 =	vld [tilespmem:s1+$0x0];
	v6 =	vsel vm3, $0x1, v0;
	v7, _, _ =	vpop (xrf0);
	[tilespmem:s28+$0x1300] =	vst v3  }
0x1d3: {  	(xrf0) =	vadd.scan.msk.s32 $0xffff, v6;
	s28 =	spop (v2sf);
	(v2sf) =	vpush v7, $0xF;
	v3 =	vld [tilespmem:s25+$0x1300]  }
0x1d4: {  	s28 =	sadd.s32 s29, s28  }
0x1d5: {  	s29 =	sadd.s32 s28, s23  }
0x1d6: {  	v4 =	vadd.s32 s29, v4  }
0x1d7: {  	vm1 =	vmmov vm2  }
0x1d8: {  	v3 =	vsel vm1, v4, v3  }
0x1d9: {  	v4, _, _ =	vpop (xrf0);
	[tilespmem:s25+$0x1300] =	vst v3  }
0x1da: {  	(v2sf) =	vpush v4, $0xF;
	v3 =	vld [tilespmem:s26+$0x1300]  }
0x1db: {  	s25 =	spop (v2sf)  }
0x1dc: {  	s25 =	sadd.s32 s28, s25  }
0x1dd: {  	vm0 =	vmmov vm0;
	s28 =	sadd.s32 s25, s23  }
0x1de: {  	vm0 =	vmmov vm0;
	v6 =	vadd.s32 s28, v7  }
0x1df: {  	v3 =	vsel vm0, v6, v3  }
0x1e0: {  	[tilespmem:s26+$0x1300] =	vst v3  }
0x1e1: {  	v3 =	vld [tilespmem:s24+$0x1300]  }
0x1e2: {  	s26 =	spop (v2sf)  }
0x1e3: {  	vm1 =	vmmov vm3;
	vm0 =	veq.s32 v5, $0x6;
	s25 =	sadd.s32 s25, s26  }
0x1e4: {  	vm1 =	vmmov vm1;
	v5 =	vsel vm0, $0x1, v0;
	s26 =	sadd.s32 s25, s23  }
0x1e5: {  	vm1 =	vmmov vm1;
	(xrf0) =	vadd.scan.msk.s32 $0xffff, v5;
	v4 =	vadd.s32 s26, v4  }
0x1e6: {  	v3 =	vsel vm1, v4, v3  }
0x1e7: {  	[tilespmem:s24+$0x1300] =	vst v3  }
0x1e8: {  	v3 =	vld [tilespmem:s1+$0x1300]  }
0x1e9: {  	s26 =	spop (v2sf)  }
0x1ea: {  	vm0 =	vmmov vm0;
	s24 =	sadd.s32 s25, s26  }
0x1eb: {  	vm0 =	vmmov vm0;
	v4, _, _ =	vpop (xrf0);
	s26 =	sadd.s32 s24, s23  }
0x1ec: {  	vm0 =	vmmov vm0;
	(v2sf) =	vpush v4, $0xF;
	v4 =	vadd.s32 s26, v4  }
0x1ed: {  	v3 =	vsel vm0, v4, v3  }
0x1ee: {  	s28 =	simm.s32 $0x0;
	[tilespmem:s1+$0x1300] =	vst v3  }
0x1ef: {  	v3 =	vld [tilespmem:s28+$0x0]  }
0x1f0: {  	s25 =	simm.s32 $0x10;
	(v2sf) =	vpush v2, $0x7  }
0x1f1: {  	v4 =	vld [tilespmem:s25+$0x0]  }
0x1f2: {  	(v2sf) =	vpush v1, $0x7;
	_ =	sdelay $0x1  }
0x1f3: {  	vm0 =	veq.s32 v3, $0x7  }
0x1f4: {  	v3 =	vsel vm0, $0x1, v0  }
0x1f5: {  	vm1 =	veq.s32 v4, $0x7;
	(xrf0) =	vadd.scan.msk.s32 $0xffff, v3  }
0x1f6: {  	v3 =	vsel vm1, $0x1, v0  }
0x1f7: {  	s26 =	simm.s32 $0x20;
	(xrf0) =	vadd.scan.msk.s32 $0xffff, v3  }
0x1f8: {  	v4 =	vld [tilespmem:s26+$0x0];
	_ =	sdelay $0x2  }
0x1f9: {  	v3, _, _ =	vpop (xrf0)  }
0x1fa: {  	s23 =	spop (v2sf);
	(v2sf) =	vpush v3, $0xF  }
0x1fb: {  	vm3 =	veq.s32 v4, $0x7;
	v4, _, _ =	vpop (xrf0)  }
0x1fc: {  	s1 =	spop (v2sf);
	(v2sf) =	vpush v4, $0xF;
	_ =	sdelay $0x1  }
0x1fd: {  	s24 =	spop (v2sf)  }
0x1fe: {  	s1 =	sadd.s32 s24, s1;
	s24 =	simm.s32 $0x30  }
0x1ff: {  	v6 =	vsel vm3, $0x1, v0;
	v5 =	vld [tilespmem:s24+$0x0]  }
0x200: {  	(xrf0) =	vadd.scan.msk.s32 $0xffff, v6;
	v6 =	vld [tilespmem:s28+$0x1300]  }
0x201: {  	vm0 =	vmmov vm0  }
0x202: {  	s30 =	simm.s32 $0x100;
	vm2 =	vmmov vm1;
	vm0 =	vmmov vm0;
	s23 =	sadd.s32 $0xFFFFFFFF, s1  }
0x203: {  	s31 =	simm.s32 $0x140;
	s29 =	simm.s32 $0x0;
	vm2 =	vmmov vm2;
	vm1 =	vmmov vm0;
	vm0 =	vmmov vm3;
	s1 =	sadd.s32 $0x0, s23  }
.LBB2_20:
0x204: {  	p2 =	sne.s32 s31, $0x7C0;
	v7 =	vadd.s32 s1, v3;
	v3 =	vmov v4  }
0x205: {  	s1 =	sshra.s32 s30, $0x2;
	vm3 =	veq.s32 v5, $0x7;
	s30 =	smov.u32 s31;
	v6 =	vsel vm1, v7, v6;
	vm1 =	vmmov vm2  }
.Ltmp10:
0x206: {  	v7 =	vsel vm3, $0x1, v0;
	vm2 =	vmmov vm0;
	vm0 =	vmmov vm3;
	v5 =	vld [tilespmem:s1+$0x0];
	v4, _, _ =	vpop (xrf0);
	[tilespmem:s28+$0x1300] =	vst v6;
	s28 =	smov.u32 s25;
	s25 =	smov.u32 s26;
	(pc) =	sbr.rel @p2 .LBB2_20-.Ltmp10, $4  }
0x207: {  	s26 =	smov.u32 s24;
	s24 =	smov.u32 s1;
	(xrf0) =	vadd.scan.msk.s32 $0xffff, v7;
	(v2sf) =	vpush v4, $0xF;
	v6 =	vld [tilespmem:s28+$0x1300]  }
0x208: {  	s1 =	spop (v2sf)  }
0x209: {  	s29 =	sadd.s32 s29, s1  }
0x20a: {  	s31 =	sadd.s32 $0x40, s31;
	s1 =	sadd.s32 s29, s23  }
0x20b: {  	v3 =	vadd.s32 s1, v3  }
0x20c: {  	s1 =	sshra.s32 s30, $0x2;
	vm3 =	veq.s32 v5, $0x7;
	v3 =	vsel vm1, v3, v6  }
0x20d: {  	v5 =	vld [tilespmem:s1+$0x0];
	v6 =	vsel vm3, $0x1, v0;
	v7, _, _ =	vpop (xrf0);
	[tilespmem:s28+$0x1300] =	vst v3  }
0x20e: {  	(xrf0) =	vadd.scan.msk.s32 $0xffff, v6;
	s28 =	spop (v2sf);
	(v2sf) =	vpush v7, $0xF;
	v3 =	vld [tilespmem:s25+$0x1300]  }
0x20f: {  	s28 =	sadd.s32 s29, s28  }
0x210: {  	s29 =	sadd.s32 s28, s23  }
0x211: {  	v4 =	vadd.s32 s29, v4  }
0x212: {  	vm1 =	vmmov vm2  }
0x213: {  	v3 =	vsel vm1, v4, v3  }
0x214: {  	v4, _, _ =	vpop (xrf0);
	[tilespmem:s25+$0x1300] =	vst v3  }
0x215: {  	(v2sf) =	vpush v4, $0xF;
	v3 =	vld [tilespmem:s26+$0x1300]  }
0x216: {  	s25 =	spop (v2sf)  }
0x217: {  	s25 =	sadd.s32 s28, s25  }
0x218: {  	vm0 =	vmmov vm0;
	s28 =	sadd.s32 s25, s23  }
0x219: {  	vm0 =	vmmov vm0;
	v6 =	vadd.s32 s28, v7  }
0x21a: {  	v3 =	vsel vm0, v6, v3  }
0x21b: {  	[tilespmem:s26+$0x1300] =	vst v3  }
0x21c: {  	v3 =	vld [tilespmem:s24+$0x1300]  }
0x21d: {  	s26 =	spop (v2sf)  }
0x21e: {  	vm1 =	vmmov vm3;
	vm0 =	veq.s32 v5, $0x7;
	s25 =	sadd.s32 s25, s26  }
0x21f: {  	vm1 =	vmmov vm1;
	v5 =	vsel vm0, $0x1, v0;
	s26 =	sadd.s32 s25, s23  }
0x220: {  	vm1 =	vmmov vm1;
	(xrf0) =	vadd.scan.msk.s32 $0xffff, v5;
	v4 =	vadd.s32 s26, v4  }
0x221: {  	v3 =	vsel vm1, v4, v3  }
0x222: {  	[tilespmem:s24+$0x1300] =	vst v3  }
0x223: {  	v3 =	vld [tilespmem:s1+$0x1300]  }
0x224: {  	s26 =	spop (v2sf)  }
0x225: {  	vm0 =	vmmov vm0;
	s24 =	sadd.s32 s25, s26  }
0x226: {  	vm0 =	vmmov vm0;
	v4, _, _ =	vpop (xrf0);
	s26 =	sadd.s32 s24, s23  }
0x227: {  	vm0 =	vmmov vm0;
	(v2sf) =	vpush v4, $0xF;
	v4 =	vadd.s32 s26, v4  }
0x228: {  	v3 =	vsel vm0, v4, v3  }
0x229: {  	s28 =	simm.s32 $0x0;
	[tilespmem:s1+$0x1300] =	vst v3  }
0x22a: {  	v3 =	vld [tilespmem:s28+$0x0]  }
0x22b: {  	s25 =	simm.s32 $0x10;
	(v2sf) =	vpush v2, $0x8  }
0x22c: {  	v4 =	vld [tilespmem:s25+$0x0]  }
0x22d: {  	(v2sf) =	vpush v1, $0x8;
	_ =	sdelay $0x1  }
0x22e: {  	vm0 =	veq.s32 v3, $0x8  }
0x22f: {  	v3 =	vsel vm0, $0x1, v0  }
0x230: {  	vm1 =	veq.s32 v4, $0x8;
	(xrf0) =	vadd.scan.msk.s32 $0xffff, v3  }
0x231: {  	v3 =	vsel vm1, $0x1, v0  }
0x232: {  	s26 =	simm.s32 $0x20;
	(xrf0) =	vadd.scan.msk.s32 $0xffff, v3  }
0x233: {  	v4 =	vld [tilespmem:s26+$0x0];
	_ =	sdelay $0x2  }
0x234: {  	v3, _, _ =	vpop (xrf0)  }
0x235: {  	s23 =	spop (v2sf);
	(v2sf) =	vpush v3, $0xF  }
0x236: {  	vm3 =	veq.s32 v4, $0x8;
	v4, _, _ =	vpop (xrf0)  }
0x237: {  	s1 =	spop (v2sf);
	(v2sf) =	vpush v4, $0xF;
	_ =	sdelay $0x1  }
0x238: {  	s24 =	spop (v2sf)  }
0x239: {  	s1 =	sadd.s32 s24, s1;
	s24 =	simm.s32 $0x30  }
0x23a: {  	v6 =	vsel vm3, $0x1, v0;
	v5 =	vld [tilespmem:s24+$0x0]  }
0x23b: {  	(xrf0) =	vadd.scan.msk.s32 $0xffff, v6;
	v6 =	vld [tilespmem:s28+$0x1300]  }
0x23c: {  	vm0 =	vmmov vm0  }
0x23d: {  	s30 =	simm.s32 $0x100;
	vm2 =	vmmov vm1;
	vm0 =	vmmov vm0;
	s23 =	sadd.s32 $0xFFFFFFFF, s1  }
0x23e: {  	s31 =	simm.s32 $0x140;
	s29 =	simm.s32 $0x0;
	vm2 =	vmmov vm2;
	vm1 =	vmmov vm0;
	vm0 =	vmmov vm3;
	s1 =	sadd.s32 $0x0, s23  }
.LBB2_22:
0x23f: {  	p2 =	sne.s32 s31, $0x7C0;
	v7 =	vadd.s32 s1, v3;
	v3 =	vmov v4  }
0x240: {  	s1 =	sshra.s32 s30, $0x2;
	vm3 =	veq.s32 v5, $0x8;
	s30 =	smov.u32 s31;
	v6 =	vsel vm1, v7, v6;
	vm1 =	vmmov vm2  }
.Ltmp11:
0x241: {  	v7 =	vsel vm3, $0x1, v0;
	vm2 =	vmmov vm0;
	vm0 =	vmmov vm3;
	v5 =	vld [tilespmem:s1+$0x0];
	v4, _, _ =	vpop (xrf0);
	[tilespmem:s28+$0x1300] =	vst v6;
	s28 =	smov.u32 s25;
	s25 =	smov.u32 s26;
	(pc) =	sbr.rel @p2 .LBB2_22-.Ltmp11, $4  }
0x242: {  	s26 =	smov.u32 s24;
	s24 =	smov.u32 s1;
	(xrf0) =	vadd.scan.msk.s32 $0xffff, v7;
	(v2sf) =	vpush v4, $0xF;
	v6 =	vld [tilespmem:s28+$0x1300]  }
0x243: {  	s1 =	spop (v2sf)  }
0x244: {  	s29 =	sadd.s32 s29, s1  }
0x245: {  	s31 =	sadd.s32 $0x40, s31;
	s1 =	sadd.s32 s29, s23  }
0x246: {  	v3 =	vadd.s32 s1, v3  }
0x247: {  	s1 =	sshra.s32 s30, $0x2;
	vm3 =	veq.s32 v5, $0x8;
	v3 =	vsel vm1, v3, v6  }
0x248: {  	v5 =	vld [tilespmem:s1+$0x0];
	v6 =	vsel vm3, $0x1, v0;
	v7, _, _ =	vpop (xrf0);
	[tilespmem:s28+$0x1300] =	vst v3  }
0x249: {  	(xrf0) =	vadd.scan.msk.s32 $0xffff, v6;
	s28 =	spop (v2sf);
	(v2sf) =	vpush v7, $0xF;
	v3 =	vld [tilespmem:s25+$0x1300]  }
0x24a: {  	s28 =	sadd.s32 s29, s28  }
0x24b: {  	s29 =	sadd.s32 s28, s23  }
0x24c: {  	v4 =	vadd.s32 s29, v4  }
0x24d: {  	vm1 =	vmmov vm2  }
0x24e: {  	v3 =	vsel vm1, v4, v3  }
0x24f: {  	v4, _, _ =	vpop (xrf0);
	[tilespmem:s25+$0x1300] =	vst v3  }
0x250: {  	(v2sf) =	vpush v4, $0xF;
	v3 =	vld [tilespmem:s26+$0x1300]  }
0x251: {  	s25 =	spop (v2sf)  }
0x252: {  	s25 =	sadd.s32 s28, s25  }
0x253: {  	vm0 =	vmmov vm0;
	s28 =	sadd.s32 s25, s23  }
0x254: {  	vm0 =	vmmov vm0;
	v6 =	vadd.s32 s28, v7  }
0x255: {  	v3 =	vsel vm0, v6, v3  }
0x256: {  	[tilespmem:s26+$0x1300] =	vst v3  }
0x257: {  	v3 =	vld [tilespmem:s24+$0x1300]  }
0x258: {  	s26 =	spop (v2sf)  }
0x259: {  	vm1 =	vmmov vm3;
	vm0 =	veq.s32 v5, $0x8;
	s25 =	sadd.s32 s25, s26  }
0x25a: {  	vm1 =	vmmov vm1;
	v5 =	vsel vm0, $0x1, v0;
	s26 =	sadd.s32 s25, s23  }
0x25b: {  	vm1 =	vmmov vm1;
	(xrf0) =	vadd.scan.msk.s32 $0xffff, v5;
	v4 =	vadd.s32 s26, v4  }
0x25c: {  	v3 =	vsel vm1, v4, v3  }
0x25d: {  	[tilespmem:s24+$0x1300] =	vst v3  }
0x25e: {  	v3 =	vld [tilespmem:s1+$0x1300]  }
0x25f: {  	s26 =	spop (v2sf)  }
0x260: {  	vm0 =	vmmov vm0;
	s24 =	sadd.s32 s25, s26  }
0x261: {  	vm0 =	vmmov vm0;
	v4, _, _ =	vpop (xrf0);
	s26 =	sadd.s32 s24, s23  }
0x262: {  	vm0 =	vmmov vm0;
	(v2sf) =	vpush v4, $0xF;
	v4 =	vadd.s32 s26, v4  }
0x263: {  	v3 =	vsel vm0, v4, v3  }
0x264: {  	s28 =	simm.s32 $0x0;
	[tilespmem:s1+$0x1300] =	vst v3  }
0x265: {  	v3 =	vld [tilespmem:s28+$0x0]  }
0x266: {  	s25 =	simm.s32 $0x10;
	(v2sf) =	vpush v2, $0x9  }
0x267: {  	v4 =	vld [tilespmem:s25+$0x0]  }
0x268: {  	(v2sf) =	vpush v1, $0x9;
	_ =	sdelay $0x1  }
0x269: {  	vm0 =	veq.s32 v3, $0x9  }
0x26a: {  	v3 =	vsel vm0, $0x1, v0  }
0x26b: {  	vm1 =	veq.s32 v4, $0x9;
	(xrf0) =	vadd.scan.msk.s32 $0xffff, v3  }
0x26c: {  	v3 =	vsel vm1, $0x1, v0  }
0x26d: {  	s26 =	simm.s32 $0x20;
	(xrf0) =	vadd.scan.msk.s32 $0xffff, v3  }
0x26e: {  	v4 =	vld [tilespmem:s26+$0x0];
	_ =	sdelay $0x2  }
0x26f: {  	v3, _, _ =	vpop (xrf0)  }
0x270: {  	s23 =	spop (v2sf);
	(v2sf) =	vpush v3, $0xF  }
0x271: {  	vm3 =	veq.s32 v4, $0x9;
	v4, _, _ =	vpop (xrf0)  }
0x272: {  	s1 =	spop (v2sf);
	(v2sf) =	vpush v4, $0xF;
	_ =	sdelay $0x1  }
0x273: {  	s24 =	spop (v2sf)  }
0x274: {  	s1 =	sadd.s32 s24, s1;
	s24 =	simm.s32 $0x30  }
0x275: {  	v6 =	vsel vm3, $0x1, v0;
	v5 =	vld [tilespmem:s24+$0x0]  }
0x276: {  	(xrf0) =	vadd.scan.msk.s32 $0xffff, v6;
	v6 =	vld [tilespmem:s28+$0x1300]  }
0x277: {  	vm0 =	vmmov vm0  }
0x278: {  	s30 =	simm.s32 $0x100;
	vm2 =	vmmov vm1;
	vm0 =	vmmov vm0;
	s23 =	sadd.s32 $0xFFFFFFFF, s1  }
0x279: {  	s31 =	simm.s32 $0x140;
	s29 =	simm.s32 $0x0;
	vm2 =	vmmov vm2;
	vm1 =	vmmov vm0;
	vm0 =	vmmov vm3;
	s1 =	sadd.s32 $0x0, s23  }
.LBB2_24:
0x27a: {  	p2 =	sne.s32 s31, $0x7C0;
	v7 =	vadd.s32 s1, v3;
	v3 =	vmov v4  }
0x27b: {  	s1 =	sshra.s32 s30, $0x2;
	vm3 =	veq.s32 v5, $0x9;
	s30 =	smov.u32 s31;
	v6 =	vsel vm1, v7, v6;
	vm1 =	vmmov vm2  }
.Ltmp12:
0x27c: {  	v7 =	vsel vm3, $0x1, v0;
	vm2 =	vmmov vm0;
	vm0 =	vmmov vm3;
	v5 =	vld [tilespmem:s1+$0x0];
	v4, _, _ =	vpop (xrf0);
	[tilespmem:s28+$0x1300] =	vst v6;
	s28 =	smov.u32 s25;
	s25 =	smov.u32 s26;
	(pc) =	sbr.rel @p2 .LBB2_24-.Ltmp12, $4  }
0x27d: {  	s26 =	smov.u32 s24;
	s24 =	smov.u32 s1;
	(xrf0) =	vadd.scan.msk.s32 $0xffff, v7;
	(v2sf) =	vpush v4, $0xF;
	v6 =	vld [tilespmem:s28+$0x1300]  }
0x27e: {  	s1 =	spop (v2sf)  }
0x27f: {  	s29 =	sadd.s32 s29, s1  }
0x280: {  	s31 =	sadd.s32 $0x40, s31;
	s1 =	sadd.s32 s29, s23  }
0x281: {  	v3 =	vadd.s32 s1, v3  }
0x282: {  	s1 =	sshra.s32 s30, $0x2;
	vm3 =	veq.s32 v5, $0x9;
	v3 =	vsel vm1, v3, v6  }
0x283: {  	v5 =	vld [tilespmem:s1+$0x0];
	v6 =	vsel vm3, $0x1, v0;
	v7, _, _ =	vpop (xrf0);
	[tilespmem:s28+$0x1300] =	vst v3  }
0x284: {  	(xrf0) =	vadd.scan.msk.s32 $0xffff, v6;
	s28 =	spop (v2sf);
	(v2sf) =	vpush v7, $0xF;
	v3 =	vld [tilespmem:s25+$0x1300]  }
0x285: {  	s28 =	sadd.s32 s29, s28  }
0x286: {  	s29 =	sadd.s32 s28, s23  }
0x287: {  	v4 =	vadd.s32 s29, v4  }
0x288: {  	vm1 =	vmmov vm2  }
0x289: {  	v3 =	vsel vm1, v4, v3  }
0x28a: {  	v4, _, _ =	vpop (xrf0);
	[tilespmem:s25+$0x1300] =	vst v3  }
0x28b: {  	(v2sf) =	vpush v4, $0xF;
	v3 =	vld [tilespmem:s26+$0x1300]  }
0x28c: {  	s25 =	spop (v2sf)  }
0x28d: {  	s25 =	sadd.s32 s28, s25  }
0x28e: {  	vm0 =	vmmov vm0;
	s28 =	sadd.s32 s25, s23  }
0x28f: {  	vm0 =	vmmov vm0;
	v6 =	vadd.s32 s28, v7  }
0x290: {  	v3 =	vsel vm0, v6, v3  }
0x291: {  	[tilespmem:s26+$0x1300] =	vst v3  }
0x292: {  	v3 =	vld [tilespmem:s24+$0x1300]  }
0x293: {  	s26 =	spop (v2sf)  }
0x294: {  	vm1 =	vmmov vm3;
	vm0 =	veq.s32 v5, $0x9;
	s25 =	sadd.s32 s25, s26  }
0x295: {  	vm1 =	vmmov vm1;
	v5 =	vsel vm0, $0x1, v0;
	s26 =	sadd.s32 s25, s23  }
0x296: {  	vm1 =	vmmov vm1;
	(xrf0) =	vadd.scan.msk.s32 $0xffff, v5;
	v4 =	vadd.s32 s26, v4  }
0x297: {  	v3 =	vsel vm1, v4, v3  }
0x298: {  	[tilespmem:s24+$0x1300] =	vst v3  }
0x299: {  	v3 =	vld [tilespmem:s1+$0x1300]  }
0x29a: {  	s26 =	spop (v2sf)  }
0x29b: {  	vm0 =	vmmov vm0;
	s24 =	sadd.s32 s25, s26  }
0x29c: {  	vm0 =	vmmov vm0;
	v4, _, _ =	vpop (xrf0);
	s26 =	sadd.s32 s24, s23  }
0x29d: {  	vm0 =	vmmov vm0;
	(v2sf) =	vpush v4, $0xF;
	v4 =	vadd.s32 s26, v4  }
0x29e: {  	v3 =	vsel vm0, v4, v3  }
0x29f: {  	s28 =	simm.s32 $0x0;
	[tilespmem:s1+$0x1300] =	vst v3  }
0x2a0: {  	v3 =	vld [tilespmem:s28+$0x0]  }
0x2a1: {  	s25 =	simm.s32 $0x10;
	(v2sf) =	vpush v2, $0xA  }
0x2a2: {  	v4 =	vld [tilespmem:s25+$0x0]  }
0x2a3: {  	(v2sf) =	vpush v1, $0xA;
	_ =	sdelay $0x1  }
0x2a4: {  	vm0 =	veq.s32 v3, $0xA  }
0x2a5: {  	v3 =	vsel vm0, $0x1, v0  }
0x2a6: {  	vm1 =	veq.s32 v4, $0xA;
	(xrf0) =	vadd.scan.msk.s32 $0xffff, v3  }
0x2a7: {  	v3 =	vsel vm1, $0x1, v0  }
0x2a8: {  	s26 =	simm.s32 $0x20;
	(xrf0) =	vadd.scan.msk.s32 $0xffff, v3  }
0x2a9: {  	v4 =	vld [tilespmem:s26+$0x0];
	_ =	sdelay $0x2  }
0x2aa: {  	v3, _, _ =	vpop (xrf0)  }
0x2ab: {  	s23 =	spop (v2sf);
	(v2sf) =	vpush v3, $0xF  }
0x2ac: {  	vm3 =	veq.s32 v4, $0xA;
	v4, _, _ =	vpop (xrf0)  }
0x2ad: {  	s1 =	spop (v2sf);
	(v2sf) =	vpush v4, $0xF;
	_ =	sdelay $0x1  }
0x2ae: {  	s24 =	spop (v2sf)  }
0x2af: {  	s1 =	sadd.s32 s24, s1;
	s24 =	simm.s32 $0x30  }
0x2b0: {  	v6 =	vsel vm3, $0x1, v0;
	v5 =	vld [tilespmem:s24+$0x0]  }
0x2b1: {  	(xrf0) =	vadd.scan.msk.s32 $0xffff, v6;
	v6 =	vld [tilespmem:s28+$0x1300]  }
0x2b2: {  	vm0 =	vmmov vm0  }
0x2b3: {  	s30 =	simm.s32 $0x100;
	vm2 =	vmmov vm1;
	vm0 =	vmmov vm0;
	s23 =	sadd.s32 $0xFFFFFFFF, s1  }
0x2b4: {  	s31 =	simm.s32 $0x140;
	s29 =	simm.s32 $0x0;
	vm2 =	vmmov vm2;
	vm1 =	vmmov vm0;
	vm0 =	vmmov vm3;
	s1 =	sadd.s32 $0x0, s23  }
.LBB2_26:
0x2b5: {  	p2 =	sne.s32 s31, $0x7C0;
	v7 =	vadd.s32 s1, v3;
	v3 =	vmov v4  }
0x2b6: {  	s1 =	sshra.s32 s30, $0x2;
	vm3 =	veq.s32 v5, $0xA;
	s30 =	smov.u32 s31;
	v6 =	vsel vm1, v7, v6;
	vm1 =	vmmov vm2  }
.Ltmp13:
0x2b7: {  	v7 =	vsel vm3, $0x1, v0;
	vm2 =	vmmov vm0;
	vm0 =	vmmov vm3;
	v5 =	vld [tilespmem:s1+$0x0];
	v4, _, _ =	vpop (xrf0);
	[tilespmem:s28+$0x1300] =	vst v6;
	s28 =	smov.u32 s25;
	s25 =	smov.u32 s26;
	(pc) =	sbr.rel @p2 .LBB2_26-.Ltmp13, $4  }
0x2b8: {  	s26 =	smov.u32 s24;
	s24 =	smov.u32 s1;
	(xrf0) =	vadd.scan.msk.s32 $0xffff, v7;
	(v2sf) =	vpush v4, $0xF;
	v6 =	vld [tilespmem:s28+$0x1300]  }
0x2b9: {  	s1 =	spop (v2sf)  }
0x2ba: {  	s29 =	sadd.s32 s29, s1  }
0x2bb: {  	s31 =	sadd.s32 $0x40, s31;
	s1 =	sadd.s32 s29, s23  }
0x2bc: {  	v3 =	vadd.s32 s1, v3  }
0x2bd: {  	s1 =	sshra.s32 s30, $0x2;
	vm3 =	veq.s32 v5, $0xA;
	v3 =	vsel vm1, v3, v6  }
0x2be: {  	v5 =	vld [tilespmem:s1+$0x0];
	v6 =	vsel vm3, $0x1, v0;
	v7, _, _ =	vpop (xrf0);
	[tilespmem:s28+$0x1300] =	vst v3  }
0x2bf: {  	(xrf0) =	vadd.scan.msk.s32 $0xffff, v6;
	s28 =	spop (v2sf);
	(v2sf) =	vpush v7, $0xF;
	v3 =	vld [tilespmem:s25+$0x1300]  }
0x2c0: {  	s28 =	sadd.s32 s29, s28  }
0x2c1: {  	s29 =	sadd.s32 s28, s23  }
0x2c2: {  	v4 =	vadd.s32 s29, v4  }
0x2c3: {  	vm1 =	vmmov vm2  }
0x2c4: {  	v3 =	vsel vm1, v4, v3  }
0x2c5: {  	v4, _, _ =	vpop (xrf0);
	[tilespmem:s25+$0x1300] =	vst v3  }
0x2c6: {  	(v2sf) =	vpush v4, $0xF;
	v3 =	vld [tilespmem:s26+$0x1300]  }
0x2c7: {  	s25 =	spop (v2sf)  }
0x2c8: {  	s25 =	sadd.s32 s28, s25  }
0x2c9: {  	vm0 =	vmmov vm0;
	s28 =	sadd.s32 s25, s23  }
0x2ca: {  	vm0 =	vmmov vm0;
	v6 =	vadd.s32 s28, v7  }
0x2cb: {  	v3 =	vsel vm0, v6, v3  }
0x2cc: {  	[tilespmem:s26+$0x1300] =	vst v3  }
0x2cd: {  	v3 =	vld [tilespmem:s24+$0x1300]  }
0x2ce: {  	s26 =	spop (v2sf)  }
0x2cf: {  	vm1 =	vmmov vm3;
	vm0 =	veq.s32 v5, $0xA;
	s25 =	sadd.s32 s25, s26  }
0x2d0: {  	vm1 =	vmmov vm1;
	v5 =	vsel vm0, $0x1, v0;
	s26 =	sadd.s32 s25, s23  }
0x2d1: {  	vm1 =	vmmov vm1;
	(xrf0) =	vadd.scan.msk.s32 $0xffff, v5;
	v4 =	vadd.s32 s26, v4  }
0x2d2: {  	v3 =	vsel vm1, v4, v3  }
0x2d3: {  	[tilespmem:s24+$0x1300] =	vst v3  }
0x2d4: {  	v3 =	vld [tilespmem:s1+$0x1300]  }
0x2d5: {  	s26 =	spop (v2sf)  }
0x2d6: {  	vm0 =	vmmov vm0;
	s24 =	sadd.s32 s25, s26  }
0x2d7: {  	vm0 =	vmmov vm0;
	v4, _, _ =	vpop (xrf0);
	s26 =	sadd.s32 s24, s23  }
0x2d8: {  	vm0 =	vmmov vm0;
	(v2sf) =	vpush v4, $0xF;
	v4 =	vadd.s32 s26, v4  }
0x2d9: {  	v3 =	vsel vm0, v4, v3  }
0x2da: {  	s28 =	simm.s32 $0x0;
	[tilespmem:s1+$0x1300] =	vst v3  }
0x2db: {  	v3 =	vld [tilespmem:s28+$0x0]  }
0x2dc: {  	s25 =	simm.s32 $0x10;
	(v2sf) =	vpush v2, $0xB  }
0x2dd: {  	v4 =	vld [tilespmem:s25+$0x0]  }
0x2de: {  	(v2sf) =	vpush v1, $0xB;
	_ =	sdelay $0x1  }
0x2df: {  	vm0 =	veq.s32 v3, $0xB  }
0x2e0: {  	v3 =	vsel vm0, $0x1, v0  }
0x2e1: {  	vm1 =	veq.s32 v4, $0xB;
	(xrf0) =	vadd.scan.msk.s32 $0xffff, v3  }
0x2e2: {  	v3 =	vsel vm1, $0x1, v0  }
0x2e3: {  	s26 =	simm.s32 $0x20;
	(xrf0) =	vadd.scan.msk.s32 $0xffff, v3  }
0x2e4: {  	v4 =	vld [tilespmem:s26+$0x0];
	_ =	sdelay $0x2  }
0x2e5: {  	v3, _, _ =	vpop (xrf0)  }
0x2e6: {  	s23 =	spop (v2sf);
	(v2sf) =	vpush v3, $0xF  }
0x2e7: {  	vm3 =	veq.s32 v4, $0xB;
	v4, _, _ =	vpop (xrf0)  }
0x2e8: {  	s1 =	spop (v2sf);
	(v2sf) =	vpush v4, $0xF;
	_ =	sdelay $0x1  }
0x2e9: {  	s24 =	spop (v2sf)  }
0x2ea: {  	s1 =	sadd.s32 s24, s1;
	s24 =	simm.s32 $0x30  }
0x2eb: {  	v6 =	vsel vm3, $0x1, v0;
	v5 =	vld [tilespmem:s24+$0x0]  }
0x2ec: {  	(xrf0) =	vadd.scan.msk.s32 $0xffff, v6;
	v6 =	vld [tilespmem:s28+$0x1300]  }
0x2ed: {  	vm0 =	vmmov vm0  }
0x2ee: {  	s30 =	simm.s32 $0x100;
	vm2 =	vmmov vm1;
	vm0 =	vmmov vm0;
	s23 =	sadd.s32 $0xFFFFFFFF, s1  }
0x2ef: {  	s31 =	simm.s32 $0x140;
	s29 =	simm.s32 $0x0;
	vm2 =	vmmov vm2;
	vm1 =	vmmov vm0;
	vm0 =	vmmov vm3;
	s1 =	sadd.s32 $0x0, s23  }
.LBB2_28:
0x2f0: {  	p2 =	sne.s32 s31, $0x7C0;
	v7 =	vadd.s32 s1, v3;
	v3 =	vmov v4  }
0x2f1: {  	s1 =	sshra.s32 s30, $0x2;
	vm3 =	veq.s32 v5, $0xB;
	s30 =	smov.u32 s31;
	v6 =	vsel vm1, v7, v6;
	vm1 =	vmmov vm2  }
.Ltmp14:
0x2f2: {  	v7 =	vsel vm3, $0x1, v0;
	vm2 =	vmmov vm0;
	vm0 =	vmmov vm3;
	v5 =	vld [tilespmem:s1+$0x0];
	v4, _, _ =	vpop (xrf0);
	[tilespmem:s28+$0x1300] =	vst v6;
	s28 =	smov.u32 s25;
	s25 =	smov.u32 s26;
	(pc) =	sbr.rel @p2 .LBB2_28-.Ltmp14, $4  }
0x2f3: {  	s26 =	smov.u32 s24;
	s24 =	smov.u32 s1;
	(xrf0) =	vadd.scan.msk.s32 $0xffff, v7;
	(v2sf) =	vpush v4, $0xF;
	v6 =	vld [tilespmem:s28+$0x1300]  }
0x2f4: {  	s1 =	spop (v2sf)  }
0x2f5: {  	s29 =	sadd.s32 s29, s1  }
0x2f6: {  	s31 =	sadd.s32 $0x40, s31;
	s1 =	sadd.s32 s29, s23  }
0x2f7: {  	v3 =	vadd.s32 s1, v3  }
0x2f8: {  	s1 =	sshra.s32 s30, $0x2;
	vm3 =	veq.s32 v5, $0xB;
	v3 =	vsel vm1, v3, v6  }
0x2f9: {  	v5 =	vld [tilespmem:s1+$0x0];
	v6 =	vsel vm3, $0x1, v0;
	v7, _, _ =	vpop (xrf0);
	[tilespmem:s28+$0x1300] =	vst v3  }
0x2fa: {  	(xrf0) =	vadd.scan.msk.s32 $0xffff, v6;
	s28 =	spop (v2sf);
	(v2sf) =	vpush v7, $0xF;
	v3 =	vld [tilespmem:s25+$0x1300]  }
0x2fb: {  	s28 =	sadd.s32 s29, s28  }
0x2fc: {  	s29 =	sadd.s32 s28, s23  }
0x2fd: {  	v4 =	vadd.s32 s29, v4  }
0x2fe: {  	vm1 =	vmmov vm2  }
0x2ff: {  	v3 =	vsel vm1, v4, v3  }
0x300: {  	v4, _, _ =	vpop (xrf0);
	[tilespmem:s25+$0x1300] =	vst v3  }
0x301: {  	(v2sf) =	vpush v4, $0xF;
	v3 =	vld [tilespmem:s26+$0x1300]  }
0x302: {  	s25 =	spop (v2sf)  }
0x303: {  	s25 =	sadd.s32 s28, s25  }
0x304: {  	vm0 =	vmmov vm0;
	s28 =	sadd.s32 s25, s23  }
0x305: {  	vm0 =	vmmov vm0;
	v6 =	vadd.s32 s28, v7  }
0x306: {  	v3 =	vsel vm0, v6, v3  }
0x307: {  	[tilespmem:s26+$0x1300] =	vst v3  }
0x308: {  	v3 =	vld [tilespmem:s24+$0x1300]  }
0x309: {  	s26 =	spop (v2sf)  }
0x30a: {  	vm1 =	vmmov vm3;
	vm0 =	veq.s32 v5, $0xB;
	s25 =	sadd.s32 s25, s26  }
0x30b: {  	vm1 =	vmmov vm1;
	v5 =	vsel vm0, $0x1, v0;
	s26 =	sadd.s32 s25, s23  }
0x30c: {  	vm1 =	vmmov vm1;
	(xrf0) =	vadd.scan.msk.s32 $0xffff, v5;
	v4 =	vadd.s32 s26, v4  }
0x30d: {  	v3 =	vsel vm1, v4, v3  }
0x30e: {  	[tilespmem:s24+$0x1300] =	vst v3  }
0x30f: {  	v3 =	vld [tilespmem:s1+$0x1300]  }
0x310: {  	s26 =	spop (v2sf)  }
0x311: {  	vm0 =	vmmov vm0;
	s24 =	sadd.s32 s25, s26  }
0x312: {  	vm0 =	vmmov vm0;
	v4, _, _ =	vpop (xrf0);
	s26 =	sadd.s32 s24, s23  }
0x313: {  	vm0 =	vmmov vm0;
	(v2sf) =	vpush v4, $0xF;
	v4 =	vadd.s32 s26, v4  }
0x314: {  	v3 =	vsel vm0, v4, v3  }
0x315: {  	s28 =	simm.s32 $0x0;
	[tilespmem:s1+$0x1300] =	vst v3  }
0x316: {  	v3 =	vld [tilespmem:s28+$0x0]  }
0x317: {  	s25 =	simm.s32 $0x10;
	(v2sf) =	vpush v2, $0xC  }
0x318: {  	v4 =	vld [tilespmem:s25+$0x0]  }
0x319: {  	(v2sf) =	vpush v1, $0xC;
	_ =	sdelay $0x1  }
0x31a: {  	vm0 =	veq.s32 v3, $0xC  }
0x31b: {  	v3 =	vsel vm0, $0x1, v0  }
0x31c: {  	vm1 =	veq.s32 v4, $0xC;
	(xrf0) =	vadd.scan.msk.s32 $0xffff, v3  }
0x31d: {  	v3 =	vsel vm1, $0x1, v0  }
0x31e: {  	s26 =	simm.s32 $0x20;
	(xrf0) =	vadd.scan.msk.s32 $0xffff, v3  }
0x31f: {  	v4 =	vld [tilespmem:s26+$0x0];
	_ =	sdelay $0x2  }
0x320: {  	v3, _, _ =	vpop (xrf0)  }
0x321: {  	s23 =	spop (v2sf);
	(v2sf) =	vpush v3, $0xF  }
0x322: {  	vm3 =	veq.s32 v4, $0xC;
	v4, _, _ =	vpop (xrf0)  }
0x323: {  	s1 =	spop (v2sf);
	(v2sf) =	vpush v4, $0xF;
	_ =	sdelay $0x1  }
0x324: {  	s24 =	spop (v2sf)  }
0x325: {  	s1 =	sadd.s32 s24, s1;
	s24 =	simm.s32 $0x30  }
0x326: {  	v6 =	vsel vm3, $0x1, v0;
	v5 =	vld [tilespmem:s24+$0x0]  }
0x327: {  	(xrf0) =	vadd.scan.msk.s32 $0xffff, v6;
	v6 =	vld [tilespmem:s28+$0x1300]  }
0x328: {  	vm0 =	vmmov vm0  }
0x329: {  	s30 =	simm.s32 $0x100;
	vm2 =	vmmov vm1;
	vm0 =	vmmov vm0;
	s23 =	sadd.s32 $0xFFFFFFFF, s1  }
0x32a: {  	s31 =	simm.s32 $0x140;
	s29 =	simm.s32 $0x0;
	vm2 =	vmmov vm2;
	vm1 =	vmmov vm0;
	vm0 =	vmmov vm3;
	s1 =	sadd.s32 $0x0, s23  }
.LBB2_30:
0x32b: {  	p2 =	sne.s32 s31, $0x7C0;
	v7 =	vadd.s32 s1, v3;
	v3 =	vmov v4  }
0x32c: {  	s1 =	sshra.s32 s30, $0x2;
	vm3 =	veq.s32 v5, $0xC;
	s30 =	smov.u32 s31;
	v6 =	vsel vm1, v7, v6;
	vm1 =	vmmov vm2  }
.Ltmp15:
0x32d: {  	v7 =	vsel vm3, $0x1, v0;
	vm2 =	vmmov vm0;
	vm0 =	vmmov vm3;
	v5 =	vld [tilespmem:s1+$0x0];
	v4, _, _ =	vpop (xrf0);
	[tilespmem:s28+$0x1300] =	vst v6;
	s28 =	smov.u32 s25;
	s25 =	smov.u32 s26;
	(pc) =	sbr.rel @p2 .LBB2_30-.Ltmp15, $4  }
0x32e: {  	s26 =	smov.u32 s24;
	s24 =	smov.u32 s1;
	(xrf0) =	vadd.scan.msk.s32 $0xffff, v7;
	(v2sf) =	vpush v4, $0xF;
	v6 =	vld [tilespmem:s28+$0x1300]  }
0x32f: {  	s1 =	spop (v2sf)  }
0x330: {  	s29 =	sadd.s32 s29, s1  }
0x331: {  	s31 =	sadd.s32 $0x40, s31;
	s1 =	sadd.s32 s29, s23  }
0x332: {  	v3 =	vadd.s32 s1, v3  }
0x333: {  	s1 =	sshra.s32 s30, $0x2;
	vm3 =	veq.s32 v5, $0xC;
	v3 =	vsel vm1, v3, v6  }
0x334: {  	v5 =	vld [tilespmem:s1+$0x0];
	v6 =	vsel vm3, $0x1, v0;
	v7, _, _ =	vpop (xrf0);
	[tilespmem:s28+$0x1300] =	vst v3  }
0x335: {  	(xrf0) =	vadd.scan.msk.s32 $0xffff, v6;
	s28 =	spop (v2sf);
	(v2sf) =	vpush v7, $0xF;
	v3 =	vld [tilespmem:s25+$0x1300]  }
0x336: {  	s28 =	sadd.s32 s29, s28  }
0x337: {  	s29 =	sadd.s32 s28, s23  }
0x338: {  	v4 =	vadd.s32 s29, v4  }
0x339: {  	vm1 =	vmmov vm2  }
0x33a: {  	v3 =	vsel vm1, v4, v3  }
0x33b: {  	v4, _, _ =	vpop (xrf0);
	[tilespmem:s25+$0x1300] =	vst v3  }
0x33c: {  	(v2sf) =	vpush v4, $0xF;
	v3 =	vld [tilespmem:s26+$0x1300]  }
0x33d: {  	s25 =	spop (v2sf)  }
0x33e: {  	s25 =	sadd.s32 s28, s25  }
0x33f: {  	vm0 =	vmmov vm0;
	s28 =	sadd.s32 s25, s23  }
0x340: {  	vm0 =	vmmov vm0;
	v6 =	vadd.s32 s28, v7  }
0x341: {  	v3 =	vsel vm0, v6, v3  }
0x342: {  	[tilespmem:s26+$0x1300] =	vst v3  }
0x343: {  	v3 =	vld [tilespmem:s24+$0x1300]  }
0x344: {  	s26 =	spop (v2sf)  }
0x345: {  	vm1 =	vmmov vm3;
	vm0 =	veq.s32 v5, $0xC;
	s25 =	sadd.s32 s25, s26  }
0x346: {  	vm1 =	vmmov vm1;
	v5 =	vsel vm0, $0x1, v0;
	s26 =	sadd.s32 s25, s23  }
0x347: {  	vm1 =	vmmov vm1;
	(xrf0) =	vadd.scan.msk.s32 $0xffff, v5;
	v4 =	vadd.s32 s26, v4  }
0x348: {  	v3 =	vsel vm1, v4, v3  }
0x349: {  	[tilespmem:s24+$0x1300] =	vst v3  }
0x34a: {  	v3 =	vld [tilespmem:s1+$0x1300]  }
0x34b: {  	s26 =	spop (v2sf)  }
0x34c: {  	vm0 =	vmmov vm0;
	s24 =	sadd.s32 s25, s26  }
0x34d: {  	vm0 =	vmmov vm0;
	v4, _, _ =	vpop (xrf0);
	s26 =	sadd.s32 s24, s23  }
0x34e: {  	vm0 =	vmmov vm0;
	(v2sf) =	vpush v4, $0xF;
	v4 =	vadd.s32 s26, v4  }
0x34f: {  	v3 =	vsel vm0, v4, v3  }
0x350: {  	s28 =	simm.s32 $0x0;
	[tilespmem:s1+$0x1300] =	vst v3  }
0x351: {  	v3 =	vld [tilespmem:s28+$0x0]  }
0x352: {  	s25 =	simm.s32 $0x10;
	(v2sf) =	vpush v2, $0xD  }
0x353: {  	v4 =	vld [tilespmem:s25+$0x0]  }
0x354: {  	(v2sf) =	vpush v1, $0xD;
	_ =	sdelay $0x1  }
0x355: {  	vm0 =	veq.s32 v3, $0xD  }
0x356: {  	v3 =	vsel vm0, $0x1, v0  }
0x357: {  	vm1 =	veq.s32 v4, $0xD;
	(xrf0) =	vadd.scan.msk.s32 $0xffff, v3  }
0x358: {  	v3 =	vsel vm1, $0x1, v0  }
0x359: {  	s26 =	simm.s32 $0x20;
	(xrf0) =	vadd.scan.msk.s32 $0xffff, v3  }
0x35a: {  	v4 =	vld [tilespmem:s26+$0x0];
	_ =	sdelay $0x2  }
0x35b: {  	v3, _, _ =	vpop (xrf0)  }
0x35c: {  	s23 =	spop (v2sf);
	(v2sf) =	vpush v3, $0xF  }
0x35d: {  	vm3 =	veq.s32 v4, $0xD;
	v4, _, _ =	vpop (xrf0)  }
0x35e: {  	s1 =	spop (v2sf);
	(v2sf) =	vpush v4, $0xF;
	_ =	sdelay $0x1  }
0x35f: {  	s24 =	spop (v2sf)  }
0x360: {  	s1 =	sadd.s32 s24, s1;
	s24 =	simm.s32 $0x30  }
0x361: {  	v6 =	vsel vm3, $0x1, v0;
	v5 =	vld [tilespmem:s24+$0x0]  }
0x362: {  	(xrf0) =	vadd.scan.msk.s32 $0xffff, v6;
	v6 =	vld [tilespmem:s28+$0x1300]  }
0x363: {  	vm0 =	vmmov vm0  }
0x364: {  	s30 =	simm.s32 $0x100;
	vm2 =	vmmov vm1;
	vm0 =	vmmov vm0;
	s23 =	sadd.s32 $0xFFFFFFFF, s1  }
0x365: {  	s31 =	simm.s32 $0x140;
	s29 =	simm.s32 $0x0;
	vm2 =	vmmov vm2;
	vm1 =	vmmov vm0;
	vm0 =	vmmov vm3;
	s1 =	sadd.s32 $0x0, s23  }
.LBB2_32:
0x366: {  	p2 =	sne.s32 s31, $0x7C0;
	v7 =	vadd.s32 s1, v3;
	v3 =	vmov v4  }
0x367: {  	s1 =	sshra.s32 s30, $0x2;
	vm3 =	veq.s32 v5, $0xD;
	s30 =	smov.u32 s31;
	v6 =	vsel vm1, v7, v6;
	vm1 =	vmmov vm2  }
.Ltmp16:
0x368: {  	v7 =	vsel vm3, $0x1, v0;
	vm2 =	vmmov vm0;
	vm0 =	vmmov vm3;
	v5 =	vld [tilespmem:s1+$0x0];
	v4, _, _ =	vpop (xrf0);
	[tilespmem:s28+$0x1300] =	vst v6;
	s28 =	smov.u32 s25;
	s25 =	smov.u32 s26;
	(pc) =	sbr.rel @p2 .LBB2_32-.Ltmp16, $4  }
0x369: {  	s26 =	smov.u32 s24;
	s24 =	smov.u32 s1;
	(xrf0) =	vadd.scan.msk.s32 $0xffff, v7;
	(v2sf) =	vpush v4, $0xF;
	v6 =	vld [tilespmem:s28+$0x1300]  }
0x36a: {  	s1 =	spop (v2sf)  }
0x36b: {  	s29 =	sadd.s32 s29, s1  }
0x36c: {  	s31 =	sadd.s32 $0x40, s31;
	s1 =	sadd.s32 s29, s23  }
0x36d: {  	v3 =	vadd.s32 s1, v3  }
0x36e: {  	s1 =	sshra.s32 s30, $0x2;
	vm3 =	veq.s32 v5, $0xD;
	v3 =	vsel vm1, v3, v6  }
0x36f: {  	v5 =	vld [tilespmem:s1+$0x0];
	v6 =	vsel vm3, $0x1, v0;
	v7, _, _ =	vpop (xrf0);
	[tilespmem:s28+$0x1300] =	vst v3  }
0x370: {  	(xrf0) =	vadd.scan.msk.s32 $0xffff, v6;
	s28 =	spop (v2sf);
	(v2sf) =	vpush v7, $0xF;
	v3 =	vld [tilespmem:s25+$0x1300]  }
0x371: {  	s28 =	sadd.s32 s29, s28  }
0x372: {  	s29 =	sadd.s32 s28, s23  }
0x373: {  	v4 =	vadd.s32 s29, v4  }
0x374: {  	vm1 =	vmmov vm2  }
0x375: {  	v3 =	vsel vm1, v4, v3  }
0x376: {  	v4, _, _ =	vpop (xrf0);
	[tilespmem:s25+$0x1300] =	vst v3  }
0x377: {  	(v2sf) =	vpush v4, $0xF;
	v3 =	vld [tilespmem:s26+$0x1300]  }
0x378: {  	s25 =	spop (v2sf)  }
0x379: {  	s25 =	sadd.s32 s28, s25  }
0x37a: {  	vm0 =	vmmov vm0;
	s28 =	sadd.s32 s25, s23  }
0x37b: {  	vm0 =	vmmov vm0;
	v6 =	vadd.s32 s28, v7  }
0x37c: {  	v3 =	vsel vm0, v6, v3  }
0x37d: {  	[tilespmem:s26+$0x1300] =	vst v3  }
0x37e: {  	v3 =	vld [tilespmem:s24+$0x1300]  }
0x37f: {  	s26 =	spop (v2sf)  }
0x380: {  	vm1 =	vmmov vm3;
	vm0 =	veq.s32 v5, $0xD;
	s25 =	sadd.s32 s25, s26  }
0x381: {  	vm1 =	vmmov vm1;
	v5 =	vsel vm0, $0x1, v0;
	s26 =	sadd.s32 s25, s23  }
0x382: {  	vm1 =	vmmov vm1;
	(xrf0) =	vadd.scan.msk.s32 $0xffff, v5;
	v4 =	vadd.s32 s26, v4  }
0x383: {  	v3 =	vsel vm1, v4, v3  }
0x384: {  	[tilespmem:s24+$0x1300] =	vst v3  }
0x385: {  	v3 =	vld [tilespmem:s1+$0x1300]  }
0x386: {  	s26 =	spop (v2sf)  }
0x387: {  	vm0 =	vmmov vm0;
	s24 =	sadd.s32 s25, s26  }
0x388: {  	vm0 =	vmmov vm0;
	v4, _, _ =	vpop (xrf0);
	s26 =	sadd.s32 s24, s23  }
0x389: {  	vm0 =	vmmov vm0;
	(v2sf) =	vpush v4, $0xF;
	v4 =	vadd.s32 s26, v4  }
0x38a: {  	v3 =	vsel vm0, v4, v3  }
0x38b: {  	s28 =	simm.s32 $0x0;
	[tilespmem:s1+$0x1300] =	vst v3  }
0x38c: {  	v3 =	vld [tilespmem:s28+$0x0]  }
0x38d: {  	s25 =	simm.s32 $0x10;
	(v2sf) =	vpush v2, $0xE  }
0x38e: {  	v4 =	vld [tilespmem:s25+$0x0]  }
0x38f: {  	(v2sf) =	vpush v1, $0xE;
	_ =	sdelay $0x1  }
0x390: {  	vm0 =	veq.s32 v3, $0xE  }
0x391: {  	v3 =	vsel vm0, $0x1, v0  }
0x392: {  	vm1 =	veq.s32 v4, $0xE;
	(xrf0) =	vadd.scan.msk.s32 $0xffff, v3  }
0x393: {  	v3 =	vsel vm1, $0x1, v0  }
0x394: {  	s26 =	simm.s32 $0x20;
	(xrf0) =	vadd.scan.msk.s32 $0xffff, v3  }
0x395: {  	v4 =	vld [tilespmem:s26+$0x0];
	_ =	sdelay $0x2  }
0x396: {  	v3, _, _ =	vpop (xrf0)  }
0x397: {  	s23 =	spop (v2sf);
	(v2sf) =	vpush v3, $0xF  }
0x398: {  	vm3 =	veq.s32 v4, $0xE;
	v4, _, _ =	vpop (xrf0)  }
0x399: {  	s1 =	spop (v2sf);
	(v2sf) =	vpush v4, $0xF;
	_ =	sdelay $0x1  }
0x39a: {  	s24 =	spop (v2sf)  }
0x39b: {  	s1 =	sadd.s32 s24, s1;
	s24 =	simm.s32 $0x30  }
0x39c: {  	v6 =	vsel vm3, $0x1, v0;
	v5 =	vld [tilespmem:s24+$0x0]  }
0x39d: {  	(xrf0) =	vadd.scan.msk.s32 $0xffff, v6;
	v6 =	vld [tilespmem:s28+$0x1300]  }
0x39e: {  	vm0 =	vmmov vm0  }
0x39f: {  	s30 =	simm.s32 $0x100;
	vm2 =	vmmov vm1;
	vm0 =	vmmov vm0;
	s23 =	sadd.s32 $0xFFFFFFFF, s1  }
0x3a0: {  	s31 =	simm.s32 $0x140;
	s29 =	simm.s32 $0x0;
	vm2 =	vmmov vm2;
	vm1 =	vmmov vm0;
	vm0 =	vmmov vm3;
	s1 =	sadd.s32 $0x0, s23  }
.LBB2_34:
0x3a1: {  	p2 =	sne.s32 s31, $0x7C0;
	v7 =	vadd.s32 s1, v3;
	v3 =	vmov v4  }
0x3a2: {  	s1 =	sshra.s32 s30, $0x2;
	vm3 =	veq.s32 v5, $0xE;
	s30 =	smov.u32 s31;
	v6 =	vsel vm1, v7, v6;
	vm1 =	vmmov vm2  }
.Ltmp17:
0x3a3: {  	v7 =	vsel vm3, $0x1, v0;
	vm2 =	vmmov vm0;
	vm0 =	vmmov vm3;
	v5 =	vld [tilespmem:s1+$0x0];
	v4, _, _ =	vpop (xrf0);
	[tilespmem:s28+$0x1300] =	vst v6;
	s28 =	smov.u32 s25;
	s25 =	smov.u32 s26;
	(pc) =	sbr.rel @p2 .LBB2_34-.Ltmp17, $4  }
0x3a4: {  	s26 =	smov.u32 s24;
	s24 =	smov.u32 s1;
	(xrf0) =	vadd.scan.msk.s32 $0xffff, v7;
	(v2sf) =	vpush v4, $0xF;
	v6 =	vld [tilespmem:s28+$0x1300]  }
0x3a5: {  	s1 =	spop (v2sf)  }
0x3a6: {  	s29 =	sadd.s32 s29, s1  }
0x3a7: {  	s31 =	sadd.s32 $0x40, s31;
	s1 =	sadd.s32 s29, s23  }
0x3a8: {  	v3 =	vadd.s32 s1, v3  }
0x3a9: {  	s1 =	sshra.s32 s30, $0x2;
	vm3 =	veq.s32 v5, $0xE;
	v3 =	vsel vm1, v3, v6  }
0x3aa: {  	v5 =	vld [tilespmem:s1+$0x0];
	v6 =	vsel vm3, $0x1, v0;
	v7, _, _ =	vpop (xrf0);
	[tilespmem:s28+$0x1300] =	vst v3  }
0x3ab: {  	(xrf0) =	vadd.scan.msk.s32 $0xffff, v6;
	s28 =	spop (v2sf);
	(v2sf) =	vpush v7, $0xF;
	v3 =	vld [tilespmem:s25+$0x1300]  }
0x3ac: {  	s28 =	sadd.s32 s29, s28  }
0x3ad: {  	s29 =	sadd.s32 s28, s23  }
0x3ae: {  	v4 =	vadd.s32 s29, v4  }
0x3af: {  	vm1 =	vmmov vm2  }
0x3b0: {  	v3 =	vsel vm1, v4, v3  }
0x3b1: {  	v4, _, _ =	vpop (xrf0);
	[tilespmem:s25+$0x1300] =	vst v3  }
0x3b2: {  	(v2sf) =	vpush v4, $0xF;
	v3 =	vld [tilespmem:s26+$0x1300]  }
0x3b3: {  	s25 =	spop (v2sf)  }
0x3b4: {  	s25 =	sadd.s32 s28, s25  }
0x3b5: {  	vm0 =	vmmov vm0;
	s28 =	sadd.s32 s25, s23  }
0x3b6: {  	vm0 =	vmmov vm0;
	v6 =	vadd.s32 s28, v7  }
0x3b7: {  	v3 =	vsel vm0, v6, v3  }
0x3b8: {  	[tilespmem:s26+$0x1300] =	vst v3  }
0x3b9: {  	v3 =	vld [tilespmem:s24+$0x1300]  }
0x3ba: {  	vm0 =	veq.s32 v5, $0xE;
	s26 =	spop (v2sf)  }
0x3bb: {  	vm1 =	vmmov vm3;
	v5 =	vsel vm0, $0x1, v0;
	s25 =	sadd.s32 s25, s26  }
0x3bc: {  	vm1 =	vmmov vm1;
	(xrf0) =	vadd.scan.msk.s32 $0xffff, v5;
	s26 =	sadd.s32 s25, s23  }
0x3bd: {  	vm1 =	vmmov vm1;
	v4 =	vadd.s32 s26, v4  }
0x3be: {  	v3 =	vsel vm1, v4, v3  }
0x3bf: {  	[tilespmem:s24+$0x1300] =	vst v3  }
0x3c0: {  	v3 =	vld [tilespmem:s1+$0x1300]  }
0x3c1: {  	s26 =	spop (v2sf)  }
0x3c2: {  	vm0 =	vmmov vm0;
	v4, _, _ =	vpop (xrf0);
	s24 =	sadd.s32 s25, s26  }
0x3c3: {  	vm0 =	vmmov vm0;
	(v2sf) =	vpush v4, $0xF;
	s26 =	sadd.s32 s24, s23  }
0x3c4: {  	vm0 =	vmmov vm0;
	(v2sf) =	vpush v2, $0xF;
	v2 =	vadd.s32 s26, v4  }
0x3c5: {  	(v2sf) =	vpush v1, $0xF;
	v1 =	vsel vm0, v2, v3  }
0x3c6: {  	s28 =	simm.s32 $0x0;
	[tilespmem:s1+$0x1300] =	vst v1  }
0x3c7: {  	v1 =	vld [tilespmem:s28+$0x0]  }
0x3c8: {  	s25 =	simm.s32 $0x10  }
0x3c9: {  	v2 =	vld [tilespmem:s25+$0x0];
	_ =	sdelay $0x2  }
0x3ca: {  	vm0 =	veq.s32 v1, $0xF  }
0x3cb: {  	v1 =	vsel vm0, $0x1, v0  }
0x3cc: {  	vm1 =	veq.s32 v2, $0xF;
	(xrf0) =	vadd.scan.msk.s32 $0xffff, v1  }
0x3cd: {  	v1 =	vsel vm1, $0x1, v0  }
0x3ce: {  	s26 =	simm.s32 $0x20;
	(xrf0) =	vadd.scan.msk.s32 $0xffff, v1  }
0x3cf: {  	v2 =	vld [tilespmem:s26+$0x0];
	_ =	sdelay $0x2  }
0x3d0: {  	v1, _, _ =	vpop (xrf0)  }
0x3d1: {  	s23 =	spop (v2sf);
	(v2sf) =	vpush v1, $0xF  }
0x3d2: {  	vm3 =	veq.s32 v2, $0xF;
	v2, _, _ =	vpop (xrf0)  }
0x3d3: {  	s1 =	spop (v2sf);
	(v2sf) =	vpush v2, $0xF;
	_ =	sdelay $0x1  }
0x3d4: {  	s24 =	spop (v2sf)  }
0x3d5: {  	s1 =	sadd.s32 s24, s1;
	s24 =	simm.s32 $0x30  }
0x3d6: {  	v4 =	vsel vm3, $0x1, v0;
	v3 =	vld [tilespmem:s24+$0x0]  }
0x3d7: {  	(xrf0) =	vadd.scan.msk.s32 $0xffff, v4;
	v4 =	vld [tilespmem:s28+$0x1300]  }
0x3d8: {  	vm0 =	vmmov vm0  }
0x3d9: {  	s30 =	simm.s32 $0x100;
	vm2 =	vmmov vm1;
	vm0 =	vmmov vm0;
	s23 =	sadd.s32 $0xFFFFFFFF, s1  }
0x3da: {  	s31 =	simm.s32 $0x140;
	s29 =	simm.s32 $0x0;
	vm2 =	vmmov vm2;
	vm1 =	vmmov vm0;
	vm0 =	vmmov vm3;
	s1 =	sadd.s32 $0x0, s23  }
.LBB2_36:
0x3db: {  	p2 =	sne.s32 s31, $0x7C0;
	v5 =	vadd.s32 s1, v1;
	v1 =	vmov v2  }
0x3dc: {  	s1 =	sshra.s32 s30, $0x2;
	vm3 =	veq.s32 v3, $0xF;
	s30 =	smov.u32 s31;
	v4 =	vsel vm1, v5, v4;
	vm1 =	vmmov vm2  }
.Ltmp18:
0x3dd: {  	v5 =	vsel vm3, $0x1, v0;
	vm2 =	vmmov vm0;
	vm0 =	vmmov vm3;
	v3 =	vld [tilespmem:s1+$0x0];
	v2, _, _ =	vpop (xrf0);
	[tilespmem:s28+$0x1300] =	vst v4;
	s28 =	smov.u32 s25;
	s25 =	smov.u32 s26;
	(pc) =	sbr.rel @p2 .LBB2_36-.Ltmp18, $4  }
0x3de: {  	s26 =	smov.u32 s24;
	s24 =	smov.u32 s1;
	(xrf0) =	vadd.scan.msk.s32 $0xffff, v5;
	(v2sf) =	vpush v2, $0xF;
	v4 =	vld [tilespmem:s28+$0x1300]  }
0x3df: {  	s1 =	spop (v2sf)  }
0x3e0: {  	s29 =	sadd.s32 s29, s1  }
0x3e1: {  	s31 =	sadd.s32 $0x40, s31;
	s1 =	sadd.s32 s29, s23  }
0x3e2: {  	v1 =	vadd.s32 s1, v1  }
0x3e3: {  	s1 =	sshra.s32 s30, $0x2;
	vm3 =	veq.s32 v3, $0xF;
	v1 =	vsel vm1, v1, v4  }
0x3e4: {  	v3 =	vld [tilespmem:s1+$0x0];
	v40 =	vsel vm3, $0x1, v0;
	v5, _, _ =	vpop (xrf0);
	[tilespmem:s28+$0x1300] =	vst v1  }
0x3e5: {  	s30 =	spop (v2sf);
	(xrf0) =	vadd.scan.msk.s32 $0xffff, v40;
	(v2sf) =	vpush v5, $0xF;
	v1 =	vld [tilespmem:s25+$0x1300]  }
0x3e6: {  	s28 =	sadd.s32 s29, s30  }
0x3e7: {  	s29 =	sadd.s32 s28, s23  }
0x3e8: {  	v2 =	vadd.s32 s29, v2  }
0x3e9: {  	vm4 =	vmmov vm2  }
0x3ea: {  	v1 =	vsel vm4, v2, v1  }
0x3eb: {  	v2, _, _ =	vpop (xrf0);
	[tilespmem:s25+$0x1300] =	vst v1  }
0x3ec: {  	(v2sf) =	vpush v2, $0xF;
	v1 =	vld [tilespmem:s26+$0x1300]  }
0x3ed: {  	s31 =	spop (v2sf)  }
0x3ee: {  	s25 =	sadd.s32 s28, s31  }
0x3ef: {  	vm0 =	vmmov vm0;
	s28 =	sadd.s32 s25, s23  }
0x3f0: {  	vm0 =	vmmov vm0;
	v41 =	vadd.s32 s28, v5  }
0x3f1: {  	v1 =	vsel vm0, v41, v1  }
0x3f2: {  	[tilespmem:s26+$0x1300] =	vst v1  }
0x3f3: {  	v1 =	vld [tilespmem:s24+$0x1300]  }
0x3f4: {  	s28 =	spop (v2sf)  }
0x3f5: {  	vm5 =	vmmov vm3;
	vm6 =	veq.s32 v3, $0xF;
	s25 =	sadd.s32 s25, s28  }
0x3f6: {  	v3 =	vsel vm6, $0x1, v0;
	vm0 =	vmmov vm5;
	s26 =	sadd.s32 s25, s23  }
0x3f7: {  	(xrf0) =	vadd.scan.msk.s32 $0xffff, v3;
	vm0 =	vmmov vm0;
	v2 =	vadd.s32 s26, v2  }
0x3f8: {  	v1 =	vsel vm0, v2, v1  }
0x3f9: {  	[tilespmem:s24+$0x1300] =	vst v1  }
0x3fa: {  	v1 =	vld [tilespmem:s1+$0x1300]  }
0x3fb: {  	s29 =	spop (v2sf)  }
0x3fc: {  	vm7 =	vmmov vm6;
	s24 =	sadd.s32 s25, s29  }
0x3fd: {  	vm0 =	vmmov vm7;
	v2, _, _ =	vpop (xrf0);
	s30 =	sadd.s32 s24, s23  }
0x3fe: {  	vm0 =	vmmov vm0;
	v3 =	vadd.s32 s30, v2  }
0x3ff: {  	v1 =	vsel vm0, v3, v1  }
0x400: {  	[tilespmem:s1+$0x1300] =	vst v1  }
0x401: {  	v1 =	vld [tilespmem:$0x1300]  }
0x402: {  	v3 =	vld [tilespmem:$0x1310]  }
0x403: {  	v42 =	vld [tilespmem:$0x1320]  }
0x404: {  	v43 =	vld [tilespmem:$0x1330]  }
0x405: {  	v6 =	vld [tilespmem:$0x1340]  }
0x406: {  	v7 =	vld [tilespmem:$0x1350];
	vm8 =	vgt.s32 v1, $0x0  }
0x407: {  	(v2sf) =	vpush v2, $0xF;
	v2 =	vld [tilespmem:$0x1360];
	vm9 =	vgt.s32 v3, $0x0;
	v1 =	vnsel vm8, $0x0, v1  }
0x408: {  	v8 =	vld [tilespmem:$0x1370];
	vm10 =	vgt.s32 v42, $0x0;
	v3 =	vnsel vm9, $0x0, v3;
	v1 =	vmin.u32 v1, $0x5FFF  }
0x409: {  	v44 =	vld [tilespmem:$0x1380];
	vm11 =	vgt.s32 v43, $0x0;
	[tilespmem:$0x1500] =	vst v1;
	v1 =	vmin.u32 v3, $0x5FFF;
	v3 =	vnsel vm10, $0x0, v42  }
0x40a: {  	v45 =	vld [tilespmem:$0x1390];
	vm12 =	vgt.s32 v6, $0x0;
	[tilespmem:$0x1510] =	vst v1;
	v1 =	vmin.u32 v3, $0x5FFF;
	v3 =	vnsel vm11, $0x0, v43  }
0x40b: {  	v46 =	vld [tilespmem:$0x13A0];
	vm13 =	vgt.s32 v7, $0x0;
	[tilespmem:$0x1520] =	vst v1;
	v1 =	vmin.u32 v3, $0x5FFF;
	v3 =	vnsel vm12, $0x0, v6  }
0x40c: {  	v47 =	vld [tilespmem:$0x13B0];
	vm14 =	vgt.s32 v2, $0x0;
	[tilespmem:$0x1530] =	vst v1;
	v1 =	vmin.u32 v3, $0x5FFF;
	v3 =	vnsel vm13, $0x0, v7  }
0x40d: {  	vm15 =	vgt.s32 v8, $0x0;
	v2 =	vnsel vm14, $0x0, v2;
	[tilespmem:$0x1540] =	vst v1;
	v1 =	vmin.u32 v3, $0x5FFF;
	v3 =	vld [tilespmem:$0x13C0]  }
0x40e: {  	v48 =	vld [tilespmem:$0x13D0];
	vm4 =	vgt.s32 v44, $0x0;
	[tilespmem:$0x1550] =	vst v1;
	v1 =	vmin.u32 v2, $0x5FFF;
	v2 =	vnsel vm15, $0x0, v8  }
0x40f: {  	v49 =	vld [tilespmem:$0x13E0];
	vm5 =	vgt.s32 v45, $0x0;
	[tilespmem:$0x1560] =	vst v1;
	v1 =	vmin.u32 v2, $0x5FFF;
	v2 =	vnsel vm4, $0x0, v44  }
0x410: {  	v50 =	vld [tilespmem:$0x13F0];
	vm6 =	vgt.s32 v46, $0x0;
	[tilespmem:$0x1570] =	vst v1;
	v1 =	vmin.u32 v2, $0x5FFF;
	v2 =	vnsel vm5, $0x0, v45  }
0x411: {  	v51 =	vld [tilespmem:$0x1400];
	vm7 =	vgt.s32 v47, $0x0;
	[tilespmem:$0x1580] =	vst v1;
	v1 =	vmin.u32 v2, $0x5FFF;
	v2 =	vnsel vm6, $0x0, v46  }
0x412: {  	v52 =	vld [tilespmem:$0x1410];
	[tilespmem:$0x1590] =	vst v1;
	v1 =	vmin.u32 v2, $0x5FFF;
	v2 =	vnsel vm7, $0x0, v47;
	vm8 =	vgt.s32 v3, $0x0  }
0x413: {  	vm9 =	vgt.s32 v48, $0x0;
	[tilespmem:$0x15A0] =	vst v1;
	v1 =	vmin.u32 v2, $0x5FFF;
	v2 =	vnsel vm8, $0x0, v3;
	v3 =	vld [tilespmem:$0x1420]  }
0x414: {  	v53 =	vld [tilespmem:$0x1430];
	vm10 =	vgt.s32 v49, $0x0;
	[tilespmem:$0x15B0] =	vst v1;
	v1 =	vmin.u32 v2, $0x5FFF;
	v2 =	vnsel vm9, $0x0, v48  }
0x415: {  	v54 =	vld [tilespmem:$0x1440];
	vm11 =	vgt.s32 v50, $0x0;
	[tilespmem:$0x15C0] =	vst v1;
	v1 =	vmin.u32 v2, $0x5FFF;
	v2 =	vnsel vm10, $0x0, v49  }
0x416: {  	v55 =	vld [tilespmem:$0x1450];
	vm12 =	vgt.s32 v51, $0x0;
	[tilespmem:$0x15D0] =	vst v1;
	v1 =	vmin.u32 v2, $0x5FFF;
	v2 =	vnsel vm11, $0x0, v50  }
0x417: {  	v56 =	vld [tilespmem:$0x1460];
	vm13 =	vgt.s32 v52, $0x0;
	[tilespmem:$0x15E0] =	vst v1;
	v1 =	vmin.u32 v2, $0x5FFF;
	v2 =	vnsel vm12, $0x0, v51  }
0x418: {  	v57 =	vld [tilespmem:$0x1470];
	[tilespmem:$0x15F0] =	vst v1;
	v1 =	vmin.u32 v2, $0x5FFF;
	v2 =	vnsel vm13, $0x0, v52;
	vm14 =	vgt.s32 v3, $0x0  }
0x419: {  	vm15 =	vgt.s32 v53, $0x0;
	[tilespmem:$0x1600] =	vst v1;
	v1 =	vmin.u32 v2, $0x5FFF;
	v2 =	vnsel vm14, $0x0, v3;
	v3 =	vld [tilespmem:$0x1480]  }
0x41a: {  	v58 =	vld [tilespmem:$0x1490];
	vm4 =	vgt.s32 v54, $0x0;
	[tilespmem:$0x1610] =	vst v1;
	v1 =	vmin.u32 v2, $0x5FFF;
	v2 =	vnsel vm15, $0x0, v53  }
0x41b: {  	v59 =	vld [tilespmem:$0x14A0];
	vm5 =	vgt.s32 v55, $0x0;
	[tilespmem:$0x1620] =	vst v1;
	v1 =	vmin.u32 v2, $0x5FFF;
	v2 =	vnsel vm4, $0x0, v54  }
0x41c: {  	v60 =	vld [tilespmem:$0x14B0];
	vm6 =	vgt.s32 v56, $0x0;
	[tilespmem:$0x1630] =	vst v1;
	v1 =	vmin.u32 v2, $0x5FFF;
	v2 =	vnsel vm5, $0x0, v55  }
0x41d: {  	v61 =	vld [tilespmem:$0x14C0];
	vm7 =	vgt.s32 v57, $0x0;
	[tilespmem:$0x1640] =	vst v1;
	v1 =	vmin.u32 v2, $0x5FFF;
	v2 =	vnsel vm6, $0x0, v56  }
0x41e: {  	v62 =	vld [tilespmem:$0x14D0];
	[tilespmem:$0x1650] =	vst v1;
	v1 =	vmin.u32 v2, $0x5FFF;
	v2 =	vnsel vm7, $0x0, v57;
	vm8 =	vgt.s32 v3, $0x0  }
0x41f: {  	vm9 =	vgt.s32 v58, $0x0;
	[tilespmem:$0x1660] =	vst v1;
	v1 =	vmin.u32 v2, $0x5FFF;
	v2 =	vnsel vm8, $0x0, v3;
	v3 =	vld [tilespmem:$0x14E0]  }
0x420: {  	v63 =	vld [tilespmem:$0x14F0];
	vm10 =	vgt.s32 v59, $0x0;
	[tilespmem:$0x1670] =	vst v1;
	v1 =	vmin.u32 v2, $0x5FFF;
	v2 =	vnsel vm9, $0x0, v58  }
0x421: {  	vm11 =	vgt.s32 v60, $0x0;
	[tilespmem:$0x1680] =	vst v1;
	v1 =	vmin.u32 v2, $0x5FFF;
	v2 =	vnsel vm10, $0x0, v59  }
0x422: {  	vm12 =	vgt.s32 v61, $0x0;
	[tilespmem:$0x1690] =	vst v1;
	v1 =	vmin.u32 v2, $0x5FFF;
	v2 =	vnsel vm11, $0x0, v60  }
0x423: {  	vm13 =	vgt.s32 v62, $0x0;
	[tilespmem:$0x16A0] =	vst v1;
	v1 =	vmin.u32 v2, $0x5FFF;
	v2 =	vnsel vm12, $0x0, v61  }
0x424: {  	[tilespmem:$0x16B0] =	vst v1;
	v1 =	vmin.u32 v2, $0x5FFF;
	v2 =	vnsel vm13, $0x0, v62;
	vm14 =	vgt.s32 v3, $0x0  }
0x425: {  	vm15 =	vgt.s32 v63, $0x0;
	[tilespmem:$0x16C0] =	vst v1;
	v1 =	vmin.u32 v2, $0x5FFF;
	v2 =	vnsel vm14, $0x0, v3  }
0x426: {  	[tilespmem:$0x16D0] =	vst v1;
	v1 =	vmin.u32 v2, $0x5FFF;
	v2 =	vnsel vm15, $0x0, v63  }
0x427: {  	[tilespmem:$0x16E0] =	vst v1;
	v1 =	vmin.u32 v2, $0x5FFF  }
0x428: {  	s31 =	spop (v2sf);
	[tilespmem:$0x16F0] =	vst v1  }
0x429: {  	_ =	swait.ge [sflag:s12], $0x10000  }
0x42a: {  	[sflag:s12] =	ssyncset.done $0x0  }
0x42b: {  	[sflag:s12] =	ssyncadd.s32 $0xFFFF0000  }
0x42c: {  	[hbm4b:s2+s13] =	stream.indirect.scatter [tilespmem:s10], [sflag:$0x2], $0x80, s14, s13, $0xb8;
	[tilespmem:$0x11700] =	vst v63  }
0x42d: {  	_ = 	snop  }
0x42e: {  	[hbm4b:s2+s13] =	stream.indirect.scatter [tilespmem:s16], [sflag:$0x2], $0x80, s15, s13, $0xb8;
	[tilespmem:$0x11700] =	vst v63  }
0x42f: {  	_ = 	snop  }
0x430: {  	[hbm4b:s2+s13] =	stream.indirect.scatter [tilespmem:s18], [sflag:$0x2], $0x80, s17, s13, $0xb8;
	[tilespmem:$0x11700] =	vst v63  }
0x431: {  	_ = 	snop  }
0x432: {  	[hbm4b:s2+s13] =	stream.indirect.scatter [tilespmem:s20], [sflag:$0x2], $0x80, s19, s13, $0xb8;
	[tilespmem:$0x11700] =	vst v63  }
0x433: {  	_ =	swait.ge [sflag:s21], $0x4000  }
0x434: {  	[sflag:s21] =	ssyncset.done $0x0  }
0x435: {  	[sflag:s21] =	ssyncadd.s32 $0xFFFFC000  }
0x436: {  	_ =	swait.ge [sflag:s21], $0x4000  }
0x437: {  	[sflag:s21] =	ssyncset.done $0x0  }
0x438: {  	s22 =	sadd.s32 $0x1, s22;
	[sflag:s21] =	ssyncadd.s32 $0xFFFFC000  }
0x439: {  	p2 =	sne.s32 s22, s9;
	_ =	swait.ge [sflag:s21], $0x4000  }
.Ltmp19:
0x43a: {  	[sflag:s21] =	ssyncset.done $0x0;
	(pc) =	sbr.rel @p2 .LBB2_1-.Ltmp19, $4  }
0x43b: {  	[sflag:s21] =	ssyncadd.s32 $0xFFFFC000  }
0x43c: {  	_ =	swait.ge [sflag:s21], $0x4000  }
0x43d: {  	[sflag:s21] =	ssyncset.done $0x0  }
0x43e: {  	[sflag:s21] =	ssyncadd.s32 $0xFFFFC000  }
0x43f: {  	_ =	sfence.sel $0x180000  }
0x440: {  	[bflag:$0x0] =	sbarrier.arrive $0xFFFF  }
0x441: {  	_ =	strace $0x9000004A  }
0x442: {  	[bflag:$0x2] =	sbarrier.arrive $0xFFFF  }
0x443: {  	p0 =	sne.s32 s0, $0x0;
	s0 =	rddreg [dreg:$0x3]  }
0x444: {  	s0 =	sadd.s32 @!p0 $0x100000, s0  }
0x445: {  	[sflag:s0] =	ssyncadd.tile.s32 @!p0 $0x1;
	_ =	shalt  }
.Lfunc_end2:
_tile_overlayer_lowered:
.L_overlay_start_2:
0x446: {  	(tag) =	ssettag $0x2  }
0x447: {  	s0 =	rddreg [dreg:$0x0];
	s2 =	stileid.u32  }
0x448: {  	s1 =	rddreg [dreg:$0x1];
	p0 =	sne.s32 s2, $0x0  }
0x449: {  	s3 =	rddreg [dreg:$0x2];
	[bflag:$0x3] =	sbarrier.arrive $0xFFFF;
	s2 =	simm.s32 @!p0 $0x1C03  }
0x44a: {  	[timem:s3], [sflag:s2] =	dma.local @!p0 [hbm:s0], s1  }
0x44b: {  	s0 =	simm.s32 @!p0 $0x3  }
0x44c: {  	_ =	swait.ge @!p0 [sflag:s0], s1  }
0x44d: {  	s1 =	ssub.s32 @!p0 $0x0, s1;
	[sflag:s0] =	ssyncset.done @!p0 $0x0  }
0x44e: {  	[sflag:s0] =	ssyncadd.s32 @!p0 s1  }
0x44f: {  	[bflag:$0x3] =	sbarrier.arrive $0xFFFF  }
0x450: {  	_ =	shalt  }

</sc_bundles>
